<compile_context>
chip_gen: v7x
topology: tpu7x:2x2x1
jax: 0.10.2.dev20260603
libtpu: 0.0.44.dev20260713+nightly
codegen_flags: <defaults>
</compile_context>

<pallas_src>
import functools

import jax
import jax.numpy as jnp
from jax import lax
from jax.experimental import pallas as pl
from jax.experimental.pallas import tpu as pltpu
from jax.experimental.pallas import tpu_sc as plsc

N = 10000
D = 128
E = 320000
NTILE = 16
CHUNK = 120
K = 168
KB = 8
NBUF = 2
NSTAGE = K // KB
EPAD = NTILE * K * CHUNK
ROWS_PT = 632
NPAD = NTILE * ROWS_PT

_SPANS = []
_r = 0
while _r < ROWS_PT:
    _SPANS.append((_r, min(CHUNK, ROWS_PT - _r)))
    _r += CHUNK


def _sc_body(with_counts, *refs):
    if with_counts:
        (tab, sd_all, zfeat, ones_hbm,
         agg, cnt,
         acc, sdidx, *bufsems) = refs
    else:
        (tab, sd_all, zfeat,
         agg,
         acc, sdidx, *bufsems) = refs
        cnt = None
    bufs = bufsems[:NBUF]
    sems = bufsems[NBUF:]
    rows = bufs[0]

    core = lax.axis_index("c")
    sid = lax.axis_index("s")
    rbase = sid * ROWS_PT
    gbase = (core * (NTILE * NSTAGE) + sid * NSTAGE) * 2 * KB
    obase = core * NPAD + rbase

    def sidx(j):
        return sdidx.at[j]

    def didx(j):
        return sdidx.at[KB + j]

    def zero_acc_slice():
        pltpu.sync_copy(zfeat, rows)
        for (o, l) in _SPANS:
            pltpu.sync_copy(rows.at[pl.ds(0, l)], acc.at[pl.ds(rbase + o, l)])

    def copy_out(dst_hbm):
        for (o, l) in _SPANS:
            pltpu.sync_copy(acc.at[pl.ds(rbase + o, l)], rows.at[pl.ds(0, l)])
            pltpu.sync_copy(rows.at[pl.ds(0, l)], dst_hbm.at[pl.ds(obase + o, l)])

    if with_counts:
        zero_acc_slice()
        pltpu.sync_copy(ones_hbm, rows)
        plsc.subcore_barrier()

        def cstage(s, carry):
            pltpu.sync_copy(sd_all.at[pl.ds(gbase + s * 2 * KB, 2 * KB)], sdidx)

            def cbody(j, c2):
                pltpu.sync_copy(rows, acc.at[didx(j)], add=True)
                return c2

            return lax.fori_loop(0, KB, cbody, carry)

        lax.fori_loop(0, NSTAGE, cstage, 0)
        plsc.subcore_barrier()
        copy_out(cnt)

    zero_acc_slice()
    plsc.subcore_barrier()

    def pump(j, b):
        @pl.when(j + NBUF < KB)
        def _():
            pltpu.async_copy(tab.at[sidx(j + NBUF)], bufs[b], sems[b])

    def stage(s, carry):
        pltpu.sync_copy(sd_all.at[pl.ds(gbase + s * 2 * KB, 2 * KB)], sdidx)
        for b in range(NBUF):
            pltpu.async_copy(tab.at[sidx(b)], bufs[b], sems[b])

        def body(t, c2):
            for b in range(NBUF):
                j = NBUF * t + b
                pltpu.make_async_copy(tab.at[sidx(j)],
                                      bufs[b], sems[b]).wait()
                pltpu.sync_copy(bufs[b], acc.at[didx(j)], add=True)
                pump(j, b)
            return c2

        return lax.fori_loop(0, KB // NBUF, body, carry)

    lax.fori_loop(0, NSTAGE, stage, 0)
    plsc.subcore_barrier()
    copy_out(agg)


def _make_sc_call(with_counts):
    n_out = 2 if with_counts else 1
    out_type = [jax.ShapeDtypeStruct((2 * NPAD, D), jnp.float32)] * n_out
    scratch = [
        pltpu.VMEM_SHARED((NPAD, D), jnp.float32),
        pltpu.VMEM((2 * KB, CHUNK), jnp.int32),
    ]
    scratch += [pltpu.VMEM((CHUNK, D), jnp.float32)] * NBUF
    scratch += [pltpu.SemaphoreType.DMA] * NBUF
    mesh = plsc.VectorSubcoreMesh(core_axis_name="c", subcore_axis_name="s")
    return pl.kernel(
        functools.partial(_sc_body, with_counts),
        out_type=out_type,
        mesh=mesh,
        scratch_types=scratch,
    )


_sc_layer0 = _make_sc_call(True)
_sc_layer1 = _make_sc_call(False)


_TC_BLK = 1264
_TC_GRID = 2 * NPAD // _TC_BLK
_HALF = _TC_GRID // 2


def _tc_body(relu, agg_ref, cnt_ref, x_ref, wl_ref, wr_ref, b_ref, o_ref):
    c = jnp.maximum(cnt_ref[:, 0:1], 1.0)
    mean = agg_ref[...] / c
    acc = jnp.dot(mean, wl_ref[0], preferred_element_type=jnp.float32)
    acc = acc + jnp.dot(x_ref[...], wr_ref[0], preferred_element_type=jnp.float32)
    acc = acc + b_ref[0]
    if relu:
        acc = jnp.maximum(acc, 0.0)
    o_ref[...] = acc


def _tc_update(agg, cnt, xs, Wl2, Wr2, b2, relu, swap_out):
    if swap_out:
        out_spec = pl.BlockSpec((_TC_BLK, D),
                                lambda i: ((i + _HALF) % _TC_GRID, 0))
    else:
        out_spec = pl.BlockSpec((_TC_BLK, D), lambda i: (i, 0))
    return pl.pallas_call(
        functools.partial(_tc_body, relu),
        grid=(_TC_GRID,),
        in_specs=[
            pl.BlockSpec((_TC_BLK, D), lambda i: (i, 0)),
            pl.BlockSpec((_TC_BLK, D), lambda i: (i, 0)),
            pl.BlockSpec((_TC_BLK, D), lambda i: ((i + _HALF) % _TC_GRID, 0)),
            pl.BlockSpec((1, D, D), lambda i: (i // _HALF, 0, 0)),
            pl.BlockSpec((1, D, D), lambda i: (i // _HALF, 0, 0)),
            pl.BlockSpec((1, 1, D), lambda i: (i // _HALF, 0, 0)),
        ],
        out_specs=out_spec,
        out_shape=jax.ShapeDtypeStruct((2 * NPAD, D), jnp.float32),
    )(agg, cnt, xs, Wl2, Wr2, b2)


def _prep_edges(ei, src_off):
    src = ei[0].astype(jnp.int32) + src_off
    dst = ei[1].astype(jnp.int32)
    pad = EPAD - E
    src = jnp.concatenate([src, jnp.full((pad,), src_off, jnp.int32)])
    dst = jnp.concatenate([dst, jnp.full((pad,), N, jnp.int32)])
    return src.reshape(NTILE * K, CHUNK), dst.reshape(NTILE * K, CHUNK)


def kernel(x_user, x_item, ei_u2i, ei_i2u,
           W_l_l0_u2i, W_r_l0_u2i, b_l0_u2i,
           W_l_l0_i2u, W_r_l0_i2u, b_l0_i2u,
           W_l_l1_u2i, W_r_l1_u2i, b_l1_u2i,
           W_l_l1_i2u, W_r_l1_i2u, b_l1_i2u):
    s0, d0 = _prep_edges(ei_u2i, 0)
    s1, d1 = _prep_edges(ei_i2u, NPAD)
    s_all = jnp.concatenate([s0, s1])
    d_all = jnp.concatenate([d0, d1])
    sd_all = jnp.concatenate(
        [s_all.reshape(-1, 1, KB, CHUNK), d_all.reshape(-1, 1, KB, CHUNK)],
        axis=1).reshape(-1, CHUNK)
    zp = jnp.zeros((NPAD - N, D), jnp.float32)
    xs = jnp.concatenate([x_user, zp, x_item, zp])
    zfeat = jnp.zeros((CHUNK, D), jnp.float32)
    ones = jnp.ones((CHUNK, D), jnp.float32)
    Wl0 = jnp.stack([W_l_l0_u2i, W_l_l0_i2u])
    Wr0 = jnp.stack([W_r_l0_u2i, W_r_l0_i2u])
    b0 = jnp.stack([b_l0_u2i, b_l0_i2u])[:, None, :]
    Wl1 = jnp.stack([W_l_l1_u2i, W_l_l1_i2u])
    Wr1 = jnp.stack([W_r_l1_u2i, W_r_l1_i2u])
    b1 = jnp.stack([b_l1_u2i, b_l1_i2u])[:, None, :]

    agg0, cnt = _sc_layer0(xs, sd_all, zfeat, ones)
    h = _tc_update(agg0, cnt, xs, Wl0, Wr0, b0, relu=True, swap_out=True)

    (agg1,) = _sc_layer1(h, sd_all, zfeat)
    out = _tc_update(agg1, cnt, h, Wl1, Wr1, b1, relu=False, swap_out=False)
    return (out[NPAD:NPAD + N], out[:N])

# --- scband reference (transcript-rebuilt; emitter-appended) ---
"""Pipeline reference for scband-hetero-graph-sage-49950469652729 (READ-ONLY COPY).

The authoritative reference and input builder live on the scoring server;
editing this copy changes nothing except your own understanding.
"""

import jax, jax.numpy as jnp
import numpy as np

N_USER = 10000
N_ITEM = 10000
E = 320000
D_IN = 128
D_HID = 128
D_OUT = 128


def _mk_w(key, din, dout):
    return jax.random.normal(key, (din, dout), dtype=jnp.float32) * (1.0 / np.sqrt(din))


def setup_inputs(seed: int = 0):
    key = jax.random.key(seed)
    ks = jax.random.split(key, 32)
    inp = {}
    inp['x_user'] = jax.random.normal(ks[0], (N_USER, D_IN), dtype=jnp.float32)
    inp['x_item'] = jax.random.normal(ks[1], (N_ITEM, D_IN), dtype=jnp.float32)
    # row 0 = src indices, row 1 = dst indices
    inp['ei_u2i'] = jax.random.randint(ks[2], (2, E), 0, N_USER)
    inp['ei_i2u'] = jax.random.randint(ks[3], (2, E), 0, N_ITEM)
    i = 4
    dims = {'l0': (D_IN, D_HID), 'l1': (D_HID, D_OUT)}
    for layer in ['l0', 'l1']:
        din, dout = dims[layer]
        for et in ['u2i', 'i2u']:
            inp['W_l_%s_%s' % (layer, et)] = _mk_w(ks[i], din, dout); i += 1
            inp['W_r_%s_%s' % (layer, et)] = _mk_w(ks[i], din, dout); i += 1
            inp['b_%s_%s' % (layer, et)] = jnp.zeros((dout,), dtype=jnp.float32)
    return inp


def _sage(x_src, x_dst, ei, W_l, W_r, b):
    # PyG-style SAGEConv with mean aggregation:
    #   out = lin_l(mean_{j in N(i)} x_src[j]) + lin_r(x_dst[i])
    src = ei[0]
    dst = ei[1]
    msg = jnp.take(x_src, src, axis=0)
    n_dst = x_dst.shape[0]
    s = jax.ops.segment_sum(msg, dst, num_segments=n_dst)
    cnt = jax.ops.segment_sum(jnp.ones((src.shape[0],), dtype=x_src.dtype), dst, num_segments=n_dst)
    mean = s / jnp.maximum(cnt, 1.0)[:, None]
    return mean @ W_l + x_dst @ W_r + b


def reference(x_user, x_item, ei_u2i, ei_i2u,
              W_l_l0_u2i, W_r_l0_u2i, b_l0_u2i,
              W_l_l0_i2u, W_r_l0_i2u, b_l0_i2u,
              W_l_l1_u2i, W_r_l1_u2i, b_l1_u2i,
              W_l_l1_i2u, W_r_l1_i2u, b_l1_i2u):
    # layer 0: each dst node type receives exactly one relation's contribution
    # (torch code sums into zero-initialized agg; with one relation per dst it equals the conv output)
    agg_item = _sage(x_user, x_item, ei_u2i, W_l_l0_u2i, W_r_l0_u2i, b_l0_u2i)
    agg_user = _sage(x_item, x_user, ei_i2u, W_l_l0_i2u, W_r_l0_i2u, b_l0_i2u)
    h_user = jax.nn.relu(agg_user)   # dropout p=0.0 -> identity
    h_item = jax.nn.relu(agg_item)
    # layer 1 (output layer, no relu/dropout)
    out_item = _sage(h_user, h_item, ei_u2i, W_l_l1_u2i, W_r_l1_u2i, b_l1_u2i)
    out_user = _sage(h_item, h_user, ei_i2u, W_l_l1_i2u, W_r_l1_i2u, b_l1_i2u)
    return (out_user, out_item)

if __name__ == "__main__":
    import jax
    _d = setup_inputs()
    print(jax.jit(kernel)(*tuple(_d.values())))

</pallas_src>

<mosaic_0001>
#map = affine_map<(d0, d1) -> (0, 0)>
module attributes {stable_mosaic.version = 14 : i64} {
  func.func @_sc_body(%arg0: i32, %arg1: i32, %arg2: memref<20224x128xf32, #tpu.memory_space<hbm>>, %arg3: memref<10752x120xi32, #tpu.memory_space<hbm>>, %arg4: memref<120x128xf32, #tpu.memory_space<hbm>>, %arg5: memref<20224x128xf32, #tpu.memory_space<hbm>>, %arg6: memref<10112x128xf32, #tpu.memory_space<vmem_shared>>, %arg7: memref<16x120xi32, #tpu.memory_space<vmem>>, %arg8: memref<120x128xf32, #tpu.memory_space<vmem>>, %arg9: memref<120x128xf32, #tpu.memory_space<vmem>>, %arg10: memref<!tpu.dma_semaphore, #tpu.memory_space<semaphore_mem>>, %arg11: memref<!tpu.dma_semaphore, #tpu.memory_space<semaphore_mem>>) attributes {dimension_semantics = [#tpu.dimension_semantics<core_parallel>, #tpu.dimension_semantics<subcore_parallel>], iteration_bounds = array<i64: 2, 16>, scalar_prefetch = 0 : i64, scratch_operands = 6 : i64, tpu.core_type = #tpu.core_type<sc_vector_subcore>, window_params = [{transform_indices = #map}, {transform_indices = #map}, {transform_indices = #map}, {transform_indices = #map}]} {
    %mul3A = arith.constant 632 : i32
    %mul3A_0 = arith.muli %arg1, %mul3A : i32
    %mul3A_1 = arith.constant 336 : i32
    %mul3A_2 = arith.muli %arg0, %mul3A_1 : i32
    %mul3A_3 = arith.constant 21 : i32
    %mul3A_4 = arith.muli %arg1, %mul3A_3 : i32
    %add3A = arith.addi %mul3A_2, %mul3A_4 : i32
    %mul3A_5 = arith.constant 2 : i32
    %mul3A_6 = arith.muli %add3A, %mul3A_5 : i32
    %mul3A_7 = arith.constant 8 : i32
    %mul3A_8 = arith.muli %mul3A_6, %mul3A_7 : i32
    %mul3A_9 = arith.constant 10112 : i32
    %mul3A_10 = arith.muli %arg0, %mul3A_9 : i32
    %add3A_11 = arith.addi %mul3A_10, %mul3A_0 : i32
    "tpu.region"() ({
      %run_scoped3A = tpu.sem_alloc : memref<!tpu.dma_semaphore, #tpu.memory_space<semaphore_mem>>
      tpu.enqueue_dma source(%arg4 : memref<120x128xf32, #tpu.memory_space<hbm>>) target(%arg8 : memref<120x128xf32, #tpu.memory_space<vmem>>) target_semaphore(%run_scoped3A : memref<!tpu.dma_semaphore, #tpu.memory_space<semaphore_mem>>)
      tpu.wait_dma2 semaphore(%run_scoped3A : memref<!tpu.dma_semaphore, #tpu.memory_space<semaphore_mem>>) src(%arg4 : memref<120x128xf32, #tpu.memory_space<hbm>>) dst(%arg8 : memref<120x128xf32, #tpu.memory_space<vmem>>)
      tpu.yield
    }) : () -> ()
    %add3A_12 = arith.constant 0 : i32
    %add3A_13 = arith.addi %mul3A_0, %add3A_12 : i32
    "tpu.region"() ({
      %run_scoped3A = tpu.sem_alloc : memref<!tpu.dma_semaphore, #tpu.memory_space<semaphore_mem>>
      %dma_start3A = arith.constant 0 : i32
      %dma_start3A_54 = arith.constant 0 : i32
      %dma_start3A_55 = tpu.memref_slice %arg8[%dma_start3A, %dma_start3A_54] : memref<120x128xf32, #tpu.memory_space<vmem>> -> memref<120x128xf32, #tpu.memory_space<vmem>>
      %dma_start3A_56 = arith.constant 0 : i32
      %dma_start3A_57 = tpu.memref_slice %arg6[%add3A_13, %dma_start3A_56] : memref<10112x128xf32, #tpu.memory_space<vmem_shared>> -> memref<120x128xf32, #tpu.memory_space<vmem_shared>>
      %dma_start3A_58 = arith.constant 0 : i32
      %dma_start3A_59 = tpu.memref_slice %arg6[%add3A_13, %dma_start3A_58] : memref<10112x128xf32, #tpu.memory_space<vmem_shared>> -> memref<120x128xf32, #tpu.memory_space<vmem_shared>>
      %dma_start3A_60 = arith.constant 0 : i32
      %dma_start3A_61 = arith.constant 0 : i32
      %dma_start3A_62 = tpu.memref_slice %arg8[%dma_start3A_60, %dma_start3A_61] : memref<120x128xf32, #tpu.memory_space<vmem>> -> memref<120x128xf32, #tpu.memory_space<vmem>>
      tpu.enqueue_dma source(%dma_start3A_62 : memref<120x128xf32, #tpu.memory_space<vmem>>) target(%dma_start3A_59 : memref<120x128xf32, #tpu.memory_space<vmem_shared>>) target_semaphore(%run_scoped3A : memref<!tpu.dma_semaphore, #tpu.memory_space<semaphore_mem>>)
      %dma_wait3A = arith.constant 0 : i32
      %dma_wait3A_63 = arith.constant 0 : i32
      %dma_wait3A_64 = tpu.memref_slice %arg8[%dma_wait3A, %dma_wait3A_63] : memref<120x128xf32, #tpu.memory_space<vmem>> -> memref<120x128xf32, #tpu.memory_space<vmem>>
      %dma_wait3A_65 = arith.constant 0 : i32
      %dma_wait3A_66 = tpu.memref_slice %arg6[%add3A_13, %dma_wait3A_65] : memref<10112x128xf32, #tpu.memory_space<vmem_shared>> -> memref<120x128xf32, #tpu.memory_space<vmem_shared>>
      %dma_wait3A_67 = arith.constant 0 : i32
      %dma_wait3A_68 = tpu.memref_slice %arg6[%add3A_13, %dma_wait3A_67] : memref<10112x128xf32, #tpu.memory_space<vmem_shared>> -> memref<120x128xf32, #tpu.memory_space<vmem_shared>>
      %dma_wait3A_69 = arith.constant 0 : i32
      %dma_wait3A_70 = arith.constant 0 : i32
      %dma_wait3A_71 = tpu.memref_slice %arg8[%dma_wait3A_69, %dma_wait3A_70] : memref<120x128xf32, #tpu.memory_space<vmem>> -> memref<120x128xf32, #tpu.memory_space<vmem>>
      tpu.wait_dma2 semaphore(%run_scoped3A : memref<!tpu.dma_semaphore, #tpu.memory_space<semaphore_mem>>) src(%dma_wait3A_71 : memref<120x128xf32, #tpu.memory_space<vmem>>) dst(%dma_wait3A_68 : memref<120x128xf32, #tpu.memory_space<vmem_shared>>)
      tpu.yield
    }) : () -> ()
    %add3A_14 = arith.constant 120 : i32
    %add3A_15 = arith.addi %mul3A_0, %add3A_14 : i32
    "tpu.region"() ({
      %run_scoped3A = tpu.sem_alloc : memref<!tpu.dma_semaphore, #tpu.memory_space<semaphore_mem>>
      %dma_start3A = arith.constant 0 : i32
      %dma_start3A_54 = arith.constant 0 : i32
      %dma_start3A_55 = tpu.memref_slice %arg8[%dma_start3A, %dma_start3A_54] : memref<120x128xf32, #tpu.memory_space<vmem>> -> memref<120x128xf32, #tpu.memory_space<vmem>>
      %dma_start3A_56 = arith.constant 0 : i32
      %dma_start3A_57 = tpu.memref_slice %arg6[%add3A_15, %dma_start3A_56] : memref<10112x128xf32, #tpu.memory_space<vmem_shared>> -> memref<120x128xf32, #tpu.memory_space<vmem_shared>>
      %dma_start3A_58 = arith.constant 0 : i32
      %dma_start3A_59 = tpu.memref_slice %arg6[%add3A_15, %dma_start3A_58] : memref<10112x128xf32, #tpu.memory_space<vmem_shared>> -> memref<120x128xf32, #tpu.memory_space<vmem_shared>>
      %dma_start3A_60 = arith.constant 0 : i32
      %dma_start3A_61 = arith.constant 0 : i32
      %dma_start3A_62 = tpu.memref_slice %arg8[%dma_start3A_60, %dma_start3A_61] : memref<120x128xf32, #tpu.memory_space<vmem>> -> memref<120x128xf32, #tpu.memory_space<vmem>>
      tpu.enqueue_dma source(%dma_start3A_62 : memref<120x128xf32, #tpu.memory_space<vmem>>) target(%dma_start3A_59 : memref<120x128xf32, #tpu.memory_space<vmem_shared>>) target_semaphore(%run_scoped3A : memref<!tpu.dma_semaphore, #tpu.memory_space<semaphore_mem>>)
      %dma_wait3A = arith.constant 0 : i32
      %dma_wait3A_63 = arith.constant 0 : i32
      %dma_wait3A_64 = tpu.memref_slice %arg8[%dma_wait3A, %dma_wait3A_63] : memref<120x128xf32, #tpu.memory_space<vmem>> -> memref<120x128xf32, #tpu.memory_space<vmem>>
      %dma_wait3A_65 = arith.constant 0 : i32
      %dma_wait3A_66 = tpu.memref_slice %arg6[%add3A_15, %dma_wait3A_65] : memref<10112x128xf32, #tpu.memory_space<vmem_shared>> -> memref<120x128xf32, #tpu.memory_space<vmem_shared>>
      %dma_wait3A_67 = arith.constant 0 : i32
      %dma_wait3A_68 = tpu.memref_slice %arg6[%add3A_15, %dma_wait3A_67] : memref<10112x128xf32, #tpu.memory_space<vmem_shared>> -> memref<120x128xf32, #tpu.memory_space<vmem_shared>>
      %dma_wait3A_69 = arith.constant 0 : i32
      %dma_wait3A_70 = arith.constant 0 : i32
      %dma_wait3A_71 = tpu.memref_slice %arg8[%dma_wait3A_69, %dma_wait3A_70] : memref<120x128xf32, #tpu.memory_space<vmem>> -> memref<120x128xf32, #tpu.memory_space<vmem>>
      tpu.wait_dma2 semaphore(%run_scoped3A : memref<!tpu.dma_semaphore, #tpu.memory_space<semaphore_mem>>) src(%dma_wait3A_71 : memref<120x128xf32, #tpu.memory_space<vmem>>) dst(%dma_wait3A_68 : memref<120x128xf32, #tpu.memory_space<vmem_shared>>)
      tpu.yield
    }) : () -> ()
    %add3A_16 = arith.constant 240 : i32
    %add3A_17 = arith.addi %mul3A_0, %add3A_16 : i32
    "tpu.region"() ({
      %run_scoped3A = tpu.sem_alloc : memref<!tpu.dma_semaphore, #tpu.memory_space<semaphore_mem>>
      %dma_start3A = arith.constant 0 : i32
      %dma_start3A_54 = arith.constant 0 : i32
      %dma_start3A_55 = tpu.memref_slice %arg8[%dma_start3A, %dma_start3A_54] : memref<120x128xf32, #tpu.memory_space<vmem>> -> memref<120x128xf32, #tpu.memory_space<vmem>>
      %dma_start3A_56 = arith.constant 0 : i32
      %dma_start3A_57 = tpu.memref_slice %arg6[%add3A_17, %dma_start3A_56] : memref<10112x128xf32, #tpu.memory_space<vmem_shared>> -> memref<120x128xf32, #tpu.memory_space<vmem_shared>>
      %dma_start3A_58 = arith.constant 0 : i32
      %dma_start3A_59 = tpu.memref_slice %arg6[%add3A_17, %dma_start3A_58] : memref<10112x128xf32, #tpu.memory_space<vmem_shared>> -> memref<120x128xf32, #tpu.memory_space<vmem_shared>>
      %dma_start3A_60 = arith.constant 0 : i32
      %dma_start3A_61 = arith.constant 0 : i32
      %dma_start3A_62 = tpu.memref_slice %arg8[%dma_start3A_60, %dma_start3A_61] : memref<120x128xf32, #tpu.memory_space<vmem>> -> memref<120x128xf32, #tpu.memory_space<vmem>>
      tpu.enqueue_dma source(%dma_start3A_62 : memref<120x128xf32, #tpu.memory_space<vmem>>) target(%dma_start3A_59 : memref<120x128xf32, #tpu.memory_space<vmem_shared>>) target_semaphore(%run_scoped3A : memref<!tpu.dma_semaphore, #tpu.memory_space<semaphore_mem>>)
      %dma_wait3A = arith.constant 0 : i32
      %dma_wait3A_63 = arith.constant 0 : i32
      %dma_wait3A_64 = tpu.memref_slice %arg8[%dma_wait3A, %dma_wait3A_63] : memref<120x128xf32, #tpu.memory_space<vmem>> -> memref<120x128xf32, #tpu.memory_space<vmem>>
      %dma_wait3A_65 = arith.constant 0 : i32
      %dma_wait3A_66 = tpu.memref_slice %arg6[%add3A_17, %dma_wait3A_65] : memref<10112x128xf32, #tpu.memory_space<vmem_shared>> -> memref<120x128xf32, #tpu.memory_space<vmem_shared>>
      %dma_wait3A_67 = arith.constant 0 : i32
      %dma_wait3A_68 = tpu.memref_slice %arg6[%add3A_17, %dma_wait3A_67] : memref<10112x128xf32, #tpu.memory_space<vmem_shared>> -> memref<120x128xf32, #tpu.memory_space<vmem_shared>>
      %dma_wait3A_69 = arith.constant 0 : i32
      %dma_wait3A_70 = arith.constant 0 : i32
      %dma_wait3A_71 = tpu.memref_slice %arg8[%dma_wait3A_69, %dma_wait3A_70] : memref<120x128xf32, #tpu.memory_space<vmem>> -> memref<120x128xf32, #tpu.memory_space<vmem>>
      tpu.wait_dma2 semaphore(%run_scoped3A : memref<!tpu.dma_semaphore, #tpu.memory_space<semaphore_mem>>) src(%dma_wait3A_71 : memref<120x128xf32, #tpu.memory_space<vmem>>) dst(%dma_wait3A_68 : memref<120x128xf32, #tpu.memory_space<vmem_shared>>)
      tpu.yield
    }) : () -> ()
    %add3A_18 = arith.constant 360 : i32
    %add3A_19 = arith.addi %mul3A_0, %add3A_18 : i32
    "tpu.region"() ({
      %run_scoped3A = tpu.sem_alloc : memref<!tpu.dma_semaphore, #tpu.memory_space<semaphore_mem>>
      %dma_start3A = arith.constant 0 : i32
      %dma_start3A_54 = arith.constant 0 : i32
      %dma_start3A_55 = tpu.memref_slice %arg8[%dma_start3A, %dma_start3A_54] : memref<120x128xf32, #tpu.memory_space<vmem>> -> memref<120x128xf32, #tpu.memory_space<vmem>>
      %dma_start3A_56 = arith.constant 0 : i32
      %dma_start3A_57 = tpu.memref_slice %arg6[%add3A_19, %dma_start3A_56] : memref<10112x128xf32, #tpu.memory_space<vmem_shared>> -> memref<120x128xf32, #tpu.memory_space<vmem_shared>>
      %dma_start3A_58 = arith.constant 0 : i32
      %dma_start3A_59 = tpu.memref_slice %arg6[%add3A_19, %dma_start3A_58] : memref<10112x128xf32, #tpu.memory_space<vmem_shared>> -> memref<120x128xf32, #tpu.memory_space<vmem_shared>>
      %dma_start3A_60 = arith.constant 0 : i32
      %dma_start3A_61 = arith.constant 0 : i32
      %dma_start3A_62 = tpu.memref_slice %arg8[%dma_start3A_60, %dma_start3A_61] : memref<120x128xf32, #tpu.memory_space<vmem>> -> memref<120x128xf32, #tpu.memory_space<vmem>>
      tpu.enqueue_dma source(%dma_start3A_62 : memref<120x128xf32, #tpu.memory_space<vmem>>) target(%dma_start3A_59 : memref<120x128xf32, #tpu.memory_space<vmem_shared>>) target_semaphore(%run_scoped3A : memref<!tpu.dma_semaphore, #tpu.memory_space<semaphore_mem>>)
      %dma_wait3A = arith.constant 0 : i32
      %dma_wait3A_63 = arith.constant 0 : i32
      %dma_wait3A_64 = tpu.memref_slice %arg8[%dma_wait3A, %dma_wait3A_63] : memref<120x128xf32, #tpu.memory_space<vmem>> -> memref<120x128xf32, #tpu.memory_space<vmem>>
      %dma_wait3A_65 = arith.constant 0 : i32
      %dma_wait3A_66 = tpu.memref_slice %arg6[%add3A_19, %dma_wait3A_65] : memref<10112x128xf32, #tpu.memory_space<vmem_shared>> -> memref<120x128xf32, #tpu.memory_space<vmem_shared>>
      %dma_wait3A_67 = arith.constant 0 : i32
      %dma_wait3A_68 = tpu.memref_slice %arg6[%add3A_19, %dma_wait3A_67] : memref<10112x128xf32, #tpu.memory_space<vmem_shared>> -> memref<120x128xf32, #tpu.memory_space<vmem_shared>>
      %dma_wait3A_69 = arith.constant 0 : i32
      %dma_wait3A_70 = arith.constant 0 : i32
      %dma_wait3A_71 = tpu.memref_slice %arg8[%dma_wait3A_69, %dma_wait3A_70] : memref<120x128xf32, #tpu.memory_space<vmem>> -> memref<120x128xf32, #tpu.memory_space<vmem>>
      tpu.wait_dma2 semaphore(%run_scoped3A : memref<!tpu.dma_semaphore, #tpu.memory_space<semaphore_mem>>) src(%dma_wait3A_71 : memref<120x128xf32, #tpu.memory_space<vmem>>) dst(%dma_wait3A_68 : memref<120x128xf32, #tpu.memory_space<vmem_shared>>)
      tpu.yield
    }) : () -> ()
    %add3A_20 = arith.constant 480 : i32
    %add3A_21 = arith.addi %mul3A_0, %add3A_20 : i32
    "tpu.region"() ({
      %run_scoped3A = tpu.sem_alloc : memref<!tpu.dma_semaphore, #tpu.memory_space<semaphore_mem>>
      %dma_start3A = arith.constant 0 : i32
      %dma_start3A_54 = arith.constant 0 : i32
      %dma_start3A_55 = tpu.memref_slice %arg8[%dma_start3A, %dma_start3A_54] : memref<120x128xf32, #tpu.memory_space<vmem>> -> memref<120x128xf32, #tpu.memory_space<vmem>>
      %dma_start3A_56 = arith.constant 0 : i32
      %dma_start3A_57 = tpu.memref_slice %arg6[%add3A_21, %dma_start3A_56] : memref<10112x128xf32, #tpu.memory_space<vmem_shared>> -> memref<120x128xf32, #tpu.memory_space<vmem_shared>>
      %dma_start3A_58 = arith.constant 0 : i32
      %dma_start3A_59 = tpu.memref_slice %arg6[%add3A_21, %dma_start3A_58] : memref<10112x128xf32, #tpu.memory_space<vmem_shared>> -> memref<120x128xf32, #tpu.memory_space<vmem_shared>>
      %dma_start3A_60 = arith.constant 0 : i32
      %dma_start3A_61 = arith.constant 0 : i32
      %dma_start3A_62 = tpu.memref_slice %arg8[%dma_start3A_60, %dma_start3A_61] : memref<120x128xf32, #tpu.memory_space<vmem>> -> memref<120x128xf32, #tpu.memory_space<vmem>>
      tpu.enqueue_dma source(%dma_start3A_62 : memref<120x128xf32, #tpu.memory_space<vmem>>) target(%dma_start3A_59 : memref<120x128xf32, #tpu.memory_space<vmem_shared>>) target_semaphore(%run_scoped3A : memref<!tpu.dma_semaphore, #tpu.memory_space<semaphore_mem>>)
      %dma_wait3A = arith.constant 0 : i32
      %dma_wait3A_63 = arith.constant 0 : i32
      %dma_wait3A_64 = tpu.memref_slice %arg8[%dma_wait3A, %dma_wait3A_63] : memref<120x128xf32, #tpu.memory_space<vmem>> -> memref<120x128xf32, #tpu.memory_space<vmem>>
      %dma_wait3A_65 = arith.constant 0 : i32
      %dma_wait3A_66 = tpu.memref_slice %arg6[%add3A_21, %dma_wait3A_65] : memref<10112x128xf32, #tpu.memory_space<vmem_shared>> -> memref<120x128xf32, #tpu.memory_space<vmem_shared>>
      %dma_wait3A_67 = arith.constant 0 : i32
      %dma_wait3A_68 = tpu.memref_slice %arg6[%add3A_21, %dma_wait3A_67] : memref<10112x128xf32, #tpu.memory_space<vmem_shared>> -> memref<120x128xf32, #tpu.memory_space<vmem_shared>>
      %dma_wait3A_69 = arith.constant 0 : i32
      %dma_wait3A_70 = arith.constant 0 : i32
      %dma_wait3A_71 = tpu.memref_slice %arg8[%dma_wait3A_69, %dma_wait3A_70] : memref<120x128xf32, #tpu.memory_space<vmem>> -> memref<120x128xf32, #tpu.memory_space<vmem>>
      tpu.wait_dma2 semaphore(%run_scoped3A : memref<!tpu.dma_semaphore, #tpu.memory_space<semaphore_mem>>) src(%dma_wait3A_71 : memref<120x128xf32, #tpu.memory_space<vmem>>) dst(%dma_wait3A_68 : memref<120x128xf32, #tpu.memory_space<vmem_shared>>)
      tpu.yield
    }) : () -> ()
    %add3A_22 = arith.constant 600 : i32
    %add3A_23 = arith.addi %mul3A_0, %add3A_22 : i32
    "tpu.region"() ({
      %run_scoped3A = tpu.sem_alloc : memref<!tpu.dma_semaphore, #tpu.memory_space<semaphore_mem>>
      %dma_start3A = arith.constant 0 : i32
      %dma_start3A_54 = arith.constant 0 : i32
      %dma_start3A_55 = tpu.memref_slice %arg8[%dma_start3A, %dma_start3A_54] : memref<120x128xf32, #tpu.memory_space<vmem>> -> memref<32x128xf32, #tpu.memory_space<vmem>>
      %dma_start3A_56 = arith.constant 0 : i32
      %dma_start3A_57 = tpu.memref_slice %arg6[%add3A_23, %dma_start3A_56] : memref<10112x128xf32, #tpu.memory_space<vmem_shared>> -> memref<32x128xf32, #tpu.memory_space<vmem_shared>>
      %dma_start3A_58 = arith.constant 0 : i32
      %dma_start3A_59 = tpu.memref_slice %arg6[%add3A_23, %dma_start3A_58] : memref<10112x128xf32, #tpu.memory_space<vmem_shared>> -> memref<32x128xf32, #tpu.memory_space<vmem_shared>>
      %dma_start3A_60 = arith.constant 0 : i32
      %dma_start3A_61 = arith.constant 0 : i32
      %dma_start3A_62 = tpu.memref_slice %arg8[%dma_start3A_60, %dma_start3A_61] : memref<120x128xf32, #tpu.memory_space<vmem>> -> memref<32x128xf32, #tpu.memory_space<vmem>>
      tpu.enqueue_dma source(%dma_start3A_62 : memref<32x128xf32, #tpu.memory_space<vmem>>) target(%dma_start3A_59 : memref<32x128xf32, #tpu.memory_space<vmem_shared>>) target_semaphore(%run_scoped3A : memref<!tpu.dma_semaphore, #tpu.memory_space<semaphore_mem>>)
      %dma_wait3A = arith.constant 0 : i32
      %dma_wait3A_63 = arith.constant 0 : i32
      %dma_wait3A_64 = tpu.memref_slice %arg8[%dma_wait3A, %dma_wait3A_63] : memref<120x128xf32, #tpu.memory_space<vmem>> -> memref<32x128xf32, #tpu.memory_space<vmem>>
      %dma_wait3A_65 = arith.constant 0 : i32
      %dma_wait3A_66 = tpu.memref_slice %arg6[%add3A_23, %dma_wait3A_65] : memref<10112x128xf32, #tpu.memory_space<vmem_shared>> -> memref<32x128xf32, #tpu.memory_space<vmem_shared>>
      %dma_wait3A_67 = arith.constant 0 : i32
      %dma_wait3A_68 = tpu.memref_slice %arg6[%add3A_23, %dma_wait3A_67] : memref<10112x128xf32, #tpu.memory_space<vmem_shared>> -> memref<32x128xf32, #tpu.memory_space<vmem_shared>>
      %dma_wait3A_69 = arith.constant 0 : i32
      %dma_wait3A_70 = arith.constant 0 : i32
      %dma_wait3A_71 = tpu.memref_slice %arg8[%dma_wait3A_69, %dma_wait3A_70] : memref<120x128xf32, #tpu.memory_space<vmem>> -> memref<32x128xf32, #tpu.memory_space<vmem>>
      tpu.wait_dma2 semaphore(%run_scoped3A : memref<!tpu.dma_semaphore, #tpu.memory_space<semaphore_mem>>) src(%dma_wait3A_71 : memref<32x128xf32, #tpu.memory_space<vmem>>) dst(%dma_wait3A_68 : memref<32x128xf32, #tpu.memory_space<vmem_shared>>)
      tpu.yield
    }) : () -> ()
    %barrier3A = arith.constant 0 : index
    tpu.barrier barrier_id(%barrier3A)
    %scan3A = arith.constant 0 : i32
    %scan3A_24 = arith.constant 0 : i32
    %scan3A_25 = arith.constant 21 : i32
    %scan3A_26 = arith.addi %scan3A_24, %scan3A_25 : i32
    %scan3A_27 = arith.constant 1 : i32
    scf.for %scan3A_54 = %scan3A_24 to %scan3A_26 step %scan3A_27  : i32 {
      %mul3A_55 = arith.constant 2 : i32
      %mul3A_56 = arith.muli %scan3A_54, %mul3A_55 : i32
      %mul3A_57 = arith.constant 8 : i32
      %mul3A_58 = arith.muli %mul3A_56, %mul3A_57 : i32
      %add3A_59 = arith.addi %mul3A_8, %mul3A_58 : i32
      "tpu.region"() ({
        %run_scoped3A = tpu.sem_alloc : memref<!tpu.dma_semaphore, #tpu.memory_space<semaphore_mem>>
        %dma_start3A_78 = arith.constant 0 : i32
        %dma_start3A_79 = tpu.memref_slice %arg3[%add3A_59, %dma_start3A_78] : memref<10752x120xi32, #tpu.memory_space<hbm>> -> memref<16x120xi32, #tpu.memory_space<hbm>>
        %dma_start3A_80 = arith.constant 0 : i32
        %dma_start3A_81 = tpu.memref_slice %arg3[%add3A_59, %dma_start3A_80] : memref<10752x120xi32, #tpu.memory_space<hbm>> -> memref<16x120xi32, #tpu.memory_space<hbm>>
        tpu.enqueue_dma source(%dma_start3A_81 : memref<16x120xi32, #tpu.memory_space<hbm>>) target(%arg7 : memref<16x120xi32, #tpu.memory_space<vmem>>) target_semaphore(%run_scoped3A : memref<!tpu.dma_semaphore, #tpu.memory_space<semaphore_mem>>)
        %dma_wait3A = arith.constant 0 : i32
        %dma_wait3A_82 = tpu.memref_slice %arg3[%add3A_59, %dma_wait3A] : memref<10752x120xi32, #tpu.memory_space<hbm>> -> memref<16x120xi32, #tpu.memory_space<hbm>>
        %dma_wait3A_83 = arith.constant 0 : i32
        %dma_wait3A_84 = tpu.memref_slice %arg3[%add3A_59, %dma_wait3A_83] : memref<10752x120xi32, #tpu.memory_space<hbm>> -> memref<16x120xi32, #tpu.memory_space<hbm>>
        tpu.wait_dma2 semaphore(%run_scoped3A : memref<!tpu.dma_semaphore, #tpu.memory_space<semaphore_mem>>) src(%dma_wait3A_84 : memref<16x120xi32, #tpu.memory_space<hbm>>) dst(%arg7 : memref<16x120xi32, #tpu.memory_space<vmem>>)
        tpu.yield
      }) : () -> ()
      %dma_start3A = arith.constant 0 : i32
      %dma_start3A_60 = arith.constant 0 : i32
      %dma_start3A_61 = tpu.memref_slice %arg7[%dma_start3A, %dma_start3A_60] : memref<16x120xi32, #tpu.memory_space<vmem>> -> memref<1x120xi32, #tpu.memory_space<vmem>>
      %dma_start3A_62 = tpu.memref_squeeze %dma_start3A_61 : memref<1x120xi32, #tpu.memory_space<vmem>> -> memref<120xi32, #tpu.memory_space<vmem>>
      %dma_start3A_63 = arith.constant 0 : i32
      %dma_start3A_64 = arith.constant 0 : i32
      %dma_start3A_65 = tpu.memref_slice %arg2[%dma_start3A_63, %dma_start3A_64] : memref<20224x128xf32, #tpu.memory_space<hbm>> -> memref<20224x128xf32, #tpu.memory_space<hbm>>
      tpu.enqueue_indirect_dma source(%dma_start3A_65 : memref<20224x128xf32, #tpu.memory_space<hbm>>) target(%arg8 : memref<120x128xf32, #tpu.memory_space<vmem>>) offsets(%dma_start3A_62 : memref<120xi32, #tpu.memory_space<vmem>>) semaphore(%arg10 : memref<!tpu.dma_semaphore, #tpu.memory_space<semaphore_mem>>)
      %dma_start3A_66 = arith.constant 1 : i32
      %dma_start3A_67 = arith.constant 0 : i32
      %dma_start3A_68 = tpu.memref_slice %arg7[%dma_start3A_66, %dma_start3A_67] : memref<16x120xi32, #tpu.memory_space<vmem>> -> memref<1x120xi32, #tpu.memory_space<vmem>>
      %dma_start3A_69 = tpu.memref_squeeze %dma_start3A_68 : memref<1x120xi32, #tpu.memory_space<vmem>> -> memref<120xi32, #tpu.memory_space<vmem>>
      %dma_start3A_70 = arith.constant 0 : i32
      %dma_start3A_71 = arith.constant 0 : i32
      %dma_start3A_72 = tpu.memref_slice %arg2[%dma_start3A_70, %dma_start3A_71] : memref<20224x128xf32, #tpu.memory_space<hbm>> -> memref<20224x128xf32, #tpu.memory_space<hbm>>
      tpu.enqueue_indirect_dma source(%dma_start3A_72 : memref<20224x128xf32, #tpu.memory_space<hbm>>) target(%arg9 : memref<120x128xf32, #tpu.memory_space<vmem>>) offsets(%dma_start3A_69 : memref<120xi32, #tpu.memory_space<vmem>>) semaphore(%arg11 : memref<!tpu.dma_semaphore, #tpu.memory_space<semaphore_mem>>)
      %scan3A_73 = arith.constant 0 : i32
      %scan3A_74 = arith.constant 4 : i32
      %scan3A_75 = arith.addi %scan3A_73, %scan3A_74 : i32
      %scan3A_76 = arith.constant 1 : i32
      scf.for %scan3A_78 = %scan3A_73 to %scan3A_75 step %scan3A_76  : i32 {
        %mul3A_79 = arith.constant 2 : i32
        %mul3A_80 = arith.muli %mul3A_79, %scan3A_78 : i32
        %add3A_81 = arith.constant 0 : i32
        %add3A_82 = arith.addi %mul3A_80, %add3A_81 : i32
        %dma_wait3A = arith.constant 0 : i32
        %dma_wait3A_83 = tpu.memref_slice %arg7[%add3A_82, %dma_wait3A] : memref<16x120xi32, #tpu.memory_space<vmem>> -> memref<1x120xi32, #tpu.memory_space<vmem>>
        %dma_wait3A_84 = tpu.memref_squeeze %dma_wait3A_83 : memref<1x120xi32, #tpu.memory_space<vmem>> -> memref<120xi32, #tpu.memory_space<vmem>>
        %dma_wait3A_85 = arith.constant 0 : i32
        %dma_wait3A_86 = arith.constant 0 : i32
        %dma_wait3A_87 = tpu.memref_slice %arg2[%dma_wait3A_85, %dma_wait3A_86] : memref<20224x128xf32, #tpu.memory_space<hbm>> -> memref<20224x128xf32, #tpu.memory_space<hbm>>
        tpu.wait_indirect_dma semaphore(%arg10 : memref<!tpu.dma_semaphore, #tpu.memory_space<semaphore_mem>>) src(%dma_wait3A_87 : memref<20224x128xf32, #tpu.memory_space<hbm>>) dst(%arg8 : memref<120x128xf32, #tpu.memory_space<vmem>>)
        %add3A_88 = arith.constant 8 : i32
        %add3A_89 = arith.addi %add3A_88, %add3A_82 : i32
        "tpu.region"() ({
          %run_scoped3A = tpu.sem_alloc : memref<!tpu.dma_semaphore, #tpu.memory_space<semaphore_mem>>
          %dma_start3A_113 = arith.constant 0 : i32
          %dma_start3A_114 = tpu.memref_slice %arg7[%add3A_89, %dma_start3A_113] : memref<16x120xi32, #tpu.memory_space<vmem>> -> memref<1x120xi32, #tpu.memory_space<vmem>>
          %dma_start3A_115 = tpu.memref_squeeze %dma_start3A_114 : memref<1x120xi32, #tpu.memory_space<vmem>> -> memref<120xi32, #tpu.memory_space<vmem>>
          %dma_start3A_116 = arith.constant 0 : i32
          %dma_start3A_117 = arith.constant 0 : i32
          %dma_start3A_118 = tpu.memref_slice %arg6[%dma_start3A_116, %dma_start3A_117] : memref<10112x128xf32, #tpu.memory_space<vmem_shared>> -> memref<10112x128xf32, #tpu.memory_space<vmem_shared>>
          tpu.enqueue_indirect_dma source(%arg8 : memref<120x128xf32, #tpu.memory_space<vmem>>) target(%dma_start3A_118 : memref<10112x128xf32, #tpu.memory_space<vmem_shared>>) offsets(%dma_start3A_115 : memref<120xi32, #tpu.memory_space<vmem>>) semaphore(%run_scoped3A : memref<!tpu.dma_semaphore, #tpu.memory_space<semaphore_mem>>) {add = true}
          %dma_wait3A_119 = arith.constant 0 : i32
          %dma_wait3A_120 = tpu.memref_slice %arg7[%add3A_89, %dma_wait3A_119] : memref<16x120xi32, #tpu.memory_space<vmem>> -> memref<1x120xi32, #tpu.memory_space<vmem>>
          %dma_wait3A_121 = tpu.memref_squeeze %dma_wait3A_120 : memref<1x120xi32, #tpu.memory_space<vmem>> -> memref<120xi32, #tpu.memory_space<vmem>>
          %dma_wait3A_122 = arith.constant 0 : i32
          %dma_wait3A_123 = arith.constant 0 : i32
          %dma_wait3A_124 = tpu.memref_slice %arg6[%dma_wait3A_122, %dma_wait3A_123] : memref<10112x128xf32, #tpu.memory_space<vmem_shared>> -> memref<10112x128xf32, #tpu.memory_space<vmem_shared>>
          tpu.wait_indirect_dma semaphore(%run_scoped3A : memref<!tpu.dma_semaphore, #tpu.memory_space<semaphore_mem>>) src(%arg8 : memref<120x128xf32, #tpu.memory_space<vmem>>) dst(%dma_wait3A_124 : memref<10112x128xf32, #tpu.memory_space<vmem_shared>>)
          tpu.yield
        }) : () -> ()
        %add3A_90 = arith.constant 2 : i32
        %add3A_91 = arith.addi %add3A_82, %add3A_90 : i32
        %lt3A = arith.constant 8 : i32
        %lt3A_92 = arith.cmpi slt, %add3A_91, %lt3A : i32
        %convert_element_type3A = arith.extui %lt3A_92 : i1 to i32
        %cond3A = arith.constant 0 : i32
        %cond3A_93 = arith.cmpi ne, %convert_element_type3A, %cond3A : i32
        scf.if %cond3A_93 {
          %add3A_113 = arith.constant 2 : i32
          %add3A_114 = arith.addi %add3A_82, %add3A_113 : i32
          %dma_start3A_115 = arith.constant 0 : i32
          %dma_start3A_116 = tpu.memref_slice %arg7[%add3A_114, %dma_start3A_115] : memref<16x120xi32, #tpu.memory_space<vmem>> -> memref<1x120xi32, #tpu.memory_space<vmem>>
          %dma_start3A_117 = tpu.memref_squeeze %dma_start3A_116 : memref<1x120xi32, #tpu.memory_space<vmem>> -> memref<120xi32, #tpu.memory_space<vmem>>
          %dma_start3A_118 = arith.constant 0 : i32
          %dma_start3A_119 = arith.constant 0 : i32
          %dma_start3A_120 = tpu.memref_slice %arg2[%dma_start3A_118, %dma_start3A_119] : memref<20224x128xf32, #tpu.memory_space<hbm>> -> memref<20224x128xf32, #tpu.memory_space<hbm>>
          tpu.enqueue_indirect_dma source(%dma_start3A_120 : memref<20224x128xf32, #tpu.memory_space<hbm>>) target(%arg8 : memref<120x128xf32, #tpu.memory_space<vmem>>) offsets(%dma_start3A_117 : memref<120xi32, #tpu.memory_space<vmem>>) semaphore(%arg10 : memref<!tpu.dma_semaphore, #tpu.memory_space<semaphore_mem>>)
        } else {
        }
        %mul3A_94 = arith.constant 2 : i32
        %mul3A_95 = arith.muli %mul3A_94, %scan3A_78 : i32
        %add3A_96 = arith.constant 1 : i32
        %add3A_97 = arith.addi %mul3A_95, %add3A_96 : i32
        %dma_wait3A_98 = arith.constant 0 : i32
        %dma_wait3A_99 = tpu.memref_slice %arg7[%add3A_97, %dma_wait3A_98] : memref<16x120xi32, #tpu.memory_space<vmem>> -> memref<1x120xi32, #tpu.memory_space<vmem>>
        %dma_wait3A_100 = tpu.memref_squeeze %dma_wait3A_99 : memref<1x120xi32, #tpu.memory_space<vmem>> -> memref<120xi32, #tpu.memory_space<vmem>>
        %dma_wait3A_101 = arith.constant 0 : i32
        %dma_wait3A_102 = arith.constant 0 : i32
        %dma_wait3A_103 = tpu.memref_slice %arg2[%dma_wait3A_101, %dma_wait3A_102] : memref<20224x128xf32, #tpu.memory_space<hbm>> -> memref<20224x128xf32, #tpu.memory_space<hbm>>
        tpu.wait_indirect_dma semaphore(%arg11 : memref<!tpu.dma_semaphore, #tpu.memory_space<semaphore_mem>>) src(%dma_wait3A_103 : memref<20224x128xf32, #tpu.memory_space<hbm>>) dst(%arg9 : memref<120x128xf32, #tpu.memory_space<vmem>>)
        %add3A_104 = arith.constant 8 : i32
        %add3A_105 = arith.addi %add3A_104, %add3A_97 : i32
        "tpu.region"() ({
          %run_scoped3A = tpu.sem_alloc : memref<!tpu.dma_semaphore, #tpu.memory_space<semaphore_mem>>
          %dma_start3A_113 = arith.constant 0 : i32
          %dma_start3A_114 = tpu.memref_slice %arg7[%add3A_105, %dma_start3A_113] : memref<16x120xi32, #tpu.memory_space<vmem>> -> memref<1x120xi32, #tpu.memory_space<vmem>>
          %dma_start3A_115 = tpu.memref_squeeze %dma_start3A_114 : memref<1x120xi32, #tpu.memory_space<vmem>> -> memref<120xi32, #tpu.memory_space<vmem>>
          %dma_start3A_116 = arith.constant 0 : i32
          %dma_start3A_117 = arith.constant 0 : i32
          %dma_start3A_118 = tpu.memref_slice %arg6[%dma_start3A_116, %dma_start3A_117] : memref<10112x128xf32, #tpu.memory_space<vmem_shared>> -> memref<10112x128xf32, #tpu.memory_space<vmem_shared>>
          tpu.enqueue_indirect_dma source(%arg9 : memref<120x128xf32, #tpu.memory_space<vmem>>) target(%dma_start3A_118 : memref<10112x128xf32, #tpu.memory_space<vmem_shared>>) offsets(%dma_start3A_115 : memref<120xi32, #tpu.memory_space<vmem>>) semaphore(%run_scoped3A : memref<!tpu.dma_semaphore, #tpu.memory_space<semaphore_mem>>) {add = true}
          %dma_wait3A_119 = arith.constant 0 : i32
          %dma_wait3A_120 = tpu.memref_slice %arg7[%add3A_105, %dma_wait3A_119] : memref<16x120xi32, #tpu.memory_space<vmem>> -> memref<1x120xi32, #tpu.memory_space<vmem>>
          %dma_wait3A_121 = tpu.memref_squeeze %dma_wait3A_120 : memref<1x120xi32, #tpu.memory_space<vmem>> -> memref<120xi32, #tpu.memory_space<vmem>>
          %dma_wait3A_122 = arith.constant 0 : i32
          %dma_wait3A_123 = arith.constant 0 : i32
          %dma_wait3A_124 = tpu.memref_slice %arg6[%dma_wait3A_122, %dma_wait3A_123] : memref<10112x128xf32, #tpu.memory_space<vmem_shared>> -> memref<10112x128xf32, #tpu.memory_space<vmem_shared>>
          tpu.wait_indirect_dma semaphore(%run_scoped3A : memref<!tpu.dma_semaphore, #tpu.memory_space<semaphore_mem>>) src(%arg9 : memref<120x128xf32, #tpu.memory_space<vmem>>) dst(%dma_wait3A_124 : memref<10112x128xf32, #tpu.memory_space<vmem_shared>>)
          tpu.yield
        }) : () -> ()
        %add3A_106 = arith.constant 2 : i32
        %add3A_107 = arith.addi %add3A_97, %add3A_106 : i32
        %lt3A_108 = arith.constant 8 : i32
        %lt3A_109 = arith.cmpi slt, %add3A_107, %lt3A_108 : i32
        %convert_element_type3A_110 = arith.extui %lt3A_109 : i1 to i32
        %cond3A_111 = arith.constant 0 : i32
        %cond3A_112 = arith.cmpi ne, %convert_element_type3A_110, %cond3A_111 : i32
        scf.if %cond3A_112 {
          %add3A_113 = arith.constant 2 : i32
          %add3A_114 = arith.addi %add3A_97, %add3A_113 : i32
          %dma_start3A_115 = arith.constant 0 : i32
          %dma_start3A_116 = tpu.memref_slice %arg7[%add3A_114, %dma_start3A_115] : memref<16x120xi32, #tpu.memory_space<vmem>> -> memref<1x120xi32, #tpu.memory_space<vmem>>
          %dma_start3A_117 = tpu.memref_squeeze %dma_start3A_116 : memref<1x120xi32, #tpu.memory_space<vmem>> -> memref<120xi32, #tpu.memory_space<vmem>>
          %dma_start3A_118 = arith.constant 0 : i32
          %dma_start3A_119 = arith.constant 0 : i32
          %dma_start3A_120 = tpu.memref_slice %arg2[%dma_start3A_118, %dma_start3A_119] : memref<20224x128xf32, #tpu.memory_space<hbm>> -> memref<20224x128xf32, #tpu.memory_space<hbm>>
          tpu.enqueue_indirect_dma source(%dma_start3A_120 : memref<20224x128xf32, #tpu.memory_space<hbm>>) target(%arg9 : memref<120x128xf32, #tpu.memory_space<vmem>>) offsets(%dma_start3A_117 : memref<120xi32, #tpu.memory_space<vmem>>) semaphore(%arg11 : memref<!tpu.dma_semaphore, #tpu.memory_space<semaphore_mem>>)
        } else {
        }
      }
      %scan3A_77 = arith.constant 4 : i32
    }
    %scan3A_28 = arith.constant 21 : i32
    %barrier3A_29 = arith.constant 0 : index
    tpu.barrier barrier_id(%barrier3A_29)
    %add3A_30 = arith.constant 0 : i32
    %add3A_31 = arith.addi %mul3A_0, %add3A_30 : i32
    "tpu.region"() ({
      %run_scoped3A = tpu.sem_alloc : memref<!tpu.dma_semaphore, #tpu.memory_space<semaphore_mem>>
      %dma_start3A = arith.constant 0 : i32
      %dma_start3A_54 = arith.constant 0 : i32
      %dma_start3A_55 = tpu.memref_slice %arg8[%dma_start3A, %dma_start3A_54] : memref<120x128xf32, #tpu.memory_space<vmem>> -> memref<120x128xf32, #tpu.memory_space<vmem>>
      %dma_start3A_56 = arith.constant 0 : i32
      %dma_start3A_57 = tpu.memref_slice %arg6[%add3A_31, %dma_start3A_56] : memref<10112x128xf32, #tpu.memory_space<vmem_shared>> -> memref<120x128xf32, #tpu.memory_space<vmem_shared>>
      %dma_start3A_58 = arith.constant 0 : i32
      %dma_start3A_59 = arith.constant 0 : i32
      %dma_start3A_60 = tpu.memref_slice %arg8[%dma_start3A_58, %dma_start3A_59] : memref<120x128xf32, #tpu.memory_space<vmem>> -> memref<120x128xf32, #tpu.memory_space<vmem>>
      %dma_start3A_61 = arith.constant 0 : i32
      %dma_start3A_62 = tpu.memref_slice %arg6[%add3A_31, %dma_start3A_61] : memref<10112x128xf32, #tpu.memory_space<vmem_shared>> -> memref<120x128xf32, #tpu.memory_space<vmem_shared>>
      tpu.enqueue_dma source(%dma_start3A_62 : memref<120x128xf32, #tpu.memory_space<vmem_shared>>) target(%dma_start3A_60 : memref<120x128xf32, #tpu.memory_space<vmem>>) target_semaphore(%run_scoped3A : memref<!tpu.dma_semaphore, #tpu.memory_space<semaphore_mem>>)
      %dma_wait3A = arith.constant 0 : i32
      %dma_wait3A_63 = arith.constant 0 : i32
      %dma_wait3A_64 = tpu.memref_slice %arg8[%dma_wait3A, %dma_wait3A_63] : memref<120x128xf32, #tpu.memory_space<vmem>> -> memref<120x128xf32, #tpu.memory_space<vmem>>
      %dma_wait3A_65 = arith.constant 0 : i32
      %dma_wait3A_66 = tpu.memref_slice %arg6[%add3A_31, %dma_wait3A_65] : memref<10112x128xf32, #tpu.memory_space<vmem_shared>> -> memref<120x128xf32, #tpu.memory_space<vmem_shared>>
      %dma_wait3A_67 = arith.constant 0 : i32
      %dma_wait3A_68 = arith.constant 0 : i32
      %dma_wait3A_69 = tpu.memref_slice %arg8[%dma_wait3A_67, %dma_wait3A_68] : memref<120x128xf32, #tpu.memory_space<vmem>> -> memref<120x128xf32, #tpu.memory_space<vmem>>
      %dma_wait3A_70 = arith.constant 0 : i32
      %dma_wait3A_71 = tpu.memref_slice %arg6[%add3A_31, %dma_wait3A_70] : memref<10112x128xf32, #tpu.memory_space<vmem_shared>> -> memref<120x128xf32, #tpu.memory_space<vmem_shared>>
      tpu.wait_dma2 semaphore(%run_scoped3A : memref<!tpu.dma_semaphore, #tpu.memory_space<semaphore_mem>>) src(%dma_wait3A_71 : memref<120x128xf32, #tpu.memory_space<vmem_shared>>) dst(%dma_wait3A_69 : memref<120x128xf32, #tpu.memory_space<vmem>>)
      tpu.yield
    }) : () -> ()
    %add3A_32 = arith.constant 0 : i32
    %add3A_33 = arith.addi %add3A_11, %add3A_32 : i32
    "tpu.region"() ({
      %run_scoped3A = tpu.sem_alloc : memref<!tpu.dma_semaphore, #tpu.memory_space<semaphore_mem>>
      %dma_start3A = arith.constant 0 : i32
      %dma_start3A_54 = arith.constant 0 : i32
      %dma_start3A_55 = tpu.memref_slice %arg8[%dma_start3A, %dma_start3A_54] : memref<120x128xf32, #tpu.memory_space<vmem>> -> memref<120x128xf32, #tpu.memory_space<vmem>>
      %dma_start3A_56 = arith.constant 0 : i32
      %dma_start3A_57 = tpu.memref_slice %arg5[%add3A_33, %dma_start3A_56] : memref<20224x128xf32, #tpu.memory_space<hbm>> -> memref<120x128xf32, #tpu.memory_space<hbm>>
      %dma_start3A_58 = arith.constant 0 : i32
      %dma_start3A_59 = tpu.memref_slice %arg5[%add3A_33, %dma_start3A_58] : memref<20224x128xf32, #tpu.memory_space<hbm>> -> memref<120x128xf32, #tpu.memory_space<hbm>>
      %dma_start3A_60 = arith.constant 0 : i32
      %dma_start3A_61 = arith.constant 0 : i32
      %dma_start3A_62 = tpu.memref_slice %arg8[%dma_start3A_60, %dma_start3A_61] : memref<120x128xf32, #tpu.memory_space<vmem>> -> memref<120x128xf32, #tpu.memory_space<vmem>>
      tpu.enqueue_dma source(%dma_start3A_62 : memref<120x128xf32, #tpu.memory_space<vmem>>) target(%dma_start3A_59 : memref<120x128xf32, #tpu.memory_space<hbm>>) target_semaphore(%run_scoped3A : memref<!tpu.dma_semaphore, #tpu.memory_space<semaphore_mem>>)
      %dma_wait3A = arith.constant 0 : i32
      %dma_wait3A_63 = arith.constant 0 : i32
      %dma_wait3A_64 = tpu.memref_slice %arg8[%dma_wait3A, %dma_wait3A_63] : memref<120x128xf32, #tpu.memory_space<vmem>> -> memref<120x128xf32, #tpu.memory_space<vmem>>
      %dma_wait3A_65 = arith.constant 0 : i32
      %dma_wait3A_66 = tpu.memref_slice %arg5[%add3A_33, %dma_wait3A_65] : memref<20224x128xf32, #tpu.memory_space<hbm>> -> memref<120x128xf32, #tpu.memory_space<hbm>>
      %dma_wait3A_67 = arith.constant 0 : i32
      %dma_wait3A_68 = tpu.memref_slice %arg5[%add3A_33, %dma_wait3A_67] : memref<20224x128xf32, #tpu.memory_space<hbm>> -> memref<120x128xf32, #tpu.memory_space<hbm>>
      %dma_wait3A_69 = arith.constant 0 : i32
      %dma_wait3A_70 = arith.constant 0 : i32
      %dma_wait3A_71 = tpu.memref_slice %arg8[%dma_wait3A_69, %dma_wait3A_70] : memref<120x128xf32, #tpu.memory_space<vmem>> -> memref<120x128xf32, #tpu.memory_space<vmem>>
      tpu.wait_dma2 semaphore(%run_scoped3A : memref<!tpu.dma_semaphore, #tpu.memory_space<semaphore_mem>>) src(%dma_wait3A_71 : memref<120x128xf32, #tpu.memory_space<vmem>>) dst(%dma_wait3A_68 : memref<120x128xf32, #tpu.memory_space<hbm>>)
      tpu.yield
    }) : () -> ()
    %add3A_34 = arith.constant 120 : i32
    %add3A_35 = arith.addi %mul3A_0, %add3A_34 : i32
    "tpu.region"() ({
      %run_scoped3A = tpu.sem_alloc : memref<!tpu.dma_semaphore, #tpu.memory_space<semaphore_mem>>
      %dma_start3A = arith.constant 0 : i32
      %dma_start3A_54 = arith.constant 0 : i32
      %dma_start3A_55 = tpu.memref_slice %arg8[%dma_start3A, %dma_start3A_54] : memref<120x128xf32, #tpu.memory_space<vmem>> -> memref<120x128xf32, #tpu.memory_space<vmem>>
      %dma_start3A_56 = arith.constant 0 : i32
      %dma_start3A_57 = tpu.memref_slice %arg6[%add3A_35, %dma_start3A_56] : memref<10112x128xf32, #tpu.memory_space<vmem_shared>> -> memref<120x128xf32, #tpu.memory_space<vmem_shared>>
      %dma_start3A_58 = arith.constant 0 : i32
      %dma_start3A_59 = arith.constant 0 : i32
      %dma_start3A_60 = tpu.memref_slice %arg8[%dma_start3A_58, %dma_start3A_59] : memref<120x128xf32, #tpu.memory_space<vmem>> -> memref<120x128xf32, #tpu.memory_space<vmem>>
      %dma_start3A_61 = arith.constant 0 : i32
      %dma_start3A_62 = tpu.memref_slice %arg6[%add3A_35, %dma_start3A_61] : memref<10112x128xf32, #tpu.memory_space<vmem_shared>> -> memref<120x128xf32, #tpu.memory_space<vmem_shared>>
      tpu.enqueue_dma source(%dma_start3A_62 : memref<120x128xf32, #tpu.memory_space<vmem_shared>>) target(%dma_start3A_60 : memref<120x128xf32, #tpu.memory_space<vmem>>) target_semaphore(%run_scoped3A : memref<!tpu.dma_semaphore, #tpu.memory_space<semaphore_mem>>)
      %dma_wait3A = arith.constant 0 : i32
      %dma_wait3A_63 = arith.constant 0 : i32
      %dma_wait3A_64 = tpu.memref_slice %arg8[%dma_wait3A, %dma_wait3A_63] : memref<120x128xf32, #tpu.memory_space<vmem>> -> memref<120x128xf32, #tpu.memory_space<vmem>>
      %dma_wait3A_65 = arith.constant 0 : i32
      %dma_wait3A_66 = tpu.memref_slice %arg6[%add3A_35, %dma_wait3A_65] : memref<10112x128xf32, #tpu.memory_space<vmem_shared>> -> memref<120x128xf32, #tpu.memory_space<vmem_shared>>
      %dma_wait3A_67 = arith.constant 0 : i32
      %dma_wait3A_68 = arith.constant 0 : i32
      %dma_wait3A_69 = tpu.memref_slice %arg8[%dma_wait3A_67, %dma_wait3A_68] : memref<120x128xf32, #tpu.memory_space<vmem>> -> memref<120x128xf32, #tpu.memory_space<vmem>>
      %dma_wait3A_70 = arith.constant 0 : i32
      %dma_wait3A_71 = tpu.memref_slice %arg6[%add3A_35, %dma_wait3A_70] : memref<10112x128xf32, #tpu.memory_space<vmem_shared>> -> memref<120x128xf32, #tpu.memory_space<vmem_shared>>
      tpu.wait_dma2 semaphore(%run_scoped3A : memref<!tpu.dma_semaphore, #tpu.memory_space<semaphore_mem>>) src(%dma_wait3A_71 : memref<120x128xf32, #tpu.memory_space<vmem_shared>>) dst(%dma_wait3A_69 : memref<120x128xf32, #tpu.memory_space<vmem>>)
      tpu.yield
    }) : () -> ()
    %add3A_36 = arith.constant 120 : i32
    %add3A_37 = arith.addi %add3A_11, %add3A_36 : i32
    "tpu.region"() ({
      %run_scoped3A = tpu.sem_alloc : memref<!tpu.dma_semaphore, #tpu.memory_space<semaphore_mem>>
      %dma_start3A = arith.constant 0 : i32
      %dma_start3A_54 = arith.constant 0 : i32
      %dma_start3A_55 = tpu.memref_slice %arg8[%dma_start3A, %dma_start3A_54] : memref<120x128xf32, #tpu.memory_space<vmem>> -> memref<120x128xf32, #tpu.memory_space<vmem>>
      %dma_start3A_56 = arith.constant 0 : i32
      %dma_start3A_57 = tpu.memref_slice %arg5[%add3A_37, %dma_start3A_56] : memref<20224x128xf32, #tpu.memory_space<hbm>> -> memref<120x128xf32, #tpu.memory_space<hbm>>
      %dma_start3A_58 = arith.constant 0 : i32
      %dma_start3A_59 = tpu.memref_slice %arg5[%add3A_37, %dma_start3A_58] : memref<20224x128xf32, #tpu.memory_space<hbm>> -> memref<120x128xf32, #tpu.memory_space<hbm>>
      %dma_start3A_60 = arith.constant 0 : i32
      %dma_start3A_61 = arith.constant 0 : i32
      %dma_start3A_62 = tpu.memref_slice %arg8[%dma_start3A_60, %dma_start3A_61] : memref<120x128xf32, #tpu.memory_space<vmem>> -> memref<120x128xf32, #tpu.memory_space<vmem>>
      tpu.enqueue_dma source(%dma_start3A_62 : memref<120x128xf32, #tpu.memory_space<vmem>>) target(%dma_start3A_59 : memref<120x128xf32, #tpu.memory_space<hbm>>) target_semaphore(%run_scoped3A : memref<!tpu.dma_semaphore, #tpu.memory_space<semaphore_mem>>)
      %dma_wait3A = arith.constant 0 : i32
      %dma_wait3A_63 = arith.constant 0 : i32
      %dma_wait3A_64 = tpu.memref_slice %arg8[%dma_wait3A, %dma_wait3A_63] : memref<120x128xf32, #tpu.memory_space<vmem>> -> memref<120x128xf32, #tpu.memory_space<vmem>>
      %dma_wait3A_65 = arith.constant 0 : i32
      %dma_wait3A_66 = tpu.memref_slice %arg5[%add3A_37, %dma_wait3A_65] : memref<20224x128xf32, #tpu.memory_space<hbm>> -> memref<120x128xf32, #tpu.memory_space<hbm>>
      %dma_wait3A_67 = arith.constant 0 : i32
      %dma_wait3A_68 = tpu.memref_slice %arg5[%add3A_37, %dma_wait3A_67] : memref<20224x128xf32, #tpu.memory_space<hbm>> -> memref<120x128xf32, #tpu.memory_space<hbm>>
      %dma_wait3A_69 = arith.constant 0 : i32
      %dma_wait3A_70 = arith.constant 0 : i32
      %dma_wait3A_71 = tpu.memref_slice %arg8[%dma_wait3A_69, %dma_wait3A_70] : memref<120x128xf32, #tpu.memory_space<vmem>> -> memref<120x128xf32, #tpu.memory_space<vmem>>
      tpu.wait_dma2 semaphore(%run_scoped3A : memref<!tpu.dma_semaphore, #tpu.memory_space<semaphore_mem>>) src(%dma_wait3A_71 : memref<120x128xf32, #tpu.memory_space<vmem>>) dst(%dma_wait3A_68 : memref<120x128xf32, #tpu.memory_space<hbm>>)
      tpu.yield
    }) : () -> ()
    %add3A_38 = arith.constant 240 : i32
    %add3A_39 = arith.addi %mul3A_0, %add3A_38 : i32
    "tpu.region"() ({
      %run_scoped3A = tpu.sem_alloc : memref<!tpu.dma_semaphore, #tpu.memory_space<semaphore_mem>>
      %dma_start3A = arith.constant 0 : i32
      %dma_start3A_54 = arith.constant 0 : i32
      %dma_start3A_55 = tpu.memref_slice %arg8[%dma_start3A, %dma_start3A_54] : memref<120x128xf32, #tpu.memory_space<vmem>> -> memref<120x128xf32, #tpu.memory_space<vmem>>
      %dma_start3A_56 = arith.constant 0 : i32
      %dma_start3A_57 = tpu.memref_slice %arg6[%add3A_39, %dma_start3A_56] : memref<10112x128xf32, #tpu.memory_space<vmem_shared>> -> memref<120x128xf32, #tpu.memory_space<vmem_shared>>
      %dma_start3A_58 = arith.constant 0 : i32
      %dma_start3A_59 = arith.constant 0 : i32
      %dma_start3A_60 = tpu.memref_slice %arg8[%dma_start3A_58, %dma_start3A_59] : memref<120x128xf32, #tpu.memory_space<vmem>> -> memref<120x128xf32, #tpu.memory_space<vmem>>
      %dma_start3A_61 = arith.constant 0 : i32
      %dma_start3A_62 = tpu.memref_slice %arg6[%add3A_39, %dma_start3A_61] : memref<10112x128xf32, #tpu.memory_space<vmem_shared>> -> memref<120x128xf32, #tpu.memory_space<vmem_shared>>
      tpu.enqueue_dma source(%dma_start3A_62 : memref<120x128xf32, #tpu.memory_space<vmem_shared>>) target(%dma_start3A_60 : memref<120x128xf32, #tpu.memory_space<vmem>>) target_semaphore(%run_scoped3A : memref<!tpu.dma_semaphore, #tpu.memory_space<semaphore_mem>>)
      %dma_wait3A = arith.constant 0 : i32
      %dma_wait3A_63 = arith.constant 0 : i32
      %dma_wait3A_64 = tpu.memref_slice %arg8[%dma_wait3A, %dma_wait3A_63] : memref<120x128xf32, #tpu.memory_space<vmem>> -> memref<120x128xf32, #tpu.memory_space<vmem>>
      %dma_wait3A_65 = arith.constant 0 : i32
      %dma_wait3A_66 = tpu.memref_slice %arg6[%add3A_39, %dma_wait3A_65] : memref<10112x128xf32, #tpu.memory_space<vmem_shared>> -> memref<120x128xf32, #tpu.memory_space<vmem_shared>>
      %dma_wait3A_67 = arith.constant 0 : i32
      %dma_wait3A_68 = arith.constant 0 : i32
      %dma_wait3A_69 = tpu.memref_slice %arg8[%dma_wait3A_67, %dma_wait3A_68] : memref<120x128xf32, #tpu.memory_space<vmem>> -> memref<120x128xf32, #tpu.memory_space<vmem>>
      %dma_wait3A_70 = arith.constant 0 : i32
      %dma_wait3A_71 = tpu.memref_slice %arg6[%add3A_39, %dma_wait3A_70] : memref<10112x128xf32, #tpu.memory_space<vmem_shared>> -> memref<120x128xf32, #tpu.memory_space<vmem_shared>>
      tpu.wait_dma2 semaphore(%run_scoped3A : memref<!tpu.dma_semaphore, #tpu.memory_space<semaphore_mem>>) src(%dma_wait3A_71 : memref<120x128xf32, #tpu.memory_space<vmem_shared>>) dst(%dma_wait3A_69 : memref<120x128xf32, #tpu.memory_space<vmem>>)
      tpu.yield
    }) : () -> ()
    %add3A_40 = arith.constant 240 : i32
    %add3A_41 = arith.addi %add3A_11, %add3A_40 : i32
    "tpu.region"() ({
      %run_scoped3A = tpu.sem_alloc : memref<!tpu.dma_semaphore, #tpu.memory_space<semaphore_mem>>
      %dma_start3A = arith.constant 0 : i32
      %dma_start3A_54 = arith.constant 0 : i32
      %dma_start3A_55 = tpu.memref_slice %arg8[%dma_start3A, %dma_start3A_54] : memref<120x128xf32, #tpu.memory_space<vmem>> -> memref<120x128xf32, #tpu.memory_space<vmem>>
      %dma_start3A_56 = arith.constant 0 : i32
      %dma_start3A_57 = tpu.memref_slice %arg5[%add3A_41, %dma_start3A_56] : memref<20224x128xf32, #tpu.memory_space<hbm>> -> memref<120x128xf32, #tpu.memory_space<hbm>>
      %dma_start3A_58 = arith.constant 0 : i32
      %dma_start3A_59 = tpu.memref_slice %arg5[%add3A_41, %dma_start3A_58] : memref<20224x128xf32, #tpu.memory_space<hbm>> -> memref<120x128xf32, #tpu.memory_space<hbm>>
      %dma_start3A_60 = arith.constant 0 : i32
      %dma_start3A_61 = arith.constant 0 : i32
      %dma_start3A_62 = tpu.memref_slice %arg8[%dma_start3A_60, %dma_start3A_61] : memref<120x128xf32, #tpu.memory_space<vmem>> -> memref<120x128xf32, #tpu.memory_space<vmem>>
      tpu.enqueue_dma source(%dma_start3A_62 : memref<120x128xf32, #tpu.memory_space<vmem>>) target(%dma_start3A_59 : memref<120x128xf32, #tpu.memory_space<hbm>>) target_semaphore(%run_scoped3A : memref<!tpu.dma_semaphore, #tpu.memory_space<semaphore_mem>>)
      %dma_wait3A = arith.constant 0 : i32
      %dma_wait3A_63 = arith.constant 0 : i32
      %dma_wait3A_64 = tpu.memref_slice %arg8[%dma_wait3A, %dma_wait3A_63] : memref<120x128xf32, #tpu.memory_space<vmem>> -> memref<120x128xf32, #tpu.memory_space<vmem>>
      %dma_wait3A_65 = arith.constant 0 : i32
      %dma_wait3A_66 = tpu.memref_slice %arg5[%add3A_41, %dma_wait3A_65] : memref<20224x128xf32, #tpu.memory_space<hbm>> -> memref<120x128xf32, #tpu.memory_space<hbm>>
      %dma_wait3A_67 = arith.constant 0 : i32
      %dma_wait3A_68 = tpu.memref_slice %arg5[%add3A_41, %dma_wait3A_67] : memref<20224x128xf32, #tpu.memory_space<hbm>> -> memref<120x128xf32, #tpu.memory_space<hbm>>
      %dma_wait3A_69 = arith.constant 0 : i32
      %dma_wait3A_70 = arith.constant 0 : i32
      %dma_wait3A_71 = tpu.memref_slice %arg8[%dma_wait3A_69, %dma_wait3A_70] : memref<120x128xf32, #tpu.memory_space<vmem>> -> memref<120x128xf32, #tpu.memory_space<vmem>>
      tpu.wait_dma2 semaphore(%run_scoped3A : memref<!tpu.dma_semaphore, #tpu.memory_space<semaphore_mem>>) src(%dma_wait3A_71 : memref<120x128xf32, #tpu.memory_space<vmem>>) dst(%dma_wait3A_68 : memref<120x128xf32, #tpu.memory_space<hbm>>)
      tpu.yield
    }) : () -> ()
    %add3A_42 = arith.constant 360 : i32
    %add3A_43 = arith.addi %mul3A_0, %add3A_42 : i32
    "tpu.region"() ({
      %run_scoped3A = tpu.sem_alloc : memref<!tpu.dma_semaphore, #tpu.memory_space<semaphore_mem>>
      %dma_start3A = arith.constant 0 : i32
      %dma_start3A_54 = arith.constant 0 : i32
      %dma_start3A_55 = tpu.memref_slice %arg8[%dma_start3A, %dma_start3A_54] : memref<120x128xf32, #tpu.memory_space<vmem>> -> memref<120x128xf32, #tpu.memory_space<vmem>>
      %dma_start3A_56 = arith.constant 0 : i32
      %dma_start3A_57 = tpu.memref_slice %arg6[%add3A_43, %dma_start3A_56] : memref<10112x128xf32, #tpu.memory_space<vmem_shared>> -> memref<120x128xf32, #tpu.memory_space<vmem_shared>>
      %dma_start3A_58 = arith.constant 0 : i32
      %dma_start3A_59 = arith.constant 0 : i32
      %dma_start3A_60 = tpu.memref_slice %arg8[%dma_start3A_58, %dma_start3A_59] : memref<120x128xf32, #tpu.memory_space<vmem>> -> memref<120x128xf32, #tpu.memory_space<vmem>>
      %dma_start3A_61 = arith.constant 0 : i32
      %dma_start3A_62 = tpu.memref_slice %arg6[%add3A_43, %dma_start3A_61] : memref<10112x128xf32, #tpu.memory_space<vmem_shared>> -> memref<120x128xf32, #tpu.memory_space<vmem_shared>>
      tpu.enqueue_dma source(%dma_start3A_62 : memref<120x128xf32, #tpu.memory_space<vmem_shared>>) target(%dma_start3A_60 : memref<120x128xf32, #tpu.memory_space<vmem>>) target_semaphore(%run_scoped3A : memref<!tpu.dma_semaphore, #tpu.memory_space<semaphore_mem>>)
      %dma_wait3A = arith.constant 0 : i32
      %dma_wait3A_63 = arith.constant 0 : i32
      %dma_wait3A_64 = tpu.memref_slice %arg8[%dma_wait3A, %dma_wait3A_63] : memref<120x128xf32, #tpu.memory_space<vmem>> -> memref<120x128xf32, #tpu.memory_space<vmem>>
      %dma_wait3A_65 = arith.constant 0 : i32
      %dma_wait3A_66 = tpu.memref_slice %arg6[%add3A_43, %dma_wait3A_65] : memref<10112x128xf32, #tpu.memory_space<vmem_shared>> -> memref<120x128xf32, #tpu.memory_space<vmem_shared>>
      %dma_wait3A_67 = arith.constant 0 : i32
      %dma_wait3A_68 = arith.constant 0 : i32
      %dma_wait3A_69 = tpu.memref_slice %arg8[%dma_wait3A_67, %dma_wait3A_68] : memref<120x128xf32, #tpu.memory_space<vmem>> -> memref<120x128xf32, #tpu.memory_space<vmem>>
      %dma_wait3A_70 = arith.constant 0 : i32
      %dma_wait3A_71 = tpu.memref_slice %arg6[%add3A_43, %dma_wait3A_70] : memref<10112x128xf32, #tpu.memory_space<vmem_shared>> -> memref<120x128xf32, #tpu.memory_space<vmem_shared>>
      tpu.wait_dma2 semaphore(%run_scoped3A : memref<!tpu.dma_semaphore, #tpu.memory_space<semaphore_mem>>) src(%dma_wait3A_71 : memref<120x128xf32, #tpu.memory_space<vmem_shared>>) dst(%dma_wait3A_69 : memref<120x128xf32, #tpu.memory_space<vmem>>)
      tpu.yield
    }) : () -> ()
    %add3A_44 = arith.constant 360 : i32
    %add3A_45 = arith.addi %add3A_11, %add3A_44 : i32
    "tpu.region"() ({
      %run_scoped3A = tpu.sem_alloc : memref<!tpu.dma_semaphore, #tpu.memory_space<semaphore_mem>>
      %dma_start3A = arith.constant 0 : i32
      %dma_start3A_54 = arith.constant 0 : i32
      %dma_start3A_55 = tpu.memref_slice %arg8[%dma_start3A, %dma_start3A_54] : memref<120x128xf32, #tpu.memory_space<vmem>> -> memref<120x128xf32, #tpu.memory_space<vmem>>
      %dma_start3A_56 = arith.constant 0 : i32
      %dma_start3A_57 = tpu.memref_slice %arg5[%add3A_45, %dma_start3A_56] : memref<20224x128xf32, #tpu.memory_space<hbm>> -> memref<120x128xf32, #tpu.memory_space<hbm>>
      %dma_start3A_58 = arith.constant 0 : i32
      %dma_start3A_59 = tpu.memref_slice %arg5[%add3A_45, %dma_start3A_58] : memref<20224x128xf32, #tpu.memory_space<hbm>> -> memref<120x128xf32, #tpu.memory_space<hbm>>
      %dma_start3A_60 = arith.constant 0 : i32
      %dma_start3A_61 = arith.constant 0 : i32
      %dma_start3A_62 = tpu.memref_slice %arg8[%dma_start3A_60, %dma_start3A_61] : memref<120x128xf32, #tpu.memory_space<vmem>> -> memref<120x128xf32, #tpu.memory_space<vmem>>
      tpu.enqueue_dma source(%dma_start3A_62 : memref<120x128xf32, #tpu.memory_space<vmem>>) target(%dma_start3A_59 : memref<120x128xf32, #tpu.memory_space<hbm>>) target_semaphore(%run_scoped3A : memref<!tpu.dma_semaphore, #tpu.memory_space<semaphore_mem>>)
      %dma_wait3A = arith.constant 0 : i32
      %dma_wait3A_63 = arith.constant 0 : i32
      %dma_wait3A_64 = tpu.memref_slice %arg8[%dma_wait3A, %dma_wait3A_63] : memref<120x128xf32, #tpu.memory_space<vmem>> -> memref<120x128xf32, #tpu.memory_space<vmem>>
      %dma_wait3A_65 = arith.constant 0 : i32
      %dma_wait3A_66 = tpu.memref_slice %arg5[%add3A_45, %dma_wait3A_65] : memref<20224x128xf32, #tpu.memory_space<hbm>> -> memref<120x128xf32, #tpu.memory_space<hbm>>
      %dma_wait3A_67 = arith.constant 0 : i32
      %dma_wait3A_68 = tpu.memref_slice %arg5[%add3A_45, %dma_wait3A_67] : memref<20224x128xf32, #tpu.memory_space<hbm>> -> memref<120x128xf32, #tpu.memory_space<hbm>>
      %dma_wait3A_69 = arith.constant 0 : i32
      %dma_wait3A_70 = arith.constant 0 : i32
      %dma_wait3A_71 = tpu.memref_slice %arg8[%dma_wait3A_69, %dma_wait3A_70] : memref<120x128xf32, #tpu.memory_space<vmem>> -> memref<120x128xf32, #tpu.memory_space<vmem>>
      tpu.wait_dma2 semaphore(%run_scoped3A : memref<!tpu.dma_semaphore, #tpu.memory_space<semaphore_mem>>) src(%dma_wait3A_71 : memref<120x128xf32, #tpu.memory_space<vmem>>) dst(%dma_wait3A_68 : memref<120x128xf32, #tpu.memory_space<hbm>>)
      tpu.yield
    }) : () -> ()
    %add3A_46 = arith.constant 480 : i32
    %add3A_47 = arith.addi %mul3A_0, %add3A_46 : i32
    "tpu.region"() ({
      %run_scoped3A = tpu.sem_alloc : memref<!tpu.dma_semaphore, #tpu.memory_space<semaphore_mem>>
      %dma_start3A = arith.constant 0 : i32
      %dma_start3A_54 = arith.constant 0 : i32
      %dma_start3A_55 = tpu.memref_slice %arg8[%dma_start3A, %dma_start3A_54] : memref<120x128xf32, #tpu.memory_space<vmem>> -> memref<120x128xf32, #tpu.memory_space<vmem>>
      %dma_start3A_56 = arith.constant 0 : i32
      %dma_start3A_57 = tpu.memref_slice %arg6[%add3A_47, %dma_start3A_56] : memref<10112x128xf32, #tpu.memory_space<vmem_shared>> -> memref<120x128xf32, #tpu.memory_space<vmem_shared>>
      %dma_start3A_58 = arith.constant 0 : i32
      %dma_start3A_59 = arith.constant 0 : i32
      %dma_start3A_60 = tpu.memref_slice %arg8[%dma_start3A_58, %dma_start3A_59] : memref<120x128xf32, #tpu.memory_space<vmem>> -> memref<120x128xf32, #tpu.memory_space<vmem>>
      %dma_start3A_61 = arith.constant 0 : i32
      %dma_start3A_62 = tpu.memref_slice %arg6[%add3A_47, %dma_start3A_61] : memref<10112x128xf32, #tpu.memory_space<vmem_shared>> -> memref<120x128xf32, #tpu.memory_space<vmem_shared>>
      tpu.enqueue_dma source(%dma_start3A_62 : memref<120x128xf32, #tpu.memory_space<vmem_shared>>) target(%dma_start3A_60 : memref<120x128xf32, #tpu.memory_space<vmem>>) target_semaphore(%run_scoped3A : memref<!tpu.dma_semaphore, #tpu.memory_space<semaphore_mem>>)
      %dma_wait3A = arith.constant 0 : i32
      %dma_wait3A_63 = arith.constant 0 : i32
      %dma_wait3A_64 = tpu.memref_slice %arg8[%dma_wait3A, %dma_wait3A_63] : memref<120x128xf32, #tpu.memory_space<vmem>> -> memref<120x128xf32, #tpu.memory_space<vmem>>
      %dma_wait3A_65 = arith.constant 0 : i32
      %dma_wait3A_66 = tpu.memref_slice %arg6[%add3A_47, %dma_wait3A_65] : memref<10112x128xf32, #tpu.memory_space<vmem_shared>> -> memref<120x128xf32, #tpu.memory_space<vmem_shared>>
      %dma_wait3A_67 = arith.constant 0 : i32
      %dma_wait3A_68 = arith.constant 0 : i32
      %dma_wait3A_69 = tpu.memref_slice %arg8[%dma_wait3A_67, %dma_wait3A_68] : memref<120x128xf32, #tpu.memory_space<vmem>> -> memref<120x128xf32, #tpu.memory_space<vmem>>
      %dma_wait3A_70 = arith.constant 0 : i32
      %dma_wait3A_71 = tpu.memref_slice %arg6[%add3A_47, %dma_wait3A_70] : memref<10112x128xf32, #tpu.memory_space<vmem_shared>> -> memref<120x128xf32, #tpu.memory_space<vmem_shared>>
      tpu.wait_dma2 semaphore(%run_scoped3A : memref<!tpu.dma_semaphore, #tpu.memory_space<semaphore_mem>>) src(%dma_wait3A_71 : memref<120x128xf32, #tpu.memory_space<vmem_shared>>) dst(%dma_wait3A_69 : memref<120x128xf32, #tpu.memory_space<vmem>>)
      tpu.yield
    }) : () -> ()
    %add3A_48 = arith.constant 480 : i32
    %add3A_49 = arith.addi %add3A_11, %add3A_48 : i32
    "tpu.region"() ({
      %run_scoped3A = tpu.sem_alloc : memref<!tpu.dma_semaphore, #tpu.memory_space<semaphore_mem>>
      %dma_start3A = arith.constant 0 : i32
      %dma_start3A_54 = arith.constant 0 : i32
      %dma_start3A_55 = tpu.memref_slice %arg8[%dma_start3A, %dma_start3A_54] : memref<120x128xf32, #tpu.memory_space<vmem>> -> memref<120x128xf32, #tpu.memory_space<vmem>>
      %dma_start3A_56 = arith.constant 0 : i32
      %dma_start3A_57 = tpu.memref_slice %arg5[%add3A_49, %dma_start3A_56] : memref<20224x128xf32, #tpu.memory_space<hbm>> -> memref<120x128xf32, #tpu.memory_space<hbm>>
      %dma_start3A_58 = arith.constant 0 : i32
      %dma_start3A_59 = tpu.memref_slice %arg5[%add3A_49, %dma_start3A_58] : memref<20224x128xf32, #tpu.memory_space<hbm>> -> memref<120x128xf32, #tpu.memory_space<hbm>>
      %dma_start3A_60 = arith.constant 0 : i32
      %dma_start3A_61 = arith.constant 0 : i32
      %dma_start3A_62 = tpu.memref_slice %arg8[%dma_start3A_60, %dma_start3A_61] : memref<120x128xf32, #tpu.memory_space<vmem>> -> memref<120x128xf32, #tpu.memory_space<vmem>>
      tpu.enqueue_dma source(%dma_start3A_62 : memref<120x128xf32, #tpu.memory_space<vmem>>) target(%dma_start3A_59 : memref<120x128xf32, #tpu.memory_space<hbm>>) target_semaphore(%run_scoped3A : memref<!tpu.dma_semaphore, #tpu.memory_space<semaphore_mem>>)
      %dma_wait3A = arith.constant 0 : i32
      %dma_wait3A_63 = arith.constant 0 : i32
      %dma_wait3A_64 = tpu.memref_slice %arg8[%dma_wait3A, %dma_wait3A_63] : memref<120x128xf32, #tpu.memory_space<vmem>> -> memref<120x128xf32, #tpu.memory_space<vmem>>
      %dma_wait3A_65 = arith.constant 0 : i32
      %dma_wait3A_66 = tpu.memref_slice %arg5[%add3A_49, %dma_wait3A_65] : memref<20224x128xf32, #tpu.memory_space<hbm>> -> memref<120x128xf32, #tpu.memory_space<hbm>>
      %dma_wait3A_67 = arith.constant 0 : i32
      %dma_wait3A_68 = tpu.memref_slice %arg5[%add3A_49, %dma_wait3A_67] : memref<20224x128xf32, #tpu.memory_space<hbm>> -> memref<120x128xf32, #tpu.memory_space<hbm>>
      %dma_wait3A_69 = arith.constant 0 : i32
      %dma_wait3A_70 = arith.constant 0 : i32
      %dma_wait3A_71 = tpu.memref_slice %arg8[%dma_wait3A_69, %dma_wait3A_70] : memref<120x128xf32, #tpu.memory_space<vmem>> -> memref<120x128xf32, #tpu.memory_space<vmem>>
      tpu.wait_dma2 semaphore(%run_scoped3A : memref<!tpu.dma_semaphore, #tpu.memory_space<semaphore_mem>>) src(%dma_wait3A_71 : memref<120x128xf32, #tpu.memory_space<vmem>>) dst(%dma_wait3A_68 : memref<120x128xf32, #tpu.memory_space<hbm>>)
      tpu.yield
    }) : () -> ()
    %add3A_50 = arith.constant 600 : i32
    %add3A_51 = arith.addi %mul3A_0, %add3A_50 : i32
    "tpu.region"() ({
      %run_scoped3A = tpu.sem_alloc : memref<!tpu.dma_semaphore, #tpu.memory_space<semaphore_mem>>
      %dma_start3A = arith.constant 0 : i32
      %dma_start3A_54 = arith.constant 0 : i32
      %dma_start3A_55 = tpu.memref_slice %arg8[%dma_start3A, %dma_start3A_54] : memref<120x128xf32, #tpu.memory_space<vmem>> -> memref<32x128xf32, #tpu.memory_space<vmem>>
      %dma_start3A_56 = arith.constant 0 : i32
      %dma_start3A_57 = tpu.memref_slice %arg6[%add3A_51, %dma_start3A_56] : memref<10112x128xf32, #tpu.memory_space<vmem_shared>> -> memref<32x128xf32, #tpu.memory_space<vmem_shared>>
      %dma_start3A_58 = arith.constant 0 : i32
      %dma_start3A_59 = arith.constant 0 : i32
      %dma_start3A_60 = tpu.memref_slice %arg8[%dma_start3A_58, %dma_start3A_59] : memref<120x128xf32, #tpu.memory_space<vmem>> -> memref<32x128xf32, #tpu.memory_space<vmem>>
      %dma_start3A_61 = arith.constant 0 : i32
      %dma_start3A_62 = tpu.memref_slice %arg6[%add3A_51, %dma_start3A_61] : memref<10112x128xf32, #tpu.memory_space<vmem_shared>> -> memref<32x128xf32, #tpu.memory_space<vmem_shared>>
      tpu.enqueue_dma source(%dma_start3A_62 : memref<32x128xf32, #tpu.memory_space<vmem_shared>>) target(%dma_start3A_60 : memref<32x128xf32, #tpu.memory_space<vmem>>) target_semaphore(%run_scoped3A : memref<!tpu.dma_semaphore, #tpu.memory_space<semaphore_mem>>)
      %dma_wait3A = arith.constant 0 : i32
      %dma_wait3A_63 = arith.constant 0 : i32
      %dma_wait3A_64 = tpu.memref_slice %arg8[%dma_wait3A, %dma_wait3A_63] : memref<120x128xf32, #tpu.memory_space<vmem>> -> memref<32x128xf32, #tpu.memory_space<vmem>>
      %dma_wait3A_65 = arith.constant 0 : i32
      %dma_wait3A_66 = tpu.memref_slice %arg6[%add3A_51, %dma_wait3A_65] : memref<10112x128xf32, #tpu.memory_space<vmem_shared>> -> memref<32x128xf32, #tpu.memory_space<vmem_shared>>
      %dma_wait3A_67 = arith.constant 0 : i32
      %dma_wait3A_68 = arith.constant 0 : i32
      %dma_wait3A_69 = tpu.memref_slice %arg8[%dma_wait3A_67, %dma_wait3A_68] : memref<120x128xf32, #tpu.memory_space<vmem>> -> memref<32x128xf32, #tpu.memory_space<vmem>>
      %dma_wait3A_70 = arith.constant 0 : i32
      %dma_wait3A_71 = tpu.memref_slice %arg6[%add3A_51, %dma_wait3A_70] : memref<10112x128xf32, #tpu.memory_space<vmem_shared>> -> memref<32x128xf32, #tpu.memory_space<vmem_shared>>
      tpu.wait_dma2 semaphore(%run_scoped3A : memref<!tpu.dma_semaphore, #tpu.memory_space<semaphore_mem>>) src(%dma_wait3A_71 : memref<32x128xf32, #tpu.memory_space<vmem_shared>>) dst(%dma_wait3A_69 : memref<32x128xf32, #tpu.memory_space<vmem>>)
      tpu.yield
    }) : () -> ()
    %add3A_52 = arith.constant 600 : i32
    %add3A_53 = arith.addi %add3A_11, %add3A_52 : i32
    "tpu.region"() ({
      %run_scoped3A = tpu.sem_alloc : memref<!tpu.dma_semaphore, #tpu.memory_space<semaphore_mem>>
      %dma_start3A = arith.constant 0 : i32
      %dma_start3A_54 = arith.constant 0 : i32
      %dma_start3A_55 = tpu.memref_slice %arg8[%dma_start3A, %dma_start3A_54] : memref<120x128xf32, #tpu.memory_space<vmem>> -> memref<32x128xf32, #tpu.memory_space<vmem>>
      %dma_start3A_56 = arith.constant 0 : i32
      %dma_start3A_57 = tpu.memref_slice %arg5[%add3A_53, %dma_start3A_56] : memref<20224x128xf32, #tpu.memory_space<hbm>> -> memref<32x128xf32, #tpu.memory_space<hbm>>
      %dma_start3A_58 = arith.constant 0 : i32
      %dma_start3A_59 = tpu.memref_slice %arg5[%add3A_53, %dma_start3A_58] : memref<20224x128xf32, #tpu.memory_space<hbm>> -> memref<32x128xf32, #tpu.memory_space<hbm>>
      %dma_start3A_60 = arith.constant 0 : i32
      %dma_start3A_61 = arith.constant 0 : i32
      %dma_start3A_62 = tpu.memref_slice %arg8[%dma_start3A_60, %dma_start3A_61] : memref<120x128xf32, #tpu.memory_space<vmem>> -> memref<32x128xf32, #tpu.memory_space<vmem>>
      tpu.enqueue_dma source(%dma_start3A_62 : memref<32x128xf32, #tpu.memory_space<vmem>>) target(%dma_start3A_59 : memref<32x128xf32, #tpu.memory_space<hbm>>) target_semaphore(%run_scoped3A : memref<!tpu.dma_semaphore, #tpu.memory_space<semaphore_mem>>)
      %dma_wait3A = arith.constant 0 : i32
      %dma_wait3A_63 = arith.constant 0 : i32
      %dma_wait3A_64 = tpu.memref_slice %arg8[%dma_wait3A, %dma_wait3A_63] : memref<120x128xf32, #tpu.memory_space<vmem>> -> memref<32x128xf32, #tpu.memory_space<vmem>>
      %dma_wait3A_65 = arith.constant 0 : i32
      %dma_wait3A_66 = tpu.memref_slice %arg5[%add3A_53, %dma_wait3A_65] : memref<20224x128xf32, #tpu.memory_space<hbm>> -> memref<32x128xf32, #tpu.memory_space<hbm>>
      %dma_wait3A_67 = arith.constant 0 : i32
      %dma_wait3A_68 = tpu.memref_slice %arg5[%add3A_53, %dma_wait3A_67] : memref<20224x128xf32, #tpu.memory_space<hbm>> -> memref<32x128xf32, #tpu.memory_space<hbm>>
      %dma_wait3A_69 = arith.constant 0 : i32
      %dma_wait3A_70 = arith.constant 0 : i32
      %dma_wait3A_71 = tpu.memref_slice %arg8[%dma_wait3A_69, %dma_wait3A_70] : memref<120x128xf32, #tpu.memory_space<vmem>> -> memref<32x128xf32, #tpu.memory_space<vmem>>
      tpu.wait_dma2 semaphore(%run_scoped3A : memref<!tpu.dma_semaphore, #tpu.memory_space<semaphore_mem>>) src(%dma_wait3A_71 : memref<32x128xf32, #tpu.memory_space<vmem>>) dst(%dma_wait3A_68 : memref<32x128xf32, #tpu.memory_space<hbm>>)
      tpu.yield
    }) : () -> ()
    return
  }
}

#map = affine_map<(d0, d1) -> (0, 0)>
module attributes {stable_mosaic.version = 14 : i64} {
  func.func @_sc_body(%arg0: i32, %arg1: i32, %arg2: memref<20224x128xf32, #tpu.memory_space<hbm>>, %arg3: memref<10752x120xi32, #tpu.memory_space<hbm>>, %arg4: memref<120x128xf32, #tpu.memory_space<hbm>>, %arg5: memref<120x128xf32, #tpu.memory_space<hbm>>, %arg6: memref<20224x128xf32, #tpu.memory_space<hbm>>, %arg7: memref<20224x128xf32, #tpu.memory_space<hbm>>, %arg8: memref<10112x128xf32, #tpu.memory_space<vmem_shared>>, %arg9: memref<16x120xi32, #tpu.memory_space<vmem>>, %arg10: memref<120x128xf32, #tpu.memory_space<vmem>>, %arg11: memref<120x128xf32, #tpu.memory_space<vmem>>, %arg12: memref<!tpu.dma_semaphore, #tpu.memory_space<semaphore_mem>>, %arg13: memref<!tpu.dma_semaphore, #tpu.memory_space<semaphore_mem>>) attributes {dimension_semantics = [#tpu.dimension_semantics<core_parallel>, #tpu.dimension_semantics<subcore_parallel>], iteration_bounds = array<i64: 2, 16>, scalar_prefetch = 0 : i64, scratch_operands = 6 : i64, tpu.core_type = #tpu.core_type<sc_vector_subcore>, window_params = [{transform_indices = #map}, {transform_indices = #map}, {transform_indices = #map}, {transform_indices = #map}, {transform_indices = #map}, {transform_indices = #map}]} {
    %mul3A = arith.constant 632 : i32
    %mul3A_0 = arith.muli %arg1, %mul3A : i32
    %mul3A_1 = arith.constant 336 : i32
    %mul3A_2 = arith.muli %arg0, %mul3A_1 : i32
    %mul3A_3 = arith.constant 21 : i32
    %mul3A_4 = arith.muli %arg1, %mul3A_3 : i32
    %add3A = arith.addi %mul3A_2, %mul3A_4 : i32
    %mul3A_5 = arith.constant 2 : i32
    %mul3A_6 = arith.muli %add3A, %mul3A_5 : i32
    %mul3A_7 = arith.constant 8 : i32
    %mul3A_8 = arith.muli %mul3A_6, %mul3A_7 : i32
    %mul3A_9 = arith.constant 10112 : i32
    %mul3A_10 = arith.muli %arg0, %mul3A_9 : i32
    %add3A_11 = arith.addi %mul3A_10, %mul3A_0 : i32
    "tpu.region"() ({
      %run_scoped3A = tpu.sem_alloc : memref<!tpu.dma_semaphore, #tpu.memory_space<semaphore_mem>>
      tpu.enqueue_dma source(%arg4 : memref<120x128xf32, #tpu.memory_space<hbm>>) target(%arg10 : memref<120x128xf32, #tpu.memory_space<vmem>>) target_semaphore(%run_scoped3A : memref<!tpu.dma_semaphore, #tpu.memory_space<semaphore_mem>>)
      tpu.wait_dma2 semaphore(%run_scoped3A : memref<!tpu.dma_semaphore, #tpu.memory_space<semaphore_mem>>) src(%arg4 : memref<120x128xf32, #tpu.memory_space<hbm>>) dst(%arg10 : memref<120x128xf32, #tpu.memory_space<vmem>>)
      tpu.yield
    }) : () -> ()
    %add3A_12 = arith.constant 0 : i32
    %add3A_13 = arith.addi %mul3A_0, %add3A_12 : i32
    "tpu.region"() ({
      %run_scoped3A = tpu.sem_alloc : memref<!tpu.dma_semaphore, #tpu.memory_space<semaphore_mem>>
      %dma_start3A = arith.constant 0 : i32
      %dma_start3A_98 = arith.constant 0 : i32
      %dma_start3A_99 = tpu.memref_slice %arg10[%dma_start3A, %dma_start3A_98] : memref<120x128xf32, #tpu.memory_space<vmem>> -> memref<120x128xf32, #tpu.memory_space<vmem>>
      %dma_start3A_100 = arith.constant 0 : i32
      %dma_start3A_101 = tpu.memref_slice %arg8[%add3A_13, %dma_start3A_100] : memref<10112x128xf32, #tpu.memory_space<vmem_shared>> -> memref<120x128xf32, #tpu.memory_space<vmem_shared>>
      %dma_start3A_102 = arith.constant 0 : i32
      %dma_start3A_103 = tpu.memref_slice %arg8[%add3A_13, %dma_start3A_102] : memref<10112x128xf32, #tpu.memory_space<vmem_shared>> -> memref<120x128xf32, #tpu.memory_space<vmem_shared>>
      %dma_start3A_104 = arith.constant 0 : i32
      %dma_start3A_105 = arith.constant 0 : i32
      %dma_start3A_106 = tpu.memref_slice %arg10[%dma_start3A_104, %dma_start3A_105] : memref<120x128xf32, #tpu.memory_space<vmem>> -> memref<120x128xf32, #tpu.memory_space<vmem>>
      tpu.enqueue_dma source(%dma_start3A_106 : memref<120x128xf32, #tpu.memory_space<vmem>>) target(%dma_start3A_103 : memref<120x128xf32, #tpu.memory_space<vmem_shared>>) target_semaphore(%run_scoped3A : memref<!tpu.dma_semaphore, #tpu.memory_space<semaphore_mem>>)
      %dma_wait3A = arith.constant 0 : i32
      %dma_wait3A_107 = arith.constant 0 : i32
      %dma_wait3A_108 = tpu.memref_slice %arg10[%dma_wait3A, %dma_wait3A_107] : memref<120x128xf32, #tpu.memory_space<vmem>> -> memref<120x128xf32, #tpu.memory_space<vmem>>
      %dma_wait3A_109 = arith.constant 0 : i32
      %dma_wait3A_110 = tpu.memref_slice %arg8[%add3A_13, %dma_wait3A_109] : memref<10112x128xf32, #tpu.memory_space<vmem_shared>> -> memref<120x128xf32, #tpu.memory_space<vmem_shared>>
      %dma_wait3A_111 = arith.constant 0 : i32
      %dma_wait3A_112 = tpu.memref_slice %arg8[%add3A_13, %dma_wait3A_111] : memref<10112x128xf32, #tpu.memory_space<vmem_shared>> -> memref<120x128xf32, #tpu.memory_space<vmem_shared>>
      %dma_wait3A_113 = arith.constant 0 : i32
      %dma_wait3A_114 = arith.constant 0 : i32
      %dma_wait3A_115 = tpu.memref_slice %arg10[%dma_wait3A_113, %dma_wait3A_114] : memref<120x128xf32, #tpu.memory_space<vmem>> -> memref<120x128xf32, #tpu.memory_space<vmem>>
      tpu.wait_dma2 semaphore(%run_scoped3A : memref<!tpu.dma_semaphore, #tpu.memory_space<semaphore_mem>>) src(%dma_wait3A_115 : memref<120x128xf32, #tpu.memory_space<vmem>>) dst(%dma_wait3A_112 : memref<120x128xf32, #tpu.memory_space<vmem_shared>>)
      tpu.yield
    }) : () -> ()
    %add3A_14 = arith.constant 120 : i32
    %add3A_15 = arith.addi %mul3A_0, %add3A_14 : i32
    "tpu.region"() ({
      %run_scoped3A = tpu.sem_alloc : memref<!tpu.dma_semaphore, #tpu.memory_space<semaphore_mem>>
      %dma_start3A = arith.constant 0 : i32
      %dma_start3A_98 = arith.constant 0 : i32
      %dma_start3A_99 = tpu.memref_slice %arg10[%dma_start3A, %dma_start3A_98] : memref<120x128xf32, #tpu.memory_space<vmem>> -> memref<120x128xf32, #tpu.memory_space<vmem>>
      %dma_start3A_100 = arith.constant 0 : i32
      %dma_start3A_101 = tpu.memref_slice %arg8[%add3A_15, %dma_start3A_100] : memref<10112x128xf32, #tpu.memory_space<vmem_shared>> -> memref<120x128xf32, #tpu.memory_space<vmem_shared>>
      %dma_start3A_102 = arith.constant 0 : i32
      %dma_start3A_103 = tpu.memref_slice %arg8[%add3A_15, %dma_start3A_102] : memref<10112x128xf32, #tpu.memory_space<vmem_shared>> -> memref<120x128xf32, #tpu.memory_space<vmem_shared>>
      %dma_start3A_104 = arith.constant 0 : i32
      %dma_start3A_105 = arith.constant 0 : i32
      %dma_start3A_106 = tpu.memref_slice %arg10[%dma_start3A_104, %dma_start3A_105] : memref<120x128xf32, #tpu.memory_space<vmem>> -> memref<120x128xf32, #tpu.memory_space<vmem>>
      tpu.enqueue_dma source(%dma_start3A_106 : memref<120x128xf32, #tpu.memory_space<vmem>>) target(%dma_start3A_103 : memref<120x128xf32, #tpu.memory_space<vmem_shared>>) target_semaphore(%run_scoped3A : memref<!tpu.dma_semaphore, #tpu.memory_space<semaphore_mem>>)
      %dma_wait3A = arith.constant 0 : i32
      %dma_wait3A_107 = arith.constant 0 : i32
      %dma_wait3A_108 = tpu.memref_slice %arg10[%dma_wait3A, %dma_wait3A_107] : memref<120x128xf32, #tpu.memory_space<vmem>> -> memref<120x128xf32, #tpu.memory_space<vmem>>
      %dma_wait3A_109 = arith.constant 0 : i32
      %dma_wait3A_110 = tpu.memref_slice %arg8[%add3A_15, %dma_wait3A_109] : memref<10112x128xf32, #tpu.memory_space<vmem_shared>> -> memref<120x128xf32, #tpu.memory_space<vmem_shared>>
      %dma_wait3A_111 = arith.constant 0 : i32
      %dma_wait3A_112 = tpu.memref_slice %arg8[%add3A_15, %dma_wait3A_111] : memref<10112x128xf32, #tpu.memory_space<vmem_shared>> -> memref<120x128xf32, #tpu.memory_space<vmem_shared>>
      %dma_wait3A_113 = arith.constant 0 : i32
      %dma_wait3A_114 = arith.constant 0 : i32
      %dma_wait3A_115 = tpu.memref_slice %arg10[%dma_wait3A_113, %dma_wait3A_114] : memref<120x128xf32, #tpu.memory_space<vmem>> -> memref<120x128xf32, #tpu.memory_space<vmem>>
      tpu.wait_dma2 semaphore(%run_scoped3A : memref<!tpu.dma_semaphore, #tpu.memory_space<semaphore_mem>>) src(%dma_wait3A_115 : memref<120x128xf32, #tpu.memory_space<vmem>>) dst(%dma_wait3A_112 : memref<120x128xf32, #tpu.memory_space<vmem_shared>>)
      tpu.yield
    }) : () -> ()
    %add3A_16 = arith.constant 240 : i32
    %add3A_17 = arith.addi %mul3A_0, %add3A_16 : i32
    "tpu.region"() ({
      %run_scoped3A = tpu.sem_alloc : memref<!tpu.dma_semaphore, #tpu.memory_space<semaphore_mem>>
      %dma_start3A = arith.constant 0 : i32
      %dma_start3A_98 = arith.constant 0 : i32
      %dma_start3A_99 = tpu.memref_slice %arg10[%dma_start3A, %dma_start3A_98] : memref<120x128xf32, #tpu.memory_space<vmem>> -> memref<120x128xf32, #tpu.memory_space<vmem>>
      %dma_start3A_100 = arith.constant 0 : i32
      %dma_start3A_101 = tpu.memref_slice %arg8[%add3A_17, %dma_start3A_100] : memref<10112x128xf32, #tpu.memory_space<vmem_shared>> -> memref<120x128xf32, #tpu.memory_space<vmem_shared>>
      %dma_start3A_102 = arith.constant 0 : i32
      %dma_start3A_103 = tpu.memref_slice %arg8[%add3A_17, %dma_start3A_102] : memref<10112x128xf32, #tpu.memory_space<vmem_shared>> -> memref<120x128xf32, #tpu.memory_space<vmem_shared>>
      %dma_start3A_104 = arith.constant 0 : i32
      %dma_start3A_105 = arith.constant 0 : i32
      %dma_start3A_106 = tpu.memref_slice %arg10[%dma_start3A_104, %dma_start3A_105] : memref<120x128xf32, #tpu.memory_space<vmem>> -> memref<120x128xf32, #tpu.memory_space<vmem>>
      tpu.enqueue_dma source(%dma_start3A_106 : memref<120x128xf32, #tpu.memory_space<vmem>>) target(%dma_start3A_103 : memref<120x128xf32, #tpu.memory_space<vmem_shared>>) target_semaphore(%run_scoped3A : memref<!tpu.dma_semaphore, #tpu.memory_space<semaphore_mem>>)
      %dma_wait3A = arith.constant 0 : i32
      %dma_wait3A_107 = arith.constant 0 : i32
      %dma_wait3A_108 = tpu.memref_slice %arg10[%dma_wait3A, %dma_wait3A_107] : memref<120x128xf32, #tpu.memory_space<vmem>> -> memref<120x128xf32, #tpu.memory_space<vmem>>
      %dma_wait3A_109 = arith.constant 0 : i32
      %dma_wait3A_110 = tpu.memref_slice %arg8[%add3A_17, %dma_wait3A_109] : memref<10112x128xf32, #tpu.memory_space<vmem_shared>> -> memref<120x128xf32, #tpu.memory_space<vmem_shared>>
      %dma_wait3A_111 = arith.constant 0 : i32
      %dma_wait3A_112 = tpu.memref_slice %arg8[%add3A_17, %dma_wait3A_111] : memref<10112x128xf32, #tpu.memory_space<vmem_shared>> -> memref<120x128xf32, #tpu.memory_space<vmem_shared>>
      %dma_wait3A_113 = arith.constant 0 : i32
      %dma_wait3A_114 = arith.constant 0 : i32
      %dma_wait3A_115 = tpu.memref_slice %arg10[%dma_wait3A_113, %dma_wait3A_114] : memref<120x128xf32, #tpu.memory_space<vmem>> -> memref<120x128xf32, #tpu.memory_space<vmem>>
      tpu.wait_dma2 semaphore(%run_scoped3A : memref<!tpu.dma_semaphore, #tpu.memory_space<semaphore_mem>>) src(%dma_wait3A_115 : memref<120x128xf32, #tpu.memory_space<vmem>>) dst(%dma_wait3A_112 : memref<120x128xf32, #tpu.memory_space<vmem_shared>>)
      tpu.yield
    }) : () -> ()
    %add3A_18 = arith.constant 360 : i32
    %add3A_19 = arith.addi %mul3A_0, %add3A_18 : i32
    "tpu.region"() ({
      %run_scoped3A = tpu.sem_alloc : memref<!tpu.dma_semaphore, #tpu.memory_space<semaphore_mem>>
      %dma_start3A = arith.constant 0 : i32
      %dma_start3A_98 = arith.constant 0 : i32
      %dma_start3A_99 = tpu.memref_slice %arg10[%dma_start3A, %dma_start3A_98] : memref<120x128xf32, #tpu.memory_space<vmem>> -> memref<120x128xf32, #tpu.memory_space<vmem>>
      %dma_start3A_100 = arith.constant 0 : i32
      %dma_start3A_101 = tpu.memref_slice %arg8[%add3A_19, %dma_start3A_100] : memref<10112x128xf32, #tpu.memory_space<vmem_shared>> -> memref<120x128xf32, #tpu.memory_space<vmem_shared>>
      %dma_start3A_102 = arith.constant 0 : i32
      %dma_start3A_103 = tpu.memref_slice %arg8[%add3A_19, %dma_start3A_102] : memref<10112x128xf32, #tpu.memory_space<vmem_shared>> -> memref<120x128xf32, #tpu.memory_space<vmem_shared>>
      %dma_start3A_104 = arith.constant 0 : i32
      %dma_start3A_105 = arith.constant 0 : i32
      %dma_start3A_106 = tpu.memref_slice %arg10[%dma_start3A_104, %dma_start3A_105] : memref<120x128xf32, #tpu.memory_space<vmem>> -> memref<120x128xf32, #tpu.memory_space<vmem>>
      tpu.enqueue_dma source(%dma_start3A_106 : memref<120x128xf32, #tpu.memory_space<vmem>>) target(%dma_start3A_103 : memref<120x128xf32, #tpu.memory_space<vmem_shared>>) target_semaphore(%run_scoped3A : memref<!tpu.dma_semaphore, #tpu.memory_space<semaphore_mem>>)
      %dma_wait3A = arith.constant 0 : i32
      %dma_wait3A_107 = arith.constant 0 : i32
      %dma_wait3A_108 = tpu.memref_slice %arg10[%dma_wait3A, %dma_wait3A_107] : memref<120x128xf32, #tpu.memory_space<vmem>> -> memref<120x128xf32, #tpu.memory_space<vmem>>
      %dma_wait3A_109 = arith.constant 0 : i32
      %dma_wait3A_110 = tpu.memref_slice %arg8[%add3A_19, %dma_wait3A_109] : memref<10112x128xf32, #tpu.memory_space<vmem_shared>> -> memref<120x128xf32, #tpu.memory_space<vmem_shared>>
      %dma_wait3A_111 = arith.constant 0 : i32
      %dma_wait3A_112 = tpu.memref_slice %arg8[%add3A_19, %dma_wait3A_111] : memref<10112x128xf32, #tpu.memory_space<vmem_shared>> -> memref<120x128xf32, #tpu.memory_space<vmem_shared>>
      %dma_wait3A_113 = arith.constant 0 : i32
      %dma_wait3A_114 = arith.constant 0 : i32
      %dma_wait3A_115 = tpu.memref_slice %arg10[%dma_wait3A_113, %dma_wait3A_114] : memref<120x128xf32, #tpu.memory_space<vmem>> -> memref<120x128xf32, #tpu.memory_space<vmem>>
      tpu.wait_dma2 semaphore(%run_scoped3A : memref<!tpu.dma_semaphore, #tpu.memory_space<semaphore_mem>>) src(%dma_wait3A_115 : memref<120x128xf32, #tpu.memory_space<vmem>>) dst(%dma_wait3A_112 : memref<120x128xf32, #tpu.memory_space<vmem_shared>>)
      tpu.yield
    }) : () -> ()
    %add3A_20 = arith.constant 480 : i32
    %add3A_21 = arith.addi %mul3A_0, %add3A_20 : i32
    "tpu.region"() ({
      %run_scoped3A = tpu.sem_alloc : memref<!tpu.dma_semaphore, #tpu.memory_space<semaphore_mem>>
      %dma_start3A = arith.constant 0 : i32
      %dma_start3A_98 = arith.constant 0 : i32
      %dma_start3A_99 = tpu.memref_slice %arg10[%dma_start3A, %dma_start3A_98] : memref<120x128xf32, #tpu.memory_space<vmem>> -> memref<120x128xf32, #tpu.memory_space<vmem>>
      %dma_start3A_100 = arith.constant 0 : i32
      %dma_start3A_101 = tpu.memref_slice %arg8[%add3A_21, %dma_start3A_100] : memref<10112x128xf32, #tpu.memory_space<vmem_shared>> -> memref<120x128xf32, #tpu.memory_space<vmem_shared>>
      %dma_start3A_102 = arith.constant 0 : i32
      %dma_start3A_103 = tpu.memref_slice %arg8[%add3A_21, %dma_start3A_102] : memref<10112x128xf32, #tpu.memory_space<vmem_shared>> -> memref<120x128xf32, #tpu.memory_space<vmem_shared>>
      %dma_start3A_104 = arith.constant 0 : i32
      %dma_start3A_105 = arith.constant 0 : i32
      %dma_start3A_106 = tpu.memref_slice %arg10[%dma_start3A_104, %dma_start3A_105] : memref<120x128xf32, #tpu.memory_space<vmem>> -> memref<120x128xf32, #tpu.memory_space<vmem>>
      tpu.enqueue_dma source(%dma_start3A_106 : memref<120x128xf32, #tpu.memory_space<vmem>>) target(%dma_start3A_103 : memref<120x128xf32, #tpu.memory_space<vmem_shared>>) target_semaphore(%run_scoped3A : memref<!tpu.dma_semaphore, #tpu.memory_space<semaphore_mem>>)
      %dma_wait3A = arith.constant 0 : i32
      %dma_wait3A_107 = arith.constant 0 : i32
      %dma_wait3A_108 = tpu.memref_slice %arg10[%dma_wait3A, %dma_wait3A_107] : memref<120x128xf32, #tpu.memory_space<vmem>> -> memref<120x128xf32, #tpu.memory_space<vmem>>
      %dma_wait3A_109 = arith.constant 0 : i32
      %dma_wait3A_110 = tpu.memref_slice %arg8[%add3A_21, %dma_wait3A_109] : memref<10112x128xf32, #tpu.memory_space<vmem_shared>> -> memref<120x128xf32, #tpu.memory_space<vmem_shared>>
      %dma_wait3A_111 = arith.constant 0 : i32
      %dma_wait3A_112 = tpu.memref_slice %arg8[%add3A_21, %dma_wait3A_111] : memref<10112x128xf32, #tpu.memory_space<vmem_shared>> -> memref<120x128xf32, #tpu.memory_space<vmem_shared>>
      %dma_wait3A_113 = arith.constant 0 : i32
      %dma_wait3A_114 = arith.constant 0 : i32
      %dma_wait3A_115 = tpu.memref_slice %arg10[%dma_wait3A_113, %dma_wait3A_114] : memref<120x128xf32, #tpu.memory_space<vmem>> -> memref<120x128xf32, #tpu.memory_space<vmem>>
      tpu.wait_dma2 semaphore(%run_scoped3A : memref<!tpu.dma_semaphore, #tpu.memory_space<semaphore_mem>>) src(%dma_wait3A_115 : memref<120x128xf32, #tpu.memory_space<vmem>>) dst(%dma_wait3A_112 : memref<120x128xf32, #tpu.memory_space<vmem_shared>>)
      tpu.yield
    }) : () -> ()
    %add3A_22 = arith.constant 600 : i32
    %add3A_23 = arith.addi %mul3A_0, %add3A_22 : i32
    "tpu.region"() ({
      %run_scoped3A = tpu.sem_alloc : memref<!tpu.dma_semaphore, #tpu.memory_space<semaphore_mem>>
      %dma_start3A = arith.constant 0 : i32
      %dma_start3A_98 = arith.constant 0 : i32
      %dma_start3A_99 = tpu.memref_slice %arg10[%dma_start3A, %dma_start3A_98] : memref<120x128xf32, #tpu.memory_space<vmem>> -> memref<32x128xf32, #tpu.memory_space<vmem>>
      %dma_start3A_100 = arith.constant 0 : i32
      %dma_start3A_101 = tpu.memref_slice %arg8[%add3A_23, %dma_start3A_100] : memref<10112x128xf32, #tpu.memory_space<vmem_shared>> -> memref<32x128xf32, #tpu.memory_space<vmem_shared>>
      %dma_start3A_102 = arith.constant 0 : i32
      %dma_start3A_103 = tpu.memref_slice %arg8[%add3A_23, %dma_start3A_102] : memref<10112x128xf32, #tpu.memory_space<vmem_shared>> -> memref<32x128xf32, #tpu.memory_space<vmem_shared>>
      %dma_start3A_104 = arith.constant 0 : i32
      %dma_start3A_105 = arith.constant 0 : i32
      %dma_start3A_106 = tpu.memref_slice %arg10[%dma_start3A_104, %dma_start3A_105] : memref<120x128xf32, #tpu.memory_space<vmem>> -> memref<32x128xf32, #tpu.memory_space<vmem>>
      tpu.enqueue_dma source(%dma_start3A_106 : memref<32x128xf32, #tpu.memory_space<vmem>>) target(%dma_start3A_103 : memref<32x128xf32, #tpu.memory_space<vmem_shared>>) target_semaphore(%run_scoped3A : memref<!tpu.dma_semaphore, #tpu.memory_space<semaphore_mem>>)
      %dma_wait3A = arith.constant 0 : i32
      %dma_wait3A_107 = arith.constant 0 : i32
      %dma_wait3A_108 = tpu.memref_slice %arg10[%dma_wait3A, %dma_wait3A_107] : memref<120x128xf32, #tpu.memory_space<vmem>> -> memref<32x128xf32, #tpu.memory_space<vmem>>
      %dma_wait3A_109 = arith.constant 0 : i32
      %dma_wait3A_110 = tpu.memref_slice %arg8[%add3A_23, %dma_wait3A_109] : memref<10112x128xf32, #tpu.memory_space<vmem_shared>> -> memref<32x128xf32, #tpu.memory_space<vmem_shared>>
      %dma_wait3A_111 = arith.constant 0 : i32
      %dma_wait3A_112 = tpu.memref_slice %arg8[%add3A_23, %dma_wait3A_111] : memref<10112x128xf32, #tpu.memory_space<vmem_shared>> -> memref<32x128xf32, #tpu.memory_space<vmem_shared>>
      %dma_wait3A_113 = arith.constant 0 : i32
      %dma_wait3A_114 = arith.constant 0 : i32
      %dma_wait3A_115 = tpu.memref_slice %arg10[%dma_wait3A_113, %dma_wait3A_114] : memref<120x128xf32, #tpu.memory_space<vmem>> -> memref<32x128xf32, #tpu.memory_space<vmem>>
      tpu.wait_dma2 semaphore(%run_scoped3A : memref<!tpu.dma_semaphore, #tpu.memory_space<semaphore_mem>>) src(%dma_wait3A_115 : memref<32x128xf32, #tpu.memory_space<vmem>>) dst(%dma_wait3A_112 : memref<32x128xf32, #tpu.memory_space<vmem_shared>>)
      tpu.yield
    }) : () -> ()
    "tpu.region"() ({
      %run_scoped3A = tpu.sem_alloc : memref<!tpu.dma_semaphore, #tpu.memory_space<semaphore_mem>>
      tpu.enqueue_dma source(%arg5 : memref<120x128xf32, #tpu.memory_space<hbm>>) target(%arg10 : memref<120x128xf32, #tpu.memory_space<vmem>>) target_semaphore(%run_scoped3A : memref<!tpu.dma_semaphore, #tpu.memory_space<semaphore_mem>>)
      tpu.wait_dma2 semaphore(%run_scoped3A : memref<!tpu.dma_semaphore, #tpu.memory_space<semaphore_mem>>) src(%arg5 : memref<120x128xf32, #tpu.memory_space<hbm>>) dst(%arg10 : memref<120x128xf32, #tpu.memory_space<vmem>>)
      tpu.yield
    }) : () -> ()
    %barrier3A = arith.constant 0 : index
    tpu.barrier barrier_id(%barrier3A)
    %scan3A = arith.constant 0 : i32
    %scan3A_24 = arith.constant 0 : i32
    %scan3A_25 = arith.constant 21 : i32
    %scan3A_26 = arith.addi %scan3A_24, %scan3A_25 : i32
    %scan3A_27 = arith.constant 1 : i32
    scf.for %scan3A_98 = %scan3A_24 to %scan3A_26 step %scan3A_27  : i32 {
      %mul3A_99 = arith.constant 2 : i32
      %mul3A_100 = arith.muli %scan3A_98, %mul3A_99 : i32
      %mul3A_101 = arith.constant 8 : i32
      %mul3A_102 = arith.muli %mul3A_100, %mul3A_101 : i32
      %add3A_103 = arith.addi %mul3A_8, %mul3A_102 : i32
      "tpu.region"() ({
        %run_scoped3A = tpu.sem_alloc : memref<!tpu.dma_semaphore, #tpu.memory_space<semaphore_mem>>
        %dma_start3A = arith.constant 0 : i32
        %dma_start3A_109 = tpu.memref_slice %arg3[%add3A_103, %dma_start3A] : memref<10752x120xi32, #tpu.memory_space<hbm>> -> memref<16x120xi32, #tpu.memory_space<hbm>>
        %dma_start3A_110 = arith.constant 0 : i32
        %dma_start3A_111 = tpu.memref_slice %arg3[%add3A_103, %dma_start3A_110] : memref<10752x120xi32, #tpu.memory_space<hbm>> -> memref<16x120xi32, #tpu.memory_space<hbm>>
        tpu.enqueue_dma source(%dma_start3A_111 : memref<16x120xi32, #tpu.memory_space<hbm>>) target(%arg9 : memref<16x120xi32, #tpu.memory_space<vmem>>) target_semaphore(%run_scoped3A : memref<!tpu.dma_semaphore, #tpu.memory_space<semaphore_mem>>)
        %dma_wait3A = arith.constant 0 : i32
        %dma_wait3A_112 = tpu.memref_slice %arg3[%add3A_103, %dma_wait3A] : memref<10752x120xi32, #tpu.memory_space<hbm>> -> memref<16x120xi32, #tpu.memory_space<hbm>>
        %dma_wait3A_113 = arith.constant 0 : i32
        %dma_wait3A_114 = tpu.memref_slice %arg3[%add3A_103, %dma_wait3A_113] : memref<10752x120xi32, #tpu.memory_space<hbm>> -> memref<16x120xi32, #tpu.memory_space<hbm>>
        tpu.wait_dma2 semaphore(%run_scoped3A : memref<!tpu.dma_semaphore, #tpu.memory_space<semaphore_mem>>) src(%dma_wait3A_114 : memref<16x120xi32, #tpu.memory_space<hbm>>) dst(%arg9 : memref<16x120xi32, #tpu.memory_space<vmem>>)
        tpu.yield
      }) : () -> ()
      %scan3A_104 = arith.constant 0 : i32
      %scan3A_105 = arith.constant 8 : i32
      %scan3A_106 = arith.addi %scan3A_104, %scan3A_105 : i32
      %scan3A_107 = arith.constant 1 : i32
      scf.for %scan3A_109 = %scan3A_104 to %scan3A_106 step %scan3A_107  : i32 {
        %add3A_110 = arith.constant 8 : i32
        %add3A_111 = arith.addi %add3A_110, %scan3A_109 : i32
        "tpu.region"() ({
          %run_scoped3A = tpu.sem_alloc : memref<!tpu.dma_semaphore, #tpu.memory_space<semaphore_mem>>
          %dma_start3A = arith.constant 0 : i32
          %dma_start3A_112 = tpu.memref_slice %arg9[%add3A_111, %dma_start3A] : memref<16x120xi32, #tpu.memory_space<vmem>> -> memref<1x120xi32, #tpu.memory_space<vmem>>
          %dma_start3A_113 = tpu.memref_squeeze %dma_start3A_112 : memref<1x120xi32, #tpu.memory_space<vmem>> -> memref<120xi32, #tpu.memory_space<vmem>>
          %dma_start3A_114 = arith.constant 0 : i32
          %dma_start3A_115 = arith.constant 0 : i32
          %dma_start3A_116 = tpu.memref_slice %arg8[%dma_start3A_114, %dma_start3A_115] : memref<10112x128xf32, #tpu.memory_space<vmem_shared>> -> memref<10112x128xf32, #tpu.memory_space<vmem_shared>>
          tpu.enqueue_indirect_dma source(%arg10 : memref<120x128xf32, #tpu.memory_space<vmem>>) target(%dma_start3A_116 : memref<10112x128xf32, #tpu.memory_space<vmem_shared>>) offsets(%dma_start3A_113 : memref<120xi32, #tpu.memory_space<vmem>>) semaphore(%run_scoped3A : memref<!tpu.dma_semaphore, #tpu.memory_space<semaphore_mem>>) {add = true}
          %dma_wait3A = arith.constant 0 : i32
          %dma_wait3A_117 = tpu.memref_slice %arg9[%add3A_111, %dma_wait3A] : memref<16x120xi32, #tpu.memory_space<vmem>> -> memref<1x120xi32, #tpu.memory_space<vmem>>
          %dma_wait3A_118 = tpu.memref_squeeze %dma_wait3A_117 : memref<1x120xi32, #tpu.memory_space<vmem>> -> memref<120xi32, #tpu.memory_space<vmem>>
          %dma_wait3A_119 = arith.constant 0 : i32
          %dma_wait3A_120 = arith.constant 0 : i32
          %dma_wait3A_121 = tpu.memref_slice %arg8[%dma_wait3A_119, %dma_wait3A_120] : memref<10112x128xf32, #tpu.memory_space<vmem_shared>> -> memref<10112x128xf32, #tpu.memory_space<vmem_shared>>
          tpu.wait_indirect_dma semaphore(%run_scoped3A : memref<!tpu.dma_semaphore, #tpu.memory_space<semaphore_mem>>) src(%arg10 : memref<120x128xf32, #tpu.memory_space<vmem>>) dst(%dma_wait3A_121 : memref<10112x128xf32, #tpu.memory_space<vmem_shared>>)
          tpu.yield
        }) : () -> ()
      }
      %scan3A_108 = arith.constant 8 : i32
    }
    %scan3A_28 = arith.constant 21 : i32
    %barrier3A_29 = arith.constant 0 : index
    tpu.barrier barrier_id(%barrier3A_29)
    %add3A_30 = arith.constant 0 : i32
    %add3A_31 = arith.addi %mul3A_0, %add3A_30 : i32
    "tpu.region"() ({
      %run_scoped3A = tpu.sem_alloc : memref<!tpu.dma_semaphore, #tpu.memory_space<semaphore_mem>>
      %dma_start3A = arith.constant 0 : i32
      %dma_start3A_98 = arith.constant 0 : i32
      %dma_start3A_99 = tpu.memref_slice %arg10[%dma_start3A, %dma_start3A_98] : memref<120x128xf32, #tpu.memory_space<vmem>> -> memref<120x128xf32, #tpu.memory_space<vmem>>
      %dma_start3A_100 = arith.constant 0 : i32
      %dma_start3A_101 = tpu.memref_slice %arg8[%add3A_31, %dma_start3A_100] : memref<10112x128xf32, #tpu.memory_space<vmem_shared>> -> memref<120x128xf32, #tpu.memory_space<vmem_shared>>
      %dma_start3A_102 = arith.constant 0 : i32
      %dma_start3A_103 = arith.constant 0 : i32
      %dma_start3A_104 = tpu.memref_slice %arg10[%dma_start3A_102, %dma_start3A_103] : memref<120x128xf32, #tpu.memory_space<vmem>> -> memref<120x128xf32, #tpu.memory_space<vmem>>
      %dma_start3A_105 = arith.constant 0 : i32
      %dma_start3A_106 = tpu.memref_slice %arg8[%add3A_31, %dma_start3A_105] : memref<10112x128xf32, #tpu.memory_space<vmem_shared>> -> memref<120x128xf32, #tpu.memory_space<vmem_shared>>
      tpu.enqueue_dma source(%dma_start3A_106 : memref<120x128xf32, #tpu.memory_space<vmem_shared>>) target(%dma_start3A_104 : memref<120x128xf32, #tpu.memory_space<vmem>>) target_semaphore(%run_scoped3A : memref<!tpu.dma_semaphore, #tpu.memory_space<semaphore_mem>>)
      %dma_wait3A = arith.constant 0 : i32
      %dma_wait3A_107 = arith.constant 0 : i32
      %dma_wait3A_108 = tpu.memref_slice %arg10[%dma_wait3A, %dma_wait3A_107] : memref<120x128xf32, #tpu.memory_space<vmem>> -> memref<120x128xf32, #tpu.memory_space<vmem>>
      %dma_wait3A_109 = arith.constant 0 : i32
      %dma_wait3A_110 = tpu.memref_slice %arg8[%add3A_31, %dma_wait3A_109] : memref<10112x128xf32, #tpu.memory_space<vmem_shared>> -> memref<120x128xf32, #tpu.memory_space<vmem_shared>>
      %dma_wait3A_111 = arith.constant 0 : i32
      %dma_wait3A_112 = arith.constant 0 : i32
      %dma_wait3A_113 = tpu.memref_slice %arg10[%dma_wait3A_111, %dma_wait3A_112] : memref<120x128xf32, #tpu.memory_space<vmem>> -> memref<120x128xf32, #tpu.memory_space<vmem>>
      %dma_wait3A_114 = arith.constant 0 : i32
      %dma_wait3A_115 = tpu.memref_slice %arg8[%add3A_31, %dma_wait3A_114] : memref<10112x128xf32, #tpu.memory_space<vmem_shared>> -> memref<120x128xf32, #tpu.memory_space<vmem_shared>>
      tpu.wait_dma2 semaphore(%run_scoped3A : memref<!tpu.dma_semaphore, #tpu.memory_space<semaphore_mem>>) src(%dma_wait3A_115 : memref<120x128xf32, #tpu.memory_space<vmem_shared>>) dst(%dma_wait3A_113 : memref<120x128xf32, #tpu.memory_space<vmem>>)
      tpu.yield
    }) : () -> ()
    %add3A_32 = arith.constant 0 : i32
    %add3A_33 = arith.addi %add3A_11, %add3A_32 : i32
    "tpu.region"() ({
      %run_scoped3A = tpu.sem_alloc : memref<!tpu.dma_semaphore, #tpu.memory_space<semaphore_mem>>
      %dma_start3A = arith.constant 0 : i32
      %dma_start3A_98 = arith.constant 0 : i32
      %dma_start3A_99 = tpu.memref_slice %arg10[%dma_start3A, %dma_start3A_98] : memref<120x128xf32, #tpu.memory_space<vmem>> -> memref<120x128xf32, #tpu.memory_space<vmem>>
      %dma_start3A_100 = arith.constant 0 : i32
      %dma_start3A_101 = tpu.memref_slice %arg7[%add3A_33, %dma_start3A_100] : memref<20224x128xf32, #tpu.memory_space<hbm>> -> memref<120x128xf32, #tpu.memory_space<hbm>>
      %dma_start3A_102 = arith.constant 0 : i32
      %dma_start3A_103 = tpu.memref_slice %arg7[%add3A_33, %dma_start3A_102] : memref<20224x128xf32, #tpu.memory_space<hbm>> -> memref<120x128xf32, #tpu.memory_space<hbm>>
      %dma_start3A_104 = arith.constant 0 : i32
      %dma_start3A_105 = arith.constant 0 : i32
      %dma_start3A_106 = tpu.memref_slice %arg10[%dma_start3A_104, %dma_start3A_105] : memref<120x128xf32, #tpu.memory_space<vmem>> -> memref<120x128xf32, #tpu.memory_space<vmem>>
      tpu.enqueue_dma source(%dma_start3A_106 : memref<120x128xf32, #tpu.memory_space<vmem>>) target(%dma_start3A_103 : memref<120x128xf32, #tpu.memory_space<hbm>>) target_semaphore(%run_scoped3A : memref<!tpu.dma_semaphore, #tpu.memory_space<semaphore_mem>>)
      %dma_wait3A = arith.constant 0 : i32
      %dma_wait3A_107 = arith.constant 0 : i32
      %dma_wait3A_108 = tpu.memref_slice %arg10[%dma_wait3A, %dma_wait3A_107] : memref<120x128xf32, #tpu.memory_space<vmem>> -> memref<120x128xf32, #tpu.memory_space<vmem>>
      %dma_wait3A_109 = arith.constant 0 : i32
      %dma_wait3A_110 = tpu.memref_slice %arg7[%add3A_33, %dma_wait3A_109] : memref<20224x128xf32, #tpu.memory_space<hbm>> -> memref<120x128xf32, #tpu.memory_space<hbm>>
      %dma_wait3A_111 = arith.constant 0 : i32
      %dma_wait3A_112 = tpu.memref_slice %arg7[%add3A_33, %dma_wait3A_111] : memref<20224x128xf32, #tpu.memory_space<hbm>> -> memref<120x128xf32, #tpu.memory_space<hbm>>
      %dma_wait3A_113 = arith.constant 0 : i32
      %dma_wait3A_114 = arith.constant 0 : i32
      %dma_wait3A_115 = tpu.memref_slice %arg10[%dma_wait3A_113, %dma_wait3A_114] : memref<120x128xf32, #tpu.memory_space<vmem>> -> memref<120x128xf32, #tpu.memory_space<vmem>>
      tpu.wait_dma2 semaphore(%run_scoped3A : memref<!tpu.dma_semaphore, #tpu.memory_space<semaphore_mem>>) src(%dma_wait3A_115 : memref<120x128xf32, #tpu.memory_space<vmem>>) dst(%dma_wait3A_112 : memref<120x128xf32, #tpu.memory_space<hbm>>)
      tpu.yield
    }) : () -> ()
    %add3A_34 = arith.constant 120 : i32
    %add3A_35 = arith.addi %mul3A_0, %add3A_34 : i32
    "tpu.region"() ({
      %run_scoped3A = tpu.sem_alloc : memref<!tpu.dma_semaphore, #tpu.memory_space<semaphore_mem>>
      %dma_start3A = arith.constant 0 : i32
      %dma_start3A_98 = arith.constant 0 : i32
      %dma_start3A_99 = tpu.memref_slice %arg10[%dma_start3A, %dma_start3A_98] : memref<120x128xf32, #tpu.memory_space<vmem>> -> memref<120x128xf32, #tpu.memory_space<vmem>>
      %dma_start3A_100 = arith.constant 0 : i32
      %dma_start3A_101 = tpu.memref_slice %arg8[%add3A_35, %dma_start3A_100] : memref<10112x128xf32, #tpu.memory_space<vmem_shared>> -> memref<120x128xf32, #tpu.memory_space<vmem_shared>>
      %dma_start3A_102 = arith.constant 0 : i32
      %dma_start3A_103 = arith.constant 0 : i32
      %dma_start3A_104 = tpu.memref_slice %arg10[%dma_start3A_102, %dma_start3A_103] : memref<120x128xf32, #tpu.memory_space<vmem>> -> memref<120x128xf32, #tpu.memory_space<vmem>>
      %dma_start3A_105 = arith.constant 0 : i32
      %dma_start3A_106 = tpu.memref_slice %arg8[%add3A_35, %dma_start3A_105] : memref<10112x128xf32, #tpu.memory_space<vmem_shared>> -> memref<120x128xf32, #tpu.memory_space<vmem_shared>>
      tpu.enqueue_dma source(%dma_start3A_106 : memref<120x128xf32, #tpu.memory_space<vmem_shared>>) target(%dma_start3A_104 : memref<120x128xf32, #tpu.memory_space<vmem>>) target_semaphore(%run_scoped3A : memref<!tpu.dma_semaphore, #tpu.memory_space<semaphore_mem>>)
      %dma_wait3A = arith.constant 0 : i32
      %dma_wait3A_107 = arith.constant 0 : i32
      %dma_wait3A_108 = tpu.memref_slice %arg10[%dma_wait3A, %dma_wait3A_107] : memref<120x128xf32, #tpu.memory_space<vmem>> -> memref<120x128xf32, #tpu.memory_space<vmem>>
      %dma_wait3A_109 = arith.constant 0 : i32
      %dma_wait3A_110 = tpu.memref_slice %arg8[%add3A_35, %dma_wait3A_109] : memref<10112x128xf32, #tpu.memory_space<vmem_shared>> -> memref<120x128xf32, #tpu.memory_space<vmem_shared>>
      %dma_wait3A_111 = arith.constant 0 : i32
      %dma_wait3A_112 = arith.constant 0 : i32
      %dma_wait3A_113 = tpu.memref_slice %arg10[%dma_wait3A_111, %dma_wait3A_112] : memref<120x128xf32, #tpu.memory_space<vmem>> -> memref<120x128xf32, #tpu.memory_space<vmem>>
      %dma_wait3A_114 = arith.constant 0 : i32
      %dma_wait3A_115 = tpu.memref_slice %arg8[%add3A_35, %dma_wait3A_114] : memref<10112x128xf32, #tpu.memory_space<vmem_shared>> -> memref<120x128xf32, #tpu.memory_space<vmem_shared>>
      tpu.wait_dma2 semaphore(%run_scoped3A : memref<!tpu.dma_semaphore, #tpu.memory_space<semaphore_mem>>) src(%dma_wait3A_115 : memref<120x128xf32, #tpu.memory_space<vmem_shared>>) dst(%dma_wait3A_113 : memref<120x128xf32, #tpu.memory_space<vmem>>)
      tpu.yield
    }) : () -> ()
    %add3A_36 = arith.constant 120 : i32
    %add3A_37 = arith.addi %add3A_11, %add3A_36 : i32
    "tpu.region"() ({
      %run_scoped3A = tpu.sem_alloc : memref<!tpu.dma_semaphore, #tpu.memory_space<semaphore_mem>>
      %dma_start3A = arith.constant 0 : i32
      %dma_start3A_98 = arith.constant 0 : i32
      %dma_start3A_99 = tpu.memref_slice %arg10[%dma_start3A, %dma_start3A_98] : memref<120x128xf32, #tpu.memory_space<vmem>> -> memref<120x128xf32, #tpu.memory_space<vmem>>
      %dma_start3A_100 = arith.constant 0 : i32
      %dma_start3A_101 = tpu.memref_slice %arg7[%add3A_37, %dma_start3A_100] : memref<20224x128xf32, #tpu.memory_space<hbm>> -> memref<120x128xf32, #tpu.memory_space<hbm>>
      %dma_start3A_102 = arith.constant 0 : i32
      %dma_start3A_103 = tpu.memref_slice %arg7[%add3A_37, %dma_start3A_102] : memref<20224x128xf32, #tpu.memory_space<hbm>> -> memref<120x128xf32, #tpu.memory_space<hbm>>
      %dma_start3A_104 = arith.constant 0 : i32
      %dma_start3A_105 = arith.constant 0 : i32
      %dma_start3A_106 = tpu.memref_slice %arg10[%dma_start3A_104, %dma_start3A_105] : memref<120x128xf32, #tpu.memory_space<vmem>> -> memref<120x128xf32, #tpu.memory_space<vmem>>
      tpu.enqueue_dma source(%dma_start3A_106 : memref<120x128xf32, #tpu.memory_space<vmem>>) target(%dma_start3A_103 : memref<120x128xf32, #tpu.memory_space<hbm>>) target_semaphore(%run_scoped3A : memref<!tpu.dma_semaphore, #tpu.memory_space<semaphore_mem>>)
      %dma_wait3A = arith.constant 0 : i32
      %dma_wait3A_107 = arith.constant 0 : i32
      %dma_wait3A_108 = tpu.memref_slice %arg10[%dma_wait3A, %dma_wait3A_107] : memref<120x128xf32, #tpu.memory_space<vmem>> -> memref<120x128xf32, #tpu.memory_space<vmem>>
      %dma_wait3A_109 = arith.constant 0 : i32
      %dma_wait3A_110 = tpu.memref_slice %arg7[%add3A_37, %dma_wait3A_109] : memref<20224x128xf32, #tpu.memory_space<hbm>> -> memref<120x128xf32, #tpu.memory_space<hbm>>
      %dma_wait3A_111 = arith.constant 0 : i32
      %dma_wait3A_112 = tpu.memref_slice %arg7[%add3A_37, %dma_wait3A_111] : memref<20224x128xf32, #tpu.memory_space<hbm>> -> memref<120x128xf32, #tpu.memory_space<hbm>>
      %dma_wait3A_113 = arith.constant 0 : i32
      %dma_wait3A_114 = arith.constant 0 : i32
      %dma_wait3A_115 = tpu.memref_slice %arg10[%dma_wait3A_113, %dma_wait3A_114] : memref<120x128xf32, #tpu.memory_space<vmem>> -> memref<120x128xf32, #tpu.memory_space<vmem>>
      tpu.wait_dma2 semaphore(%run_scoped3A : memref<!tpu.dma_semaphore, #tpu.memory_space<semaphore_mem>>) src(%dma_wait3A_115 : memref<120x128xf32, #tpu.memory_space<vmem>>) dst(%dma_wait3A_112 : memref<120x128xf32, #tpu.memory_space<hbm>>)
      tpu.yield
    }) : () -> ()
    %add3A_38 = arith.constant 240 : i32
    %add3A_39 = arith.addi %mul3A_0, %add3A_38 : i32
    "tpu.region"() ({
      %run_scoped3A = tpu.sem_alloc : memref<!tpu.dma_semaphore, #tpu.memory_space<semaphore_mem>>
      %dma_start3A = arith.constant 0 : i32
      %dma_start3A_98 = arith.constant 0 : i32
      %dma_start3A_99 = tpu.memref_slice %arg10[%dma_start3A, %dma_start3A_98] : memref<120x128xf32, #tpu.memory_space<vmem>> -> memref<120x128xf32, #tpu.memory_space<vmem>>
      %dma_start3A_100 = arith.constant 0 : i32
      %dma_start3A_101 = tpu.memref_slice %arg8[%add3A_39, %dma_start3A_100] : memref<10112x128xf32, #tpu.memory_space<vmem_shared>> -> memref<120x128xf32, #tpu.memory_space<vmem_shared>>
      %dma_start3A_102 = arith.constant 0 : i32
      %dma_start3A_103 = arith.constant 0 : i32
      %dma_start3A_104 = tpu.memref_slice %arg10[%dma_start3A_102, %dma_start3A_103] : memref<120x128xf32, #tpu.memory_space<vmem>> -> memref<120x128xf32, #tpu.memory_space<vmem>>
      %dma_start3A_105 = arith.constant 0 : i32
      %dma_start3A_106 = tpu.memref_slice %arg8[%add3A_39, %dma_start3A_105] : memref<10112x128xf32, #tpu.memory_space<vmem_shared>> -> memref<120x128xf32, #tpu.memory_space<vmem_shared>>
      tpu.enqueue_dma source(%dma_start3A_106 : memref<120x128xf32, #tpu.memory_space<vmem_shared>>) target(%dma_start3A_104 : memref<120x128xf32, #tpu.memory_space<vmem>>) target_semaphore(%run_scoped3A : memref<!tpu.dma_semaphore, #tpu.memory_space<semaphore_mem>>)
      %dma_wait3A = arith.constant 0 : i32
      %dma_wait3A_107 = arith.constant 0 : i32
      %dma_wait3A_108 = tpu.memref_slice %arg10[%dma_wait3A, %dma_wait3A_107] : memref<120x128xf32, #tpu.memory_space<vmem>> -> memref<120x128xf32, #tpu.memory_space<vmem>>
      %dma_wait3A_109 = arith.constant 0 : i32
      %dma_wait3A_110 = tpu.memref_slice %arg8[%add3A_39, %dma_wait3A_109] : memref<10112x128xf32, #tpu.memory_space<vmem_shared>> -> memref<120x128xf32, #tpu.memory_space<vmem_shared>>
      %dma_wait3A_111 = arith.constant 0 : i32
      %dma_wait3A_112 = arith.constant 0 : i32
      %dma_wait3A_113 = tpu.memref_slice %arg10[%dma_wait3A_111, %dma_wait3A_112] : memref<120x128xf32, #tpu.memory_space<vmem>> -> memref<120x128xf32, #tpu.memory_space<vmem>>
      %dma_wait3A_114 = arith.constant 0 : i32
      %dma_wait3A_115 = tpu.memref_slice %arg8[%add3A_39, %dma_wait3A_114] : memref<10112x128xf32, #tpu.memory_space<vmem_shared>> -> memref<120x128xf32, #tpu.memory_space<vmem_shared>>
      tpu.wait_dma2 semaphore(%run_scoped3A : memref<!tpu.dma_semaphore, #tpu.memory_space<semaphore_mem>>) src(%dma_wait3A_115 : memref<120x128xf32, #tpu.memory_space<vmem_shared>>) dst(%dma_wait3A_113 : memref<120x128xf32, #tpu.memory_space<vmem>>)
      tpu.yield
    }) : () -> ()
    %add3A_40 = arith.constant 240 : i32
    %add3A_41 = arith.addi %add3A_11, %add3A_40 : i32
    "tpu.region"() ({
      %run_scoped3A = tpu.sem_alloc : memref<!tpu.dma_semaphore, #tpu.memory_space<semaphore_mem>>
      %dma_start3A = arith.constant 0 : i32
      %dma_start3A_98 = arith.constant 0 : i32
      %dma_start3A_99 = tpu.memref_slice %arg10[%dma_start3A, %dma_start3A_98] : memref<120x128xf32, #tpu.memory_space<vmem>> -> memref<120x128xf32, #tpu.memory_space<vmem>>
      %dma_start3A_100 = arith.constant 0 : i32
      %dma_start3A_101 = tpu.memref_slice %arg7[%add3A_41, %dma_start3A_100] : memref<20224x128xf32, #tpu.memory_space<hbm>> -> memref<120x128xf32, #tpu.memory_space<hbm>>
      %dma_start3A_102 = arith.constant 0 : i32
      %dma_start3A_103 = tpu.memref_slice %arg7[%add3A_41, %dma_start3A_102] : memref<20224x128xf32, #tpu.memory_space<hbm>> -> memref<120x128xf32, #tpu.memory_space<hbm>>
      %dma_start3A_104 = arith.constant 0 : i32
      %dma_start3A_105 = arith.constant 0 : i32
      %dma_start3A_106 = tpu.memref_slice %arg10[%dma_start3A_104, %dma_start3A_105] : memref<120x128xf32, #tpu.memory_space<vmem>> -> memref<120x128xf32, #tpu.memory_space<vmem>>
      tpu.enqueue_dma source(%dma_start3A_106 : memref<120x128xf32, #tpu.memory_space<vmem>>) target(%dma_start3A_103 : memref<120x128xf32, #tpu.memory_space<hbm>>) target_semaphore(%run_scoped3A : memref<!tpu.dma_semaphore, #tpu.memory_space<semaphore_mem>>)
      %dma_wait3A = arith.constant 0 : i32
      %dma_wait3A_107 = arith.constant 0 : i32
      %dma_wait3A_108 = tpu.memref_slice %arg10[%dma_wait3A, %dma_wait3A_107] : memref<120x128xf32, #tpu.memory_space<vmem>> -> memref<120x128xf32, #tpu.memory_space<vmem>>
      %dma_wait3A_109 = arith.constant 0 : i32
      %dma_wait3A_110 = tpu.memref_slice %arg7[%add3A_41, %dma_wait3A_109] : memref<20224x128xf32, #tpu.memory_space<hbm>> -> memref<120x128xf32, #tpu.memory_space<hbm>>
      %dma_wait3A_111 = arith.constant 0 : i32
      %dma_wait3A_112 = tpu.memref_slice %arg7[%add3A_41, %dma_wait3A_111] : memref<20224x128xf32, #tpu.memory_space<hbm>> -> memref<120x128xf32, #tpu.memory_space<hbm>>
      %dma_wait3A_113 = arith.constant 0 : i32
      %dma_wait3A_114 = arith.constant 0 : i32
      %dma_wait3A_115 = tpu.memref_slice %arg10[%dma_wait3A_113, %dma_wait3A_114] : memref<120x128xf32, #tpu.memory_space<vmem>> -> memref<120x128xf32, #tpu.memory_space<vmem>>
      tpu.wait_dma2 semaphore(%run_scoped3A : memref<!tpu.dma_semaphore, #tpu.memory_space<semaphore_mem>>) src(%dma_wait3A_115 : memref<120x128xf32, #tpu.memory_space<vmem>>) dst(%dma_wait3A_112 : memref<120x128xf32, #tpu.memory_space<hbm>>)
      tpu.yield
    }) : () -> ()
    %add3A_42 = arith.constant 360 : i32
    %add3A_43 = arith.addi %mul3A_0, %add3A_42 : i32
    "tpu.region"() ({
      %run_scoped3A = tpu.sem_alloc : memref<!tpu.dma_semaphore, #tpu.memory_space<semaphore_mem>>
      %dma_start3A = arith.constant 0 : i32
      %dma_start3A_98 = arith.constant 0 : i32
      %dma_start3A_99 = tpu.memref_slice %arg10[%dma_start3A, %dma_start3A_98] : memref<120x128xf32, #tpu.memory_space<vmem>> -> memref<120x128xf32, #tpu.memory_space<vmem>>
      %dma_start3A_100 = arith.constant 0 : i32
      %dma_start3A_101 = tpu.memref_slice %arg8[%add3A_43, %dma_start3A_100] : memref<10112x128xf32, #tpu.memory_space<vmem_shared>> -> memref<120x128xf32, #tpu.memory_space<vmem_shared>>
      %dma_start3A_102 = arith.constant 0 : i32
      %dma_start3A_103 = arith.constant 0 : i32
      %dma_start3A_104 = tpu.memref_slice %arg10[%dma_start3A_102, %dma_start3A_103] : memref<120x128xf32, #tpu.memory_space<vmem>> -> memref<120x128xf32, #tpu.memory_space<vmem>>
      %dma_start3A_105 = arith.constant 0 : i32
      %dma_start3A_106 = tpu.memref_slice %arg8[%add3A_43, %dma_start3A_105] : memref<10112x128xf32, #tpu.memory_space<vmem_shared>> -> memref<120x128xf32, #tpu.memory_space<vmem_shared>>
      tpu.enqueue_dma source(%dma_start3A_106 : memref<120x128xf32, #tpu.memory_space<vmem_shared>>) target(%dma_start3A_104 : memref<120x128xf32, #tpu.memory_space<vmem>>) target_semaphore(%run_scoped3A : memref<!tpu.dma_semaphore, #tpu.memory_space<semaphore_mem>>)
      %dma_wait3A = arith.constant 0 : i32
      %dma_wait3A_107 = arith.constant 0 : i32
      %dma_wait3A_108 = tpu.memref_slice %arg10[%dma_wait3A, %dma_wait3A_107] : memref<120x128xf32, #tpu.memory_space<vmem>> -> memref<120x128xf32, #tpu.memory_space<vmem>>
      %dma_wait3A_109 = arith.constant 0 : i32
      %dma_wait3A_110 = tpu.memref_slice %arg8[%add3A_43, %dma_wait3A_109] : memref<10112x128xf32, #tpu.memory_space<vmem_shared>> -> memref<120x128xf32, #tpu.memory_space<vmem_shared>>
      %dma_wait3A_111 = arith.constant 0 : i32
      %dma_wait3A_112 = arith.constant 0 : i32
      %dma_wait3A_113 = tpu.memref_slice %arg10[%dma_wait3A_111, %dma_wait3A_112] : memref<120x128xf32, #tpu.memory_space<vmem>> -> memref<120x128xf32, #tpu.memory_space<vmem>>
      %dma_wait3A_114 = arith.constant 0 : i32
      %dma_wait3A_115 = tpu.memref_slice %arg8[%add3A_43, %dma_wait3A_114] : memref<10112x128xf32, #tpu.memory_space<vmem_shared>> -> memref<120x128xf32, #tpu.memory_space<vmem_shared>>
      tpu.wait_dma2 semaphore(%run_scoped3A : memref<!tpu.dma_semaphore, #tpu.memory_space<semaphore_mem>>) src(%dma_wait3A_115 : memref<120x128xf32, #tpu.memory_space<vmem_shared>>) dst(%dma_wait3A_113 : memref<120x128xf32, #tpu.memory_space<vmem>>)
      tpu.yield
    }) : () -> ()
    %add3A_44 = arith.constant 360 : i32
    %add3A_45 = arith.addi %add3A_11, %add3A_44 : i32
    "tpu.region"() ({
      %run_scoped3A = tpu.sem_alloc : memref<!tpu.dma_semaphore, #tpu.memory_space<semaphore_mem>>
      %dma_start3A = arith.constant 0 : i32
      %dma_start3A_98 = arith.constant 0 : i32
      %dma_start3A_99 = tpu.memref_slice %arg10[%dma_start3A, %dma_start3A_98] : memref<120x128xf32, #tpu.memory_space<vmem>> -> memref<120x128xf32, #tpu.memory_space<vmem>>
      %dma_start3A_100 = arith.constant 0 : i32
      %dma_start3A_101 = tpu.memref_slice %arg7[%add3A_45, %dma_start3A_100] : memref<20224x128xf32, #tpu.memory_space<hbm>> -> memref<120x128xf32, #tpu.memory_space<hbm>>
      %dma_start3A_102 = arith.constant 0 : i32
      %dma_start3A_103 = tpu.memref_slice %arg7[%add3A_45, %dma_start3A_102] : memref<20224x128xf32, #tpu.memory_space<hbm>> -> memref<120x128xf32, #tpu.memory_space<hbm>>
      %dma_start3A_104 = arith.constant 0 : i32
      %dma_start3A_105 = arith.constant 0 : i32
      %dma_start3A_106 = tpu.memref_slice %arg10[%dma_start3A_104, %dma_start3A_105] : memref<120x128xf32, #tpu.memory_space<vmem>> -> memref<120x128xf32, #tpu.memory_space<vmem>>
      tpu.enqueue_dma source(%dma_start3A_106 : memref<120x128xf32, #tpu.memory_space<vmem>>) target(%dma_start3A_103 : memref<120x128xf32, #tpu.memory_space<hbm>>) target_semaphore(%run_scoped3A : memref<!tpu.dma_semaphore, #tpu.memory_space<semaphore_mem>>)
      %dma_wait3A = arith.constant 0 : i32
      %dma_wait3A_107 = arith.constant 0 : i32
      %dma_wait3A_108 = tpu.memref_slice %arg10[%dma_wait3A, %dma_wait3A_107] : memref<120x128xf32, #tpu.memory_space<vmem>> -> memref<120x128xf32, #tpu.memory_space<vmem>>
      %dma_wait3A_109 = arith.constant 0 : i32
      %dma_wait3A_110 = tpu.memref_slice %arg7[%add3A_45, %dma_wait3A_109] : memref<20224x128xf32, #tpu.memory_space<hbm>> -> memref<120x128xf32, #tpu.memory_space<hbm>>
      %dma_wait3A_111 = arith.constant 0 : i32
      %dma_wait3A_112 = tpu.memref_slice %arg7[%add3A_45, %dma_wait3A_111] : memref<20224x128xf32, #tpu.memory_space<hbm>> -> memref<120x128xf32, #tpu.memory_space<hbm>>
      %dma_wait3A_113 = arith.constant 0 : i32
      %dma_wait3A_114 = arith.constant 0 : i32
      %dma_wait3A_115 = tpu.memref_slice %arg10[%dma_wait3A_113, %dma_wait3A_114] : memref<120x128xf32, #tpu.memory_space<vmem>> -> memref<120x128xf32, #tpu.memory_space<vmem>>
      tpu.wait_dma2 semaphore(%run_scoped3A : memref<!tpu.dma_semaphore, #tpu.memory_space<semaphore_mem>>) src(%dma_wait3A_115 : memref<120x128xf32, #tpu.memory_space<vmem>>) dst(%dma_wait3A_112 : memref<120x128xf32, #tpu.memory_space<hbm>>)
      tpu.yield
    }) : () -> ()
    %add3A_46 = arith.constant 480 : i32
    %add3A_47 = arith.addi %mul3A_0, %add3A_46 : i32
    "tpu.region"() ({
      %run_scoped3A = tpu.sem_alloc : memref<!tpu.dma_semaphore, #tpu.memory_space<semaphore_mem>>
      %dma_start3A = arith.constant 0 : i32
      %dma_start3A_98 = arith.constant 0 : i32
      %dma_start3A_99 = tpu.memref_slice %arg10[%dma_start3A, %dma_start3A_98] : memref<120x128xf32, #tpu.memory_space<vmem>> -> memref<120x128xf32, #tpu.memory_space<vmem>>
      %dma_start3A_100 = arith.constant 0 : i32
      %dma_start3A_101 = tpu.memref_slice %arg8[%add3A_47, %dma_start3A_100] : memref<10112x128xf32, #tpu.memory_space<vmem_shared>> -> memref<120x128xf32, #tpu.memory_space<vmem_shared>>
      %dma_start3A_102 = arith.constant 0 : i32
      %dma_start3A_103 = arith.constant 0 : i32
      %dma_start3A_104 = tpu.memref_slice %arg10[%dma_start3A_102, %dma_start3A_103] : memref<120x128xf32, #tpu.memory_space<vmem>> -> memref<120x128xf32, #tpu.memory_space<vmem>>
      %dma_start3A_105 = arith.constant 0 : i32
      %dma_start3A_106 = tpu.memref_slice %arg8[%add3A_47, %dma_start3A_105] : memref<10112x128xf32, #tpu.memory_space<vmem_shared>> -> memref<120x128xf32, #tpu.memory_space<vmem_shared>>
      tpu.enqueue_dma source(%dma_start3A_106 : memref<120x128xf32, #tpu.memory_space<vmem_shared>>) target(%dma_start3A_104 : memref<120x128xf32, #tpu.memory_space<vmem>>) target_semaphore(%run_scoped3A : memref<!tpu.dma_semaphore, #tpu.memory_space<semaphore_mem>>)
      %dma_wait3A = arith.constant 0 : i32
      %dma_wait3A_107 = arith.constant 0 : i32
      %dma_wait3A_108 = tpu.memref_slice %arg10[%dma_wait3A, %dma_wait3A_107] : memref<120x128xf32, #tpu.memory_space<vmem>> -> memref<120x128xf32, #tpu.memory_space<vmem>>
      %dma_wait3A_109 = arith.constant 0 : i32
      %dma_wait3A_110 = tpu.memref_slice %arg8[%add3A_47, %dma_wait3A_109] : memref<10112x128xf32, #tpu.memory_space<vmem_shared>> -> memref<120x128xf32, #tpu.memory_space<vmem_shared>>
      %dma_wait3A_111 = arith.constant 0 : i32
      %dma_wait3A_112 = arith.constant 0 : i32
      %dma_wait3A_113 = tpu.memref_slice %arg10[%dma_wait3A_111, %dma_wait3A_112] : memref<120x128xf32, #tpu.memory_space<vmem>> -> memref<120x128xf32, #tpu.memory_space<vmem>>
      %dma_wait3A_114 = arith.constant 0 : i32
      %dma_wait3A_115 = tpu.memref_slice %arg8[%add3A_47, %dma_wait3A_114] : memref<10112x128xf32, #tpu.memory_space<vmem_shared>> -> memref<120x128xf32, #tpu.memory_space<vmem_shared>>
      tpu.wait_dma2 semaphore(%run_scoped3A : memref<!tpu.dma_semaphore, #tpu.memory_space<semaphore_mem>>) src(%dma_wait3A_115 : memref<120x128xf32, #tpu.memory_space<vmem_shared>>) dst(%dma_wait3A_113 : memref<120x128xf32, #tpu.memory_space<vmem>>)
      tpu.yield
    }) : () -> ()
    %add3A_48 = arith.constant 480 : i32
    %add3A_49 = arith.addi %add3A_11, %add3A_48 : i32
    "tpu.region"() ({
      %run_scoped3A = tpu.sem_alloc : memref<!tpu.dma_semaphore, #tpu.memory_space<semaphore_mem>>
      %dma_start3A = arith.constant 0 : i32
      %dma_start3A_98 = arith.constant 0 : i32
      %dma_start3A_99 = tpu.memref_slice %arg10[%dma_start3A, %dma_start3A_98] : memref<120x128xf32, #tpu.memory_space<vmem>> -> memref<120x128xf32, #tpu.memory_space<vmem>>
      %dma_start3A_100 = arith.constant 0 : i32
      %dma_start3A_101 = tpu.memref_slice %arg7[%add3A_49, %dma_start3A_100] : memref<20224x128xf32, #tpu.memory_space<hbm>> -> memref<120x128xf32, #tpu.memory_space<hbm>>
      %dma_start3A_102 = arith.constant 0 : i32
      %dma_start3A_103 = tpu.memref_slice %arg7[%add3A_49, %dma_start3A_102] : memref<20224x128xf32, #tpu.memory_space<hbm>> -> memref<120x128xf32, #tpu.memory_space<hbm>>
      %dma_start3A_104 = arith.constant 0 : i32
      %dma_start3A_105 = arith.constant 0 : i32
      %dma_start3A_106 = tpu.memref_slice %arg10[%dma_start3A_104, %dma_start3A_105] : memref<120x128xf32, #tpu.memory_space<vmem>> -> memref<120x128xf32, #tpu.memory_space<vmem>>
      tpu.enqueue_dma source(%dma_start3A_106 : memref<120x128xf32, #tpu.memory_space<vmem>>) target(%dma_start3A_103 : memref<120x128xf32, #tpu.memory_space<hbm>>) target_semaphore(%run_scoped3A : memref<!tpu.dma_semaphore, #tpu.memory_space<semaphore_mem>>)
      %dma_wait3A = arith.constant 0 : i32
      %dma_wait3A_107 = arith.constant 0 : i32
      %dma_wait3A_108 = tpu.memref_slice %arg10[%dma_wait3A, %dma_wait3A_107] : memref<120x128xf32, #tpu.memory_space<vmem>> -> memref<120x128xf32, #tpu.memory_space<vmem>>
      %dma_wait3A_109 = arith.constant 0 : i32
      %dma_wait3A_110 = tpu.memref_slice %arg7[%add3A_49, %dma_wait3A_109] : memref<20224x128xf32, #tpu.memory_space<hbm>> -> memref<120x128xf32, #tpu.memory_space<hbm>>
      %dma_wait3A_111 = arith.constant 0 : i32
      %dma_wait3A_112 = tpu.memref_slice %arg7[%add3A_49, %dma_wait3A_111] : memref<20224x128xf32, #tpu.memory_space<hbm>> -> memref<120x128xf32, #tpu.memory_space<hbm>>
      %dma_wait3A_113 = arith.constant 0 : i32
      %dma_wait3A_114 = arith.constant 0 : i32
      %dma_wait3A_115 = tpu.memref_slice %arg10[%dma_wait3A_113, %dma_wait3A_114] : memref<120x128xf32, #tpu.memory_space<vmem>> -> memref<120x128xf32, #tpu.memory_space<vmem>>
      tpu.wait_dma2 semaphore(%run_scoped3A : memref<!tpu.dma_semaphore, #tpu.memory_space<semaphore_mem>>) src(%dma_wait3A_115 : memref<120x128xf32, #tpu.memory_space<vmem>>) dst(%dma_wait3A_112 : memref<120x128xf32, #tpu.memory_space<hbm>>)
      tpu.yield
    }) : () -> ()
    %add3A_50 = arith.constant 600 : i32
    %add3A_51 = arith.addi %mul3A_0, %add3A_50 : i32
    "tpu.region"() ({
      %run_scoped3A = tpu.sem_alloc : memref<!tpu.dma_semaphore, #tpu.memory_space<semaphore_mem>>
      %dma_start3A = arith.constant 0 : i32
      %dma_start3A_98 = arith.constant 0 : i32
      %dma_start3A_99 = tpu.memref_slice %arg10[%dma_start3A, %dma_start3A_98] : memref<120x128xf32, #tpu.memory_space<vmem>> -> memref<32x128xf32, #tpu.memory_space<vmem>>
      %dma_start3A_100 = arith.constant 0 : i32
      %dma_start3A_101 = tpu.memref_slice %arg8[%add3A_51, %dma_start3A_100] : memref<10112x128xf32, #tpu.memory_space<vmem_shared>> -> memref<32x128xf32, #tpu.memory_space<vmem_shared>>
      %dma_start3A_102 = arith.constant 0 : i32
      %dma_start3A_103 = arith.constant 0 : i32
      %dma_start3A_104 = tpu.memref_slice %arg10[%dma_start3A_102, %dma_start3A_103] : memref<120x128xf32, #tpu.memory_space<vmem>> -> memref<32x128xf32, #tpu.memory_space<vmem>>
      %dma_start3A_105 = arith.constant 0 : i32
      %dma_start3A_106 = tpu.memref_slice %arg8[%add3A_51, %dma_start3A_105] : memref<10112x128xf32, #tpu.memory_space<vmem_shared>> -> memref<32x128xf32, #tpu.memory_space<vmem_shared>>
      tpu.enqueue_dma source(%dma_start3A_106 : memref<32x128xf32, #tpu.memory_space<vmem_shared>>) target(%dma_start3A_104 : memref<32x128xf32, #tpu.memory_space<vmem>>) target_semaphore(%run_scoped3A : memref<!tpu.dma_semaphore, #tpu.memory_space<semaphore_mem>>)
      %dma_wait3A = arith.constant 0 : i32
      %dma_wait3A_107 = arith.constant 0 : i32
      %dma_wait3A_108 = tpu.memref_slice %arg10[%dma_wait3A, %dma_wait3A_107] : memref<120x128xf32, #tpu.memory_space<vmem>> -> memref<32x128xf32, #tpu.memory_space<vmem>>
      %dma_wait3A_109 = arith.constant 0 : i32
      %dma_wait3A_110 = tpu.memref_slice %arg8[%add3A_51, %dma_wait3A_109] : memref<10112x128xf32, #tpu.memory_space<vmem_shared>> -> memref<32x128xf32, #tpu.memory_space<vmem_shared>>
      %dma_wait3A_111 = arith.constant 0 : i32
      %dma_wait3A_112 = arith.constant 0 : i32
      %dma_wait3A_113 = tpu.memref_slice %arg10[%dma_wait3A_111, %dma_wait3A_112] : memref<120x128xf32, #tpu.memory_space<vmem>> -> memref<32x128xf32, #tpu.memory_space<vmem>>
      %dma_wait3A_114 = arith.constant 0 : i32
      %dma_wait3A_115 = tpu.memref_slice %arg8[%add3A_51, %dma_wait3A_114] : memref<10112x128xf32, #tpu.memory_space<vmem_shared>> -> memref<32x128xf32, #tpu.memory_space<vmem_shared>>
      tpu.wait_dma2 semaphore(%run_scoped3A : memref<!tpu.dma_semaphore, #tpu.memory_space<semaphore_mem>>) src(%dma_wait3A_115 : memref<32x128xf32, #tpu.memory_space<vmem_shared>>) dst(%dma_wait3A_113 : memref<32x128xf32, #tpu.memory_space<vmem>>)
      tpu.yield
    }) : () -> ()
    %add3A_52 = arith.constant 600 : i32
    %add3A_53 = arith.addi %add3A_11, %add3A_52 : i32
    "tpu.region"() ({
      %run_scoped3A = tpu.sem_alloc : memref<!tpu.dma_semaphore, #tpu.memory_space<semaphore_mem>>
      %dma_start3A = arith.constant 0 : i32
      %dma_start3A_98 = arith.constant 0 : i32
      %dma_start3A_99 = tpu.memref_slice %arg10[%dma_start3A, %dma_start3A_98] : memref<120x128xf32, #tpu.memory_space<vmem>> -> memref<32x128xf32, #tpu.memory_space<vmem>>
      %dma_start3A_100 = arith.constant 0 : i32
      %dma_start3A_101 = tpu.memref_slice %arg7[%add3A_53, %dma_start3A_100] : memref<20224x128xf32, #tpu.memory_space<hbm>> -> memref<32x128xf32, #tpu.memory_space<hbm>>
      %dma_start3A_102 = arith.constant 0 : i32
      %dma_start3A_103 = tpu.memref_slice %arg7[%add3A_53, %dma_start3A_102] : memref<20224x128xf32, #tpu.memory_space<hbm>> -> memref<32x128xf32, #tpu.memory_space<hbm>>
      %dma_start3A_104 = arith.constant 0 : i32
      %dma_start3A_105 = arith.constant 0 : i32
      %dma_start3A_106 = tpu.memref_slice %arg10[%dma_start3A_104, %dma_start3A_105] : memref<120x128xf32, #tpu.memory_space<vmem>> -> memref<32x128xf32, #tpu.memory_space<vmem>>
      tpu.enqueue_dma source(%dma_start3A_106 : memref<32x128xf32, #tpu.memory_space<vmem>>) target(%dma_start3A_103 : memref<32x128xf32, #tpu.memory_space<hbm>>) target_semaphore(%run_scoped3A : memref<!tpu.dma_semaphore, #tpu.memory_space<semaphore_mem>>)
      %dma_wait3A = arith.constant 0 : i32
      %dma_wait3A_107 = arith.constant 0 : i32
      %dma_wait3A_108 = tpu.memref_slice %arg10[%dma_wait3A, %dma_wait3A_107] : memref<120x128xf32, #tpu.memory_space<vmem>> -> memref<32x128xf32, #tpu.memory_space<vmem>>
      %dma_wait3A_109 = arith.constant 0 : i32
      %dma_wait3A_110 = tpu.memref_slice %arg7[%add3A_53, %dma_wait3A_109] : memref<20224x128xf32, #tpu.memory_space<hbm>> -> memref<32x128xf32, #tpu.memory_space<hbm>>
      %dma_wait3A_111 = arith.constant 0 : i32
      %dma_wait3A_112 = tpu.memref_slice %arg7[%add3A_53, %dma_wait3A_111] : memref<20224x128xf32, #tpu.memory_space<hbm>> -> memref<32x128xf32, #tpu.memory_space<hbm>>
      %dma_wait3A_113 = arith.constant 0 : i32
      %dma_wait3A_114 = arith.constant 0 : i32
      %dma_wait3A_115 = tpu.memref_slice %arg10[%dma_wait3A_113, %dma_wait3A_114] : memref<120x128xf32, #tpu.memory_space<vmem>> -> memref<32x128xf32, #tpu.memory_space<vmem>>
      tpu.wait_dma2 semaphore(%run_scoped3A : memref<!tpu.dma_semaphore, #tpu.memory_space<semaphore_mem>>) src(%dma_wait3A_115 : memref<32x128xf32, #tpu.memory_space<vmem>>) dst(%dma_wait3A_112 : memref<32x128xf32, #tpu.memory_space<hbm>>)
      tpu.yield
    }) : () -> ()
    "tpu.region"() ({
      %run_scoped3A = tpu.sem_alloc : memref<!tpu.dma_semaphore, #tpu.memory_space<semaphore_mem>>
      tpu.enqueue_dma source(%arg4 : memref<120x128xf32, #tpu.memory_space<hbm>>) target(%arg10 : memref<120x128xf32, #tpu.memory_space<vmem>>) target_semaphore(%run_scoped3A : memref<!tpu.dma_semaphore, #tpu.memory_space<semaphore_mem>>)
      tpu.wait_dma2 semaphore(%run_scoped3A : memref<!tpu.dma_semaphore, #tpu.memory_space<semaphore_mem>>) src(%arg4 : memref<120x128xf32, #tpu.memory_space<hbm>>) dst(%arg10 : memref<120x128xf32, #tpu.memory_space<vmem>>)
      tpu.yield
    }) : () -> ()
    %add3A_54 = arith.constant 0 : i32
    %add3A_55 = arith.addi %mul3A_0, %add3A_54 : i32
    "tpu.region"() ({
      %run_scoped3A = tpu.sem_alloc : memref<!tpu.dma_semaphore, #tpu.memory_space<semaphore_mem>>
      %dma_start3A = arith.constant 0 : i32
      %dma_start3A_98 = arith.constant 0 : i32
      %dma_start3A_99 = tpu.memref_slice %arg10[%dma_start3A, %dma_start3A_98] : memref<120x128xf32, #tpu.memory_space<vmem>> -> memref<120x128xf32, #tpu.memory_space<vmem>>
      %dma_start3A_100 = arith.constant 0 : i32
      %dma_start3A_101 = tpu.memref_slice %arg8[%add3A_55, %dma_start3A_100] : memref<10112x128xf32, #tpu.memory_space<vmem_shared>> -> memref<120x128xf32, #tpu.memory_space<vmem_shared>>
      %dma_start3A_102 = arith.constant 0 : i32
      %dma_start3A_103 = tpu.memref_slice %arg8[%add3A_55, %dma_start3A_102] : memref<10112x128xf32, #tpu.memory_space<vmem_shared>> -> memref<120x128xf32, #tpu.memory_space<vmem_shared>>
      %dma_start3A_104 = arith.constant 0 : i32
      %dma_start3A_105 = arith.constant 0 : i32
      %dma_start3A_106 = tpu.memref_slice %arg10[%dma_start3A_104, %dma_start3A_105] : memref<120x128xf32, #tpu.memory_space<vmem>> -> memref<120x128xf32, #tpu.memory_space<vmem>>
      tpu.enqueue_dma source(%dma_start3A_106 : memref<120x128xf32, #tpu.memory_space<vmem>>) target(%dma_start3A_103 : memref<120x128xf32, #tpu.memory_space<vmem_shared>>) target_semaphore(%run_scoped3A : memref<!tpu.dma_semaphore, #tpu.memory_space<semaphore_mem>>)
      %dma_wait3A = arith.constant 0 : i32
      %dma_wait3A_107 = arith.constant 0 : i32
      %dma_wait3A_108 = tpu.memref_slice %arg10[%dma_wait3A, %dma_wait3A_107] : memref<120x128xf32, #tpu.memory_space<vmem>> -> memref<120x128xf32, #tpu.memory_space<vmem>>
      %dma_wait3A_109 = arith.constant 0 : i32
      %dma_wait3A_110 = tpu.memref_slice %arg8[%add3A_55, %dma_wait3A_109] : memref<10112x128xf32, #tpu.memory_space<vmem_shared>> -> memref<120x128xf32, #tpu.memory_space<vmem_shared>>
      %dma_wait3A_111 = arith.constant 0 : i32
      %dma_wait3A_112 = tpu.memref_slice %arg8[%add3A_55, %dma_wait3A_111] : memref<10112x128xf32, #tpu.memory_space<vmem_shared>> -> memref<120x128xf32, #tpu.memory_space<vmem_shared>>
      %dma_wait3A_113 = arith.constant 0 : i32
      %dma_wait3A_114 = arith.constant 0 : i32
      %dma_wait3A_115 = tpu.memref_slice %arg10[%dma_wait3A_113, %dma_wait3A_114] : memref<120x128xf32, #tpu.memory_space<vmem>> -> memref<120x128xf32, #tpu.memory_space<vmem>>
      tpu.wait_dma2 semaphore(%run_scoped3A : memref<!tpu.dma_semaphore, #tpu.memory_space<semaphore_mem>>) src(%dma_wait3A_115 : memref<120x128xf32, #tpu.memory_space<vmem>>) dst(%dma_wait3A_112 : memref<120x128xf32, #tpu.memory_space<vmem_shared>>)
      tpu.yield
    }) : () -> ()
    %add3A_56 = arith.constant 120 : i32
    %add3A_57 = arith.addi %mul3A_0, %add3A_56 : i32
    "tpu.region"() ({
      %run_scoped3A = tpu.sem_alloc : memref<!tpu.dma_semaphore, #tpu.memory_space<semaphore_mem>>
      %dma_start3A = arith.constant 0 : i32
      %dma_start3A_98 = arith.constant 0 : i32
      %dma_start3A_99 = tpu.memref_slice %arg10[%dma_start3A, %dma_start3A_98] : memref<120x128xf32, #tpu.memory_space<vmem>> -> memref<120x128xf32, #tpu.memory_space<vmem>>
      %dma_start3A_100 = arith.constant 0 : i32
      %dma_start3A_101 = tpu.memref_slice %arg8[%add3A_57, %dma_start3A_100] : memref<10112x128xf32, #tpu.memory_space<vmem_shared>> -> memref<120x128xf32, #tpu.memory_space<vmem_shared>>
      %dma_start3A_102 = arith.constant 0 : i32
      %dma_start3A_103 = tpu.memref_slice %arg8[%add3A_57, %dma_start3A_102] : memref<10112x128xf32, #tpu.memory_space<vmem_shared>> -> memref<120x128xf32, #tpu.memory_space<vmem_shared>>
      %dma_start3A_104 = arith.constant 0 : i32
      %dma_start3A_105 = arith.constant 0 : i32
      %dma_start3A_106 = tpu.memref_slice %arg10[%dma_start3A_104, %dma_start3A_105] : memref<120x128xf32, #tpu.memory_space<vmem>> -> memref<120x128xf32, #tpu.memory_space<vmem>>
      tpu.enqueue_dma source(%dma_start3A_106 : memref<120x128xf32, #tpu.memory_space<vmem>>) target(%dma_start3A_103 : memref<120x128xf32, #tpu.memory_space<vmem_shared>>) target_semaphore(%run_scoped3A : memref<!tpu.dma_semaphore, #tpu.memory_space<semaphore_mem>>)
      %dma_wait3A = arith.constant 0 : i32
      %dma_wait3A_107 = arith.constant 0 : i32
      %dma_wait3A_108 = tpu.memref_slice %arg10[%dma_wait3A, %dma_wait3A_107] : memref<120x128xf32, #tpu.memory_space<vmem>> -> memref<120x128xf32, #tpu.memory_space<vmem>>
      %dma_wait3A_109 = arith.constant 0 : i32
      %dma_wait3A_110 = tpu.memref_slice %arg8[%add3A_57, %dma_wait3A_109] : memref<10112x128xf32, #tpu.memory_space<vmem_shared>> -> memref<120x128xf32, #tpu.memory_space<vmem_shared>>
      %dma_wait3A_111 = arith.constant 0 : i32
      %dma_wait3A_112 = tpu.memref_slice %arg8[%add3A_57, %dma_wait3A_111] : memref<10112x128xf32, #tpu.memory_space<vmem_shared>> -> memref<120x128xf32, #tpu.memory_space<vmem_shared>>
      %dma_wait3A_113 = arith.constant 0 : i32
      %dma_wait3A_114 = arith.constant 0 : i32
      %dma_wait3A_115 = tpu.memref_slice %arg10[%dma_wait3A_113, %dma_wait3A_114] : memref<120x128xf32, #tpu.memory_space<vmem>> -> memref<120x128xf32, #tpu.memory_space<vmem>>
      tpu.wait_dma2 semaphore(%run_scoped3A : memref<!tpu.dma_semaphore, #tpu.memory_space<semaphore_mem>>) src(%dma_wait3A_115 : memref<120x128xf32, #tpu.memory_space<vmem>>) dst(%dma_wait3A_112 : memref<120x128xf32, #tpu.memory_space<vmem_shared>>)
      tpu.yield
    }) : () -> ()
    %add3A_58 = arith.constant 240 : i32
    %add3A_59 = arith.addi %mul3A_0, %add3A_58 : i32
    "tpu.region"() ({
      %run_scoped3A = tpu.sem_alloc : memref<!tpu.dma_semaphore, #tpu.memory_space<semaphore_mem>>
      %dma_start3A = arith.constant 0 : i32
      %dma_start3A_98 = arith.constant 0 : i32
      %dma_start3A_99 = tpu.memref_slice %arg10[%dma_start3A, %dma_start3A_98] : memref<120x128xf32, #tpu.memory_space<vmem>> -> memref<120x128xf32, #tpu.memory_space<vmem>>
      %dma_start3A_100 = arith.constant 0 : i32
      %dma_start3A_101 = tpu.memref_slice %arg8[%add3A_59, %dma_start3A_100] : memref<10112x128xf32, #tpu.memory_space<vmem_shared>> -> memref<120x128xf32, #tpu.memory_space<vmem_shared>>
      %dma_start3A_102 = arith.constant 0 : i32
      %dma_start3A_103 = tpu.memref_slice %arg8[%add3A_59, %dma_start3A_102] : memref<10112x128xf32, #tpu.memory_space<vmem_shared>> -> memref<120x128xf32, #tpu.memory_space<vmem_shared>>
      %dma_start3A_104 = arith.constant 0 : i32
      %dma_start3A_105 = arith.constant 0 : i32
      %dma_start3A_106 = tpu.memref_slice %arg10[%dma_start3A_104, %dma_start3A_105] : memref<120x128xf32, #tpu.memory_space<vmem>> -> memref<120x128xf32, #tpu.memory_space<vmem>>
      tpu.enqueue_dma source(%dma_start3A_106 : memref<120x128xf32, #tpu.memory_space<vmem>>) target(%dma_start3A_103 : memref<120x128xf32, #tpu.memory_space<vmem_shared>>) target_semaphore(%run_scoped3A : memref<!tpu.dma_semaphore, #tpu.memory_space<semaphore_mem>>)
      %dma_wait3A = arith.constant 0 : i32
      %dma_wait3A_107 = arith.constant 0 : i32
      %dma_wait3A_108 = tpu.memref_slice %arg10[%dma_wait3A, %dma_wait3A_107] : memref<120x128xf32, #tpu.memory_space<vmem>> -> memref<120x128xf32, #tpu.memory_space<vmem>>
      %dma_wait3A_109 = arith.constant 0 : i32
      %dma_wait3A_110 = tpu.memref_slice %arg8[%add3A_59, %dma_wait3A_109] : memref<10112x128xf32, #tpu.memory_space<vmem_shared>> -> memref<120x128xf32, #tpu.memory_space<vmem_shared>>
      %dma_wait3A_111 = arith.constant 0 : i32
      %dma_wait3A_112 = tpu.memref_slice %arg8[%add3A_59, %dma_wait3A_111] : memref<10112x128xf32, #tpu.memory_space<vmem_shared>> -> memref<120x128xf32, #tpu.memory_space<vmem_shared>>
      %dma_wait3A_113 = arith.constant 0 : i32
      %dma_wait3A_114 = arith.constant 0 : i32
      %dma_wait3A_115 = tpu.memref_slice %arg10[%dma_wait3A_113, %dma_wait3A_114] : memref<120x128xf32, #tpu.memory_space<vmem>> -> memref<120x128xf32, #tpu.memory_space<vmem>>
      tpu.wait_dma2 semaphore(%run_scoped3A : memref<!tpu.dma_semaphore, #tpu.memory_space<semaphore_mem>>) src(%dma_wait3A_115 : memref<120x128xf32, #tpu.memory_space<vmem>>) dst(%dma_wait3A_112 : memref<120x128xf32, #tpu.memory_space<vmem_shared>>)
      tpu.yield
    }) : () -> ()
    %add3A_60 = arith.constant 360 : i32
    %add3A_61 = arith.addi %mul3A_0, %add3A_60 : i32
    "tpu.region"() ({
      %run_scoped3A = tpu.sem_alloc : memref<!tpu.dma_semaphore, #tpu.memory_space<semaphore_mem>>
      %dma_start3A = arith.constant 0 : i32
      %dma_start3A_98 = arith.constant 0 : i32
      %dma_start3A_99 = tpu.memref_slice %arg10[%dma_start3A, %dma_start3A_98] : memref<120x128xf32, #tpu.memory_space<vmem>> -> memref<120x128xf32, #tpu.memory_space<vmem>>
      %dma_start3A_100 = arith.constant 0 : i32
      %dma_start3A_101 = tpu.memref_slice %arg8[%add3A_61, %dma_start3A_100] : memref<10112x128xf32, #tpu.memory_space<vmem_shared>> -> memref<120x128xf32, #tpu.memory_space<vmem_shared>>
      %dma_start3A_102 = arith.constant 0 : i32
      %dma_start3A_103 = tpu.memref_slice %arg8[%add3A_61, %dma_start3A_102] : memref<10112x128xf32, #tpu.memory_space<vmem_shared>> -> memref<120x128xf32, #tpu.memory_space<vmem_shared>>
      %dma_start3A_104 = arith.constant 0 : i32
      %dma_start3A_105 = arith.constant 0 : i32
      %dma_start3A_106 = tpu.memref_slice %arg10[%dma_start3A_104, %dma_start3A_105] : memref<120x128xf32, #tpu.memory_space<vmem>> -> memref<120x128xf32, #tpu.memory_space<vmem>>
      tpu.enqueue_dma source(%dma_start3A_106 : memref<120x128xf32, #tpu.memory_space<vmem>>) target(%dma_start3A_103 : memref<120x128xf32, #tpu.memory_space<vmem_shared>>) target_semaphore(%run_scoped3A : memref<!tpu.dma_semaphore, #tpu.memory_space<semaphore_mem>>)
      %dma_wait3A = arith.constant 0 : i32
      %dma_wait3A_107 = arith.constant 0 : i32
      %dma_wait3A_108 = tpu.memref_slice %arg10[%dma_wait3A, %dma_wait3A_107] : memref<120x128xf32, #tpu.memory_space<vmem>> -> memref<120x128xf32, #tpu.memory_space<vmem>>
      %dma_wait3A_109 = arith.constant 0 : i32
      %dma_wait3A_110 = tpu.memref_slice %arg8[%add3A_61, %dma_wait3A_109] : memref<10112x128xf32, #tpu.memory_space<vmem_shared>> -> memref<120x128xf32, #tpu.memory_space<vmem_shared>>
      %dma_wait3A_111 = arith.constant 0 : i32
      %dma_wait3A_112 = tpu.memref_slice %arg8[%add3A_61, %dma_wait3A_111] : memref<10112x128xf32, #tpu.memory_space<vmem_shared>> -> memref<120x128xf32, #tpu.memory_space<vmem_shared>>
      %dma_wait3A_113 = arith.constant 0 : i32
      %dma_wait3A_114 = arith.constant 0 : i32
      %dma_wait3A_115 = tpu.memref_slice %arg10[%dma_wait3A_113, %dma_wait3A_114] : memref<120x128xf32, #tpu.memory_space<vmem>> -> memref<120x128xf32, #tpu.memory_space<vmem>>
      tpu.wait_dma2 semaphore(%run_scoped3A : memref<!tpu.dma_semaphore, #tpu.memory_space<semaphore_mem>>) src(%dma_wait3A_115 : memref<120x128xf32, #tpu.memory_space<vmem>>) dst(%dma_wait3A_112 : memref<120x128xf32, #tpu.memory_space<vmem_shared>>)
      tpu.yield
    }) : () -> ()
    %add3A_62 = arith.constant 480 : i32
    %add3A_63 = arith.addi %mul3A_0, %add3A_62 : i32
    "tpu.region"() ({
      %run_scoped3A = tpu.sem_alloc : memref<!tpu.dma_semaphore, #tpu.memory_space<semaphore_mem>>
      %dma_start3A = arith.constant 0 : i32
      %dma_start3A_98 = arith.constant 0 : i32
      %dma_start3A_99 = tpu.memref_slice %arg10[%dma_start3A, %dma_start3A_98] : memref<120x128xf32, #tpu.memory_space<vmem>> -> memref<120x128xf32, #tpu.memory_space<vmem>>
      %dma_start3A_100 = arith.constant 0 : i32
      %dma_start3A_101 = tpu.memref_slice %arg8[%add3A_63, %dma_start3A_100] : memref<10112x128xf32, #tpu.memory_space<vmem_shared>> -> memref<120x128xf32, #tpu.memory_space<vmem_shared>>
      %dma_start3A_102 = arith.constant 0 : i32
      %dma_start3A_103 = tpu.memref_slice %arg8[%add3A_63, %dma_start3A_102] : memref<10112x128xf32, #tpu.memory_space<vmem_shared>> -> memref<120x128xf32, #tpu.memory_space<vmem_shared>>
      %dma_start3A_104 = arith.constant 0 : i32
      %dma_start3A_105 = arith.constant 0 : i32
      %dma_start3A_106 = tpu.memref_slice %arg10[%dma_start3A_104, %dma_start3A_105] : memref<120x128xf32, #tpu.memory_space<vmem>> -> memref<120x128xf32, #tpu.memory_space<vmem>>
      tpu.enqueue_dma source(%dma_start3A_106 : memref<120x128xf32, #tpu.memory_space<vmem>>) target(%dma_start3A_103 : memref<120x128xf32, #tpu.memory_space<vmem_shared>>) target_semaphore(%run_scoped3A : memref<!tpu.dma_semaphore, #tpu.memory_space<semaphore_mem>>)
      %dma_wait3A = arith.constant 0 : i32
      %dma_wait3A_107 = arith.constant 0 : i32
      %dma_wait3A_108 = tpu.memref_slice %arg10[%dma_wait3A, %dma_wait3A_107] : memref<120x128xf32, #tpu.memory_space<vmem>> -> memref<120x128xf32, #tpu.memory_space<vmem>>
      %dma_wait3A_109 = arith.constant 0 : i32
      %dma_wait3A_110 = tpu.memref_slice %arg8[%add3A_63, %dma_wait3A_109] : memref<10112x128xf32, #tpu.memory_space<vmem_shared>> -> memref<120x128xf32, #tpu.memory_space<vmem_shared>>
      %dma_wait3A_111 = arith.constant 0 : i32
      %dma_wait3A_112 = tpu.memref_slice %arg8[%add3A_63, %dma_wait3A_111] : memref<10112x128xf32, #tpu.memory_space<vmem_shared>> -> memref<120x128xf32, #tpu.memory_space<vmem_shared>>
      %dma_wait3A_113 = arith.constant 0 : i32
      %dma_wait3A_114 = arith.constant 0 : i32
      %dma_wait3A_115 = tpu.memref_slice %arg10[%dma_wait3A_113, %dma_wait3A_114] : memref<120x128xf32, #tpu.memory_space<vmem>> -> memref<120x128xf32, #tpu.memory_space<vmem>>
      tpu.wait_dma2 semaphore(%run_scoped3A : memref<!tpu.dma_semaphore, #tpu.memory_space<semaphore_mem>>) src(%dma_wait3A_115 : memref<120x128xf32, #tpu.memory_space<vmem>>) dst(%dma_wait3A_112 : memref<120x128xf32, #tpu.memory_space<vmem_shared>>)
      tpu.yield
    }) : () -> ()
    %add3A_64 = arith.constant 600 : i32
    %add3A_65 = arith.addi %mul3A_0, %add3A_64 : i32
    "tpu.region"() ({
      %run_scoped3A = tpu.sem_alloc : memref<!tpu.dma_semaphore, #tpu.memory_space<semaphore_mem>>
      %dma_start3A = arith.constant 0 : i32
      %dma_start3A_98 = arith.constant 0 : i32
      %dma_start3A_99 = tpu.memref_slice %arg10[%dma_start3A, %dma_start3A_98] : memref<120x128xf32, #tpu.memory_space<vmem>> -> memref<32x128xf32, #tpu.memory_space<vmem>>
      %dma_start3A_100 = arith.constant 0 : i32
      %dma_start3A_101 = tpu.memref_slice %arg8[%add3A_65, %dma_start3A_100] : memref<10112x128xf32, #tpu.memory_space<vmem_shared>> -> memref<32x128xf32, #tpu.memory_space<vmem_shared>>
      %dma_start3A_102 = arith.constant 0 : i32
      %dma_start3A_103 = tpu.memref_slice %arg8[%add3A_65, %dma_start3A_102] : memref<10112x128xf32, #tpu.memory_space<vmem_shared>> -> memref<32x128xf32, #tpu.memory_space<vmem_shared>>
      %dma_start3A_104 = arith.constant 0 : i32
      %dma_start3A_105 = arith.constant 0 : i32
      %dma_start3A_106 = tpu.memref_slice %arg10[%dma_start3A_104, %dma_start3A_105] : memref<120x128xf32, #tpu.memory_space<vmem>> -> memref<32x128xf32, #tpu.memory_space<vmem>>
      tpu.enqueue_dma source(%dma_start3A_106 : memref<32x128xf32, #tpu.memory_space<vmem>>) target(%dma_start3A_103 : memref<32x128xf32, #tpu.memory_space<vmem_shared>>) target_semaphore(%run_scoped3A : memref<!tpu.dma_semaphore, #tpu.memory_space<semaphore_mem>>)
      %dma_wait3A = arith.constant 0 : i32
      %dma_wait3A_107 = arith.constant 0 : i32
      %dma_wait3A_108 = tpu.memref_slice %arg10[%dma_wait3A, %dma_wait3A_107] : memref<120x128xf32, #tpu.memory_space<vmem>> -> memref<32x128xf32, #tpu.memory_space<vmem>>
      %dma_wait3A_109 = arith.constant 0 : i32
      %dma_wait3A_110 = tpu.memref_slice %arg8[%add3A_65, %dma_wait3A_109] : memref<10112x128xf32, #tpu.memory_space<vmem_shared>> -> memref<32x128xf32, #tpu.memory_space<vmem_shared>>
      %dma_wait3A_111 = arith.constant 0 : i32
      %dma_wait3A_112 = tpu.memref_slice %arg8[%add3A_65, %dma_wait3A_111] : memref<10112x128xf32, #tpu.memory_space<vmem_shared>> -> memref<32x128xf32, #tpu.memory_space<vmem_shared>>
      %dma_wait3A_113 = arith.constant 0 : i32
      %dma_wait3A_114 = arith.constant 0 : i32
      %dma_wait3A_115 = tpu.memref_slice %arg10[%dma_wait3A_113, %dma_wait3A_114] : memref<120x128xf32, #tpu.memory_space<vmem>> -> memref<32x128xf32, #tpu.memory_space<vmem>>
      tpu.wait_dma2 semaphore(%run_scoped3A : memref<!tpu.dma_semaphore, #tpu.memory_space<semaphore_mem>>) src(%dma_wait3A_115 : memref<32x128xf32, #tpu.memory_space<vmem>>) dst(%dma_wait3A_112 : memref<32x128xf32, #tpu.memory_space<vmem_shared>>)
      tpu.yield
    }) : () -> ()
    %barrier3A_66 = arith.constant 0 : index
    tpu.barrier barrier_id(%barrier3A_66)
    %scan3A_67 = arith.constant 0 : i32
    %scan3A_68 = arith.constant 0 : i32
    %scan3A_69 = arith.constant 21 : i32
    %scan3A_70 = arith.addi %scan3A_68, %scan3A_69 : i32
    %scan3A_71 = arith.constant 1 : i32
    scf.for %scan3A_98 = %scan3A_68 to %scan3A_70 step %scan3A_71  : i32 {
      %mul3A_99 = arith.constant 2 : i32
      %mul3A_100 = arith.muli %scan3A_98, %mul3A_99 : i32
      %mul3A_101 = arith.constant 8 : i32
      %mul3A_102 = arith.muli %mul3A_100, %mul3A_101 : i32
      %add3A_103 = arith.addi %mul3A_8, %mul3A_102 : i32
      "tpu.region"() ({
        %run_scoped3A = tpu.sem_alloc : memref<!tpu.dma_semaphore, #tpu.memory_space<semaphore_mem>>
        %dma_start3A_122 = arith.constant 0 : i32
        %dma_start3A_123 = tpu.memref_slice %arg3[%add3A_103, %dma_start3A_122] : memref<10752x120xi32, #tpu.memory_space<hbm>> -> memref<16x120xi32, #tpu.memory_space<hbm>>
        %dma_start3A_124 = arith.constant 0 : i32
        %dma_start3A_125 = tpu.memref_slice %arg3[%add3A_103, %dma_start3A_124] : memref<10752x120xi32, #tpu.memory_space<hbm>> -> memref<16x120xi32, #tpu.memory_space<hbm>>
        tpu.enqueue_dma source(%dma_start3A_125 : memref<16x120xi32, #tpu.memory_space<hbm>>) target(%arg9 : memref<16x120xi32, #tpu.memory_space<vmem>>) target_semaphore(%run_scoped3A : memref<!tpu.dma_semaphore, #tpu.memory_space<semaphore_mem>>)
        %dma_wait3A = arith.constant 0 : i32
        %dma_wait3A_126 = tpu.memref_slice %arg3[%add3A_103, %dma_wait3A] : memref<10752x120xi32, #tpu.memory_space<hbm>> -> memref<16x120xi32, #tpu.memory_space<hbm>>
        %dma_wait3A_127 = arith.constant 0 : i32
        %dma_wait3A_128 = tpu.memref_slice %arg3[%add3A_103, %dma_wait3A_127] : memref<10752x120xi32, #tpu.memory_space<hbm>> -> memref<16x120xi32, #tpu.memory_space<hbm>>
        tpu.wait_dma2 semaphore(%run_scoped3A : memref<!tpu.dma_semaphore, #tpu.memory_space<semaphore_mem>>) src(%dma_wait3A_128 : memref<16x120xi32, #tpu.memory_space<hbm>>) dst(%arg9 : memref<16x120xi32, #tpu.memory_space<vmem>>)
        tpu.yield
      }) : () -> ()
      %dma_start3A = arith.constant 0 : i32
      %dma_start3A_104 = arith.constant 0 : i32
      %dma_start3A_105 = tpu.memref_slice %arg9[%dma_start3A, %dma_start3A_104] : memref<16x120xi32, #tpu.memory_space<vmem>> -> memref<1x120xi32, #tpu.memory_space<vmem>>
      %dma_start3A_106 = tpu.memref_squeeze %dma_start3A_105 : memref<1x120xi32, #tpu.memory_space<vmem>> -> memref<120xi32, #tpu.memory_space<vmem>>
      %dma_start3A_107 = arith.constant 0 : i32
      %dma_start3A_108 = arith.constant 0 : i32
      %dma_start3A_109 = tpu.memref_slice %arg2[%dma_start3A_107, %dma_start3A_108] : memref<20224x128xf32, #tpu.memory_space<hbm>> -> memref<20224x128xf32, #tpu.memory_space<hbm>>
      tpu.enqueue_indirect_dma source(%dma_start3A_109 : memref<20224x128xf32, #tpu.memory_space<hbm>>) target(%arg10 : memref<120x128xf32, #tpu.memory_space<vmem>>) offsets(%dma_start3A_106 : memref<120xi32, #tpu.memory_space<vmem>>) semaphore(%arg12 : memref<!tpu.dma_semaphore, #tpu.memory_space<semaphore_mem>>)
      %dma_start3A_110 = arith.constant 1 : i32
      %dma_start3A_111 = arith.constant 0 : i32
      %dma_start3A_112 = tpu.memref_slice %arg9[%dma_start3A_110, %dma_start3A_111] : memref<16x120xi32, #tpu.memory_space<vmem>> -> memref<1x120xi32, #tpu.memory_space<vmem>>
      %dma_start3A_113 = tpu.memref_squeeze %dma_start3A_112 : memref<1x120xi32, #tpu.memory_space<vmem>> -> memref<120xi32, #tpu.memory_space<vmem>>
      %dma_start3A_114 = arith.constant 0 : i32
      %dma_start3A_115 = arith.constant 0 : i32
      %dma_start3A_116 = tpu.memref_slice %arg2[%dma_start3A_114, %dma_start3A_115] : memref<20224x128xf32, #tpu.memory_space<hbm>> -> memref<20224x128xf32, #tpu.memory_space<hbm>>
      tpu.enqueue_indirect_dma source(%dma_start3A_116 : memref<20224x128xf32, #tpu.memory_space<hbm>>) target(%arg11 : memref<120x128xf32, #tpu.memory_space<vmem>>) offsets(%dma_start3A_113 : memref<120xi32, #tpu.memory_space<vmem>>) semaphore(%arg13 : memref<!tpu.dma_semaphore, #tpu.memory_space<semaphore_mem>>)
      %scan3A_117 = arith.constant 0 : i32
      %scan3A_118 = arith.constant 4 : i32
      %scan3A_119 = arith.addi %scan3A_117, %scan3A_118 : i32
      %scan3A_120 = arith.constant 1 : i32
      scf.for %scan3A_122 = %scan3A_117 to %scan3A_119 step %scan3A_120  : i32 {
        %mul3A_123 = arith.constant 2 : i32
        %mul3A_124 = arith.muli %mul3A_123, %scan3A_122 : i32
        %add3A_125 = arith.constant 0 : i32
        %add3A_126 = arith.addi %mul3A_124, %add3A_125 : i32
        %dma_wait3A = arith.constant 0 : i32
        %dma_wait3A_127 = tpu.memref_slice %arg9[%add3A_126, %dma_wait3A] : memref<16x120xi32, #tpu.memory_space<vmem>> -> memref<1x120xi32, #tpu.memory_space<vmem>>
        %dma_wait3A_128 = tpu.memref_squeeze %dma_wait3A_127 : memref<1x120xi32, #tpu.memory_space<vmem>> -> memref<120xi32, #tpu.memory_space<vmem>>
        %dma_wait3A_129 = arith.constant 0 : i32
        %dma_wait3A_130 = arith.constant 0 : i32
        %dma_wait3A_131 = tpu.memref_slice %arg2[%dma_wait3A_129, %dma_wait3A_130] : memref<20224x128xf32, #tpu.memory_space<hbm>> -> memref<20224x128xf32, #tpu.memory_space<hbm>>
        tpu.wait_indirect_dma semaphore(%arg12 : memref<!tpu.dma_semaphore, #tpu.memory_space<semaphore_mem>>) src(%dma_wait3A_131 : memref<20224x128xf32, #tpu.memory_space<hbm>>) dst(%arg10 : memref<120x128xf32, #tpu.memory_space<vmem>>)
        %add3A_132 = arith.constant 8 : i32
        %add3A_133 = arith.addi %add3A_132, %add3A_126 : i32
        "tpu.region"() ({
          %run_scoped3A = tpu.sem_alloc : memref<!tpu.dma_semaphore, #tpu.memory_space<semaphore_mem>>
          %dma_start3A_157 = arith.constant 0 : i32
          %dma_start3A_158 = tpu.memref_slice %arg9[%add3A_133, %dma_start3A_157] : memref<16x120xi32, #tpu.memory_space<vmem>> -> memref<1x120xi32, #tpu.memory_space<vmem>>
          %dma_start3A_159 = tpu.memref_squeeze %dma_start3A_158 : memref<1x120xi32, #tpu.memory_space<vmem>> -> memref<120xi32, #tpu.memory_space<vmem>>
          %dma_start3A_160 = arith.constant 0 : i32
          %dma_start3A_161 = arith.constant 0 : i32
          %dma_start3A_162 = tpu.memref_slice %arg8[%dma_start3A_160, %dma_start3A_161] : memref<10112x128xf32, #tpu.memory_space<vmem_shared>> -> memref<10112x128xf32, #tpu.memory_space<vmem_shared>>
          tpu.enqueue_indirect_dma source(%arg10 : memref<120x128xf32, #tpu.memory_space<vmem>>) target(%dma_start3A_162 : memref<10112x128xf32, #tpu.memory_space<vmem_shared>>) offsets(%dma_start3A_159 : memref<120xi32, #tpu.memory_space<vmem>>) semaphore(%run_scoped3A : memref<!tpu.dma_semaphore, #tpu.memory_space<semaphore_mem>>) {add = true}
          %dma_wait3A_163 = arith.constant 0 : i32
          %dma_wait3A_164 = tpu.memref_slice %arg9[%add3A_133, %dma_wait3A_163] : memref<16x120xi32, #tpu.memory_space<vmem>> -> memref<1x120xi32, #tpu.memory_space<vmem>>
          %dma_wait3A_165 = tpu.memref_squeeze %dma_wait3A_164 : memref<1x120xi32, #tpu.memory_space<vmem>> -> memref<120xi32, #tpu.memory_space<vmem>>
          %dma_wait3A_166 = arith.constant 0 : i32
          %dma_wait3A_167 = arith.constant 0 : i32
          %dma_wait3A_168 = tpu.memref_slice %arg8[%dma_wait3A_166, %dma_wait3A_167] : memref<10112x128xf32, #tpu.memory_space<vmem_shared>> -> memref<10112x128xf32, #tpu.memory_space<vmem_shared>>
          tpu.wait_indirect_dma semaphore(%run_scoped3A : memref<!tpu.dma_semaphore, #tpu.memory_space<semaphore_mem>>) src(%arg10 : memref<120x128xf32, #tpu.memory_space<vmem>>) dst(%dma_wait3A_168 : memref<10112x128xf32, #tpu.memory_space<vmem_shared>>)
          tpu.yield
        }) : () -> ()
        %add3A_134 = arith.constant 2 : i32
        %add3A_135 = arith.addi %add3A_126, %add3A_134 : i32
        %lt3A = arith.constant 8 : i32
        %lt3A_136 = arith.cmpi slt, %add3A_135, %lt3A : i32
        %convert_element_type3A = arith.extui %lt3A_136 : i1 to i32
        %cond3A = arith.constant 0 : i32
        %cond3A_137 = arith.cmpi ne, %convert_element_type3A, %cond3A : i32
        scf.if %cond3A_137 {
          %add3A_157 = arith.constant 2 : i32
          %add3A_158 = arith.addi %add3A_126, %add3A_157 : i32
          %dma_start3A_159 = arith.constant 0 : i32
          %dma_start3A_160 = tpu.memref_slice %arg9[%add3A_158, %dma_start3A_159] : memref<16x120xi32, #tpu.memory_space<vmem>> -> memref<1x120xi32, #tpu.memory_space<vmem>>
          %dma_start3A_161 = tpu.memref_squeeze %dma_start3A_160 : memref<1x120xi32, #tpu.memory_space<vmem>> -> memref<120xi32, #tpu.memory_space<vmem>>
          %dma_start3A_162 = arith.constant 0 : i32
          %dma_start3A_163 = arith.constant 0 : i32
          %dma_start3A_164 = tpu.memref_slice %arg2[%dma_start3A_162, %dma_start3A_163] : memref<20224x128xf32, #tpu.memory_space<hbm>> -> memref<20224x128xf32, #tpu.memory_space<hbm>>
          tpu.enqueue_indirect_dma source(%dma_start3A_164 : memref<20224x128xf32, #tpu.memory_space<hbm>>) target(%arg10 : memref<120x128xf32, #tpu.memory_space<vmem>>) offsets(%dma_start3A_161 : memref<120xi32, #tpu.memory_space<vmem>>) semaphore(%arg12 : memref<!tpu.dma_semaphore, #tpu.memory_space<semaphore_mem>>)
        } else {
        }
        %mul3A_138 = arith.constant 2 : i32
        %mul3A_139 = arith.muli %mul3A_138, %scan3A_122 : i32
        %add3A_140 = arith.constant 1 : i32
        %add3A_141 = arith.addi %mul3A_139, %add3A_140 : i32
        %dma_wait3A_142 = arith.constant 0 : i32
        %dma_wait3A_143 = tpu.memref_slice %arg9[%add3A_141, %dma_wait3A_142] : memref<16x120xi32, #tpu.memory_space<vmem>> -> memref<1x120xi32, #tpu.memory_space<vmem>>
        %dma_wait3A_144 = tpu.memref_squeeze %dma_wait3A_143 : memref<1x120xi32, #tpu.memory_space<vmem>> -> memref<120xi32, #tpu.memory_space<vmem>>
        %dma_wait3A_145 = arith.constant 0 : i32
        %dma_wait3A_146 = arith.constant 0 : i32
        %dma_wait3A_147 = tpu.memref_slice %arg2[%dma_wait3A_145, %dma_wait3A_146] : memref<20224x128xf32, #tpu.memory_space<hbm>> -> memref<20224x128xf32, #tpu.memory_space<hbm>>
        tpu.wait_indirect_dma semaphore(%arg13 : memref<!tpu.dma_semaphore, #tpu.memory_space<semaphore_mem>>) src(%dma_wait3A_147 : memref<20224x128xf32, #tpu.memory_space<hbm>>) dst(%arg11 : memref<120x128xf32, #tpu.memory_space<vmem>>)
        %add3A_148 = arith.constant 8 : i32
        %add3A_149 = arith.addi %add3A_148, %add3A_141 : i32
        "tpu.region"() ({
          %run_scoped3A = tpu.sem_alloc : memref<!tpu.dma_semaphore, #tpu.memory_space<semaphore_mem>>
          %dma_start3A_157 = arith.constant 0 : i32
          %dma_start3A_158 = tpu.memref_slice %arg9[%add3A_149, %dma_start3A_157] : memref<16x120xi32, #tpu.memory_space<vmem>> -> memref<1x120xi32, #tpu.memory_space<vmem>>
          %dma_start3A_159 = tpu.memref_squeeze %dma_start3A_158 : memref<1x120xi32, #tpu.memory_space<vmem>> -> memref<120xi32, #tpu.memory_space<vmem>>
          %dma_start3A_160 = arith.constant 0 : i32
          %dma_start3A_161 = arith.constant 0 : i32
          %dma_start3A_162 = tpu.memref_slice %arg8[%dma_start3A_160, %dma_start3A_161] : memref<10112x128xf32, #tpu.memory_space<vmem_shared>> -> memref<10112x128xf32, #tpu.memory_space<vmem_shared>>
          tpu.enqueue_indirect_dma source(%arg11 : memref<120x128xf32, #tpu.memory_space<vmem>>) target(%dma_start3A_162 : memref<10112x128xf32, #tpu.memory_space<vmem_shared>>) offsets(%dma_start3A_159 : memref<120xi32, #tpu.memory_space<vmem>>) semaphore(%run_scoped3A : memref<!tpu.dma_semaphore, #tpu.memory_space<semaphore_mem>>) {add = true}
          %dma_wait3A_163 = arith.constant 0 : i32
          %dma_wait3A_164 = tpu.memref_slice %arg9[%add3A_149, %dma_wait3A_163] : memref<16x120xi32, #tpu.memory_space<vmem>> -> memref<1x120xi32, #tpu.memory_space<vmem>>
          %dma_wait3A_165 = tpu.memref_squeeze %dma_wait3A_164 : memref<1x120xi32, #tpu.memory_space<vmem>> -> memref<120xi32, #tpu.memory_space<vmem>>
          %dma_wait3A_166 = arith.constant 0 : i32
          %dma_wait3A_167 = arith.constant 0 : i32
          %dma_wait3A_168 = tpu.memref_slice %arg8[%dma_wait3A_166, %dma_wait3A_167] : memref<10112x128xf32, #tpu.memory_space<vmem_shared>> -> memref<10112x128xf32, #tpu.memory_space<vmem_shared>>
          tpu.wait_indirect_dma semaphore(%run_scoped3A : memref<!tpu.dma_semaphore, #tpu.memory_space<semaphore_mem>>) src(%arg11 : memref<120x128xf32, #tpu.memory_space<vmem>>) dst(%dma_wait3A_168 : memref<10112x128xf32, #tpu.memory_space<vmem_shared>>)
          tpu.yield
        }) : () -> ()
        %add3A_150 = arith.constant 2 : i32
        %add3A_151 = arith.addi %add3A_141, %add3A_150 : i32
        %lt3A_152 = arith.constant 8 : i32
        %lt3A_153 = arith.cmpi slt, %add3A_151, %lt3A_152 : i32
        %convert_element_type3A_154 = arith.extui %lt3A_153 : i1 to i32
        %cond3A_155 = arith.constant 0 : i32
        %cond3A_156 = arith.cmpi ne, %convert_element_type3A_154, %cond3A_155 : i32
        scf.if %cond3A_156 {
          %add3A_157 = arith.constant 2 : i32
          %add3A_158 = arith.addi %add3A_141, %add3A_157 : i32
          %dma_start3A_159 = arith.constant 0 : i32
          %dma_start3A_160 = tpu.memref_slice %arg9[%add3A_158, %dma_start3A_159] : memref<16x120xi32, #tpu.memory_space<vmem>> -> memref<1x120xi32, #tpu.memory_space<vmem>>
          %dma_start3A_161 = tpu.memref_squeeze %dma_start3A_160 : memref<1x120xi32, #tpu.memory_space<vmem>> -> memref<120xi32, #tpu.memory_space<vmem>>
          %dma_start3A_162 = arith.constant 0 : i32
          %dma_start3A_163 = arith.constant 0 : i32
          %dma_start3A_164 = tpu.memref_slice %arg2[%dma_start3A_162, %dma_start3A_163] : memref<20224x128xf32, #tpu.memory_space<hbm>> -> memref<20224x128xf32, #tpu.memory_space<hbm>>
          tpu.enqueue_indirect_dma source(%dma_start3A_164 : memref<20224x128xf32, #tpu.memory_space<hbm>>) target(%arg11 : memref<120x128xf32, #tpu.memory_space<vmem>>) offsets(%dma_start3A_161 : memref<120xi32, #tpu.memory_space<vmem>>) semaphore(%arg13 : memref<!tpu.dma_semaphore, #tpu.memory_space<semaphore_mem>>)
        } else {
        }
      }
      %scan3A_121 = arith.constant 4 : i32
    }
    %scan3A_72 = arith.constant 21 : i32
    %barrier3A_73 = arith.constant 0 : index
    tpu.barrier barrier_id(%barrier3A_73)
    %add3A_74 = arith.constant 0 : i32
    %add3A_75 = arith.addi %mul3A_0, %add3A_74 : i32
    "tpu.region"() ({
      %run_scoped3A = tpu.sem_alloc : memref<!tpu.dma_semaphore, #tpu.memory_space<semaphore_mem>>
      %dma_start3A = arith.constant 0 : i32
      %dma_start3A_98 = arith.constant 0 : i32
      %dma_start3A_99 = tpu.memref_slice %arg10[%dma_start3A, %dma_start3A_98] : memref<120x128xf32, #tpu.memory_space<vmem>> -> memref<120x128xf32, #tpu.memory_space<vmem>>
      %dma_start3A_100 = arith.constant 0 : i32
      %dma_start3A_101 = tpu.memref_slice %arg8[%add3A_75, %dma_start3A_100] : memref<10112x128xf32, #tpu.memory_space<vmem_shared>> -> memref<120x128xf32, #tpu.memory_space<vmem_shared>>
      %dma_start3A_102 = arith.constant 0 : i32
      %dma_start3A_103 = arith.constant 0 : i32
      %dma_start3A_104 = tpu.memref_slice %arg10[%dma_start3A_102, %dma_start3A_103] : memref<120x128xf32, #tpu.memory_space<vmem>> -> memref<120x128xf32, #tpu.memory_space<vmem>>
      %dma_start3A_105 = arith.constant 0 : i32
      %dma_start3A_106 = tpu.memref_slice %arg8[%add3A_75, %dma_start3A_105] : memref<10112x128xf32, #tpu.memory_space<vmem_shared>> -> memref<120x128xf32, #tpu.memory_space<vmem_shared>>
      tpu.enqueue_dma source(%dma_start3A_106 : memref<120x128xf32, #tpu.memory_space<vmem_shared>>) target(%dma_start3A_104 : memref<120x128xf32, #tpu.memory_space<vmem>>) target_semaphore(%run_scoped3A : memref<!tpu.dma_semaphore, #tpu.memory_space<semaphore_mem>>)
      %dma_wait3A = arith.constant 0 : i32
      %dma_wait3A_107 = arith.constant 0 : i32
      %dma_wait3A_108 = tpu.memref_slice %arg10[%dma_wait3A, %dma_wait3A_107] : memref<120x128xf32, #tpu.memory_space<vmem>> -> memref<120x128xf32, #tpu.memory_space<vmem>>
      %dma_wait3A_109 = arith.constant 0 : i32
      %dma_wait3A_110 = tpu.memref_slice %arg8[%add3A_75, %dma_wait3A_109] : memref<10112x128xf32, #tpu.memory_space<vmem_shared>> -> memref<120x128xf32, #tpu.memory_space<vmem_shared>>
      %dma_wait3A_111 = arith.constant 0 : i32
      %dma_wait3A_112 = arith.constant 0 : i32
      %dma_wait3A_113 = tpu.memref_slice %arg10[%dma_wait3A_111, %dma_wait3A_112] : memref<120x128xf32, #tpu.memory_space<vmem>> -> memref<120x128xf32, #tpu.memory_space<vmem>>
      %dma_wait3A_114 = arith.constant 0 : i32
      %dma_wait3A_115 = tpu.memref_slice %arg8[%add3A_75, %dma_wait3A_114] : memref<10112x128xf32, #tpu.memory_space<vmem_shared>> -> memref<120x128xf32, #tpu.memory_space<vmem_shared>>
      tpu.wait_dma2 semaphore(%run_scoped3A : memref<!tpu.dma_semaphore, #tpu.memory_space<semaphore_mem>>) src(%dma_wait3A_115 : memref<120x128xf32, #tpu.memory_space<vmem_shared>>) dst(%dma_wait3A_113 : memref<120x128xf32, #tpu.memory_space<vmem>>)
      tpu.yield
    }) : () -> ()
    %add3A_76 = arith.constant 0 : i32
    %add3A_77 = arith.addi %add3A_11, %add3A_76 : i32
    "tpu.region"() ({
      %run_scoped3A = tpu.sem_alloc : memref<!tpu.dma_semaphore, #tpu.memory_space<semaphore_mem>>
      %dma_start3A = arith.constant 0 : i32
      %dma_start3A_98 = arith.constant 0 : i32
      %dma_start3A_99 = tpu.memref_slice %arg10[%dma_start3A, %dma_start3A_98] : memref<120x128xf32, #tpu.memory_space<vmem>> -> memref<120x128xf32, #tpu.memory_space<vmem>>
      %dma_start3A_100 = arith.constant 0 : i32
      %dma_start3A_101 = tpu.memref_slice %arg6[%add3A_77, %dma_start3A_100] : memref<20224x128xf32, #tpu.memory_space<hbm>> -> memref<120x128xf32, #tpu.memory_space<hbm>>
      %dma_start3A_102 = arith.constant 0 : i32
      %dma_start3A_103 = tpu.memref_slice %arg6[%add3A_77, %dma_start3A_102] : memref<20224x128xf32, #tpu.memory_space<hbm>> -> memref<120x128xf32, #tpu.memory_space<hbm>>
      %dma_start3A_104 = arith.constant 0 : i32
      %dma_start3A_105 = arith.constant 0 : i32
      %dma_start3A_106 = tpu.memref_slice %arg10[%dma_start3A_104, %dma_start3A_105] : memref<120x128xf32, #tpu.memory_space<vmem>> -> memref<120x128xf32, #tpu.memory_space<vmem>>
      tpu.enqueue_dma source(%dma_start3A_106 : memref<120x128xf32, #tpu.memory_space<vmem>>) target(%dma_start3A_103 : memref<120x128xf32, #tpu.memory_space<hbm>>) target_semaphore(%run_scoped3A : memref<!tpu.dma_semaphore, #tpu.memory_space<semaphore_mem>>)
      %dma_wait3A = arith.constant 0 : i32
      %dma_wait3A_107 = arith.constant 0 : i32
      %dma_wait3A_108 = tpu.memref_slice %arg10[%dma_wait3A, %dma_wait3A_107] : memref<120x128xf32, #tpu.memory_space<vmem>> -> memref<120x128xf32, #tpu.memory_space<vmem>>
      %dma_wait3A_109 = arith.constant 0 : i32
      %dma_wait3A_110 = tpu.memref_slice %arg6[%add3A_77, %dma_wait3A_109] : memref<20224x128xf32, #tpu.memory_space<hbm>> -> memref<120x128xf32, #tpu.memory_space<hbm>>
      %dma_wait3A_111 = arith.constant 0 : i32
      %dma_wait3A_112 = tpu.memref_slice %arg6[%add3A_77, %dma_wait3A_111] : memref<20224x128xf32, #tpu.memory_space<hbm>> -> memref<120x128xf32, #tpu.memory_space<hbm>>
      %dma_wait3A_113 = arith.constant 0 : i32
      %dma_wait3A_114 = arith.constant 0 : i32
      %dma_wait3A_115 = tpu.memref_slice %arg10[%dma_wait3A_113, %dma_wait3A_114] : memref<120x128xf32, #tpu.memory_space<vmem>> -> memref<120x128xf32, #tpu.memory_space<vmem>>
      tpu.wait_dma2 semaphore(%run_scoped3A : memref<!tpu.dma_semaphore, #tpu.memory_space<semaphore_mem>>) src(%dma_wait3A_115 : memref<120x128xf32, #tpu.memory_space<vmem>>) dst(%dma_wait3A_112 : memref<120x128xf32, #tpu.memory_space<hbm>>)
      tpu.yield
    }) : () -> ()
    %add3A_78 = arith.constant 120 : i32
    %add3A_79 = arith.addi %mul3A_0, %add3A_78 : i32
    "tpu.region"() ({
      %run_scoped3A = tpu.sem_alloc : memref<!tpu.dma_semaphore, #tpu.memory_space<semaphore_mem>>
      %dma_start3A = arith.constant 0 : i32
      %dma_start3A_98 = arith.constant 0 : i32
      %dma_start3A_99 = tpu.memref_slice %arg10[%dma_start3A, %dma_start3A_98] : memref<120x128xf32, #tpu.memory_space<vmem>> -> memref<120x128xf32, #tpu.memory_space<vmem>>
      %dma_start3A_100 = arith.constant 0 : i32
      %dma_start3A_101 = tpu.memref_slice %arg8[%add3A_79, %dma_start3A_100] : memref<10112x128xf32, #tpu.memory_space<vmem_shared>> -> memref<120x128xf32, #tpu.memory_space<vmem_shared>>
      %dma_start3A_102 = arith.constant 0 : i32
      %dma_start3A_103 = arith.constant 0 : i32
      %dma_start3A_104 = tpu.memref_slice %arg10[%dma_start3A_102, %dma_start3A_103] : memref<120x128xf32, #tpu.memory_space<vmem>> -> memref<120x128xf32, #tpu.memory_space<vmem>>
      %dma_start3A_105 = arith.constant 0 : i32
      %dma_start3A_106 = tpu.memref_slice %arg8[%add3A_79, %dma_start3A_105] : memref<10112x128xf32, #tpu.memory_space<vmem_shared>> -> memref<120x128xf32, #tpu.memory_space<vmem_shared>>
      tpu.enqueue_dma source(%dma_start3A_106 : memref<120x128xf32, #tpu.memory_space<vmem_shared>>) target(%dma_start3A_104 : memref<120x128xf32, #tpu.memory_space<vmem>>) target_semaphore(%run_scoped3A : memref<!tpu.dma_semaphore, #tpu.memory_space<semaphore_mem>>)
      %dma_wait3A = arith.constant 0 : i32
      %dma_wait3A_107 = arith.constant 0 : i32
      %dma_wait3A_108 = tpu.memref_slice %arg10[%dma_wait3A, %dma_wait3A_107] : memref<120x128xf32, #tpu.memory_space<vmem>> -> memref<120x128xf32, #tpu.memory_space<vmem>>
      %dma_wait3A_109 = arith.constant 0 : i32
      %dma_wait3A_110 = tpu.memref_slice %arg8[%add3A_79, %dma_wait3A_109] : memref<10112x128xf32, #tpu.memory_space<vmem_shared>> -> memref<120x128xf32, #tpu.memory_space<vmem_shared>>
      %dma_wait3A_111 = arith.constant 0 : i32
      %dma_wait3A_112 = arith.constant 0 : i32
      %dma_wait3A_113 = tpu.memref_slice %arg10[%dma_wait3A_111, %dma_wait3A_112] : memref<120x128xf32, #tpu.memory_space<vmem>> -> memref<120x128xf32, #tpu.memory_space<vmem>>
      %dma_wait3A_114 = arith.constant 0 : i32
      %dma_wait3A_115 = tpu.memref_slice %arg8[%add3A_79, %dma_wait3A_114] : memref<10112x128xf32, #tpu.memory_space<vmem_shared>> -> memref<120x128xf32, #tpu.memory_space<vmem_shared>>
      tpu.wait_dma2 semaphore(%run_scoped3A : memref<!tpu.dma_semaphore, #tpu.memory_space<semaphore_mem>>) src(%dma_wait3A_115 : memref<120x128xf32, #tpu.memory_space<vmem_shared>>) dst(%dma_wait3A_113 : memref<120x128xf32, #tpu.memory_space<vmem>>)
      tpu.yield
    }) : () -> ()
    %add3A_80 = arith.constant 120 : i32
    %add3A_81 = arith.addi %add3A_11, %add3A_80 : i32
    "tpu.region"() ({
      %run_scoped3A = tpu.sem_alloc : memref<!tpu.dma_semaphore, #tpu.memory_space<semaphore_mem>>
      %dma_start3A = arith.constant 0 : i32
      %dma_start3A_98 = arith.constant 0 : i32
      %dma_start3A_99 = tpu.memref_slice %arg10[%dma_start3A, %dma_start3A_98] : memref<120x128xf32, #tpu.memory_space<vmem>> -> memref<120x128xf32, #tpu.memory_space<vmem>>
      %dma_start3A_100 = arith.constant 0 : i32
      %dma_start3A_101 = tpu.memref_slice %arg6[%add3A_81, %dma_start3A_100] : memref<20224x128xf32, #tpu.memory_space<hbm>> -> memref<120x128xf32, #tpu.memory_space<hbm>>
      %dma_start3A_102 = arith.constant 0 : i32
      %dma_start3A_103 = tpu.memref_slice %arg6[%add3A_81, %dma_start3A_102] : memref<20224x128xf32, #tpu.memory_space<hbm>> -> memref<120x128xf32, #tpu.memory_space<hbm>>
      %dma_start3A_104 = arith.constant 0 : i32
      %dma_start3A_105 = arith.constant 0 : i32
      %dma_start3A_106 = tpu.memref_slice %arg10[%dma_start3A_104, %dma_start3A_105] : memref<120x128xf32, #tpu.memory_space<vmem>> -> memref<120x128xf32, #tpu.memory_space<vmem>>
      tpu.enqueue_dma source(%dma_start3A_106 : memref<120x128xf32, #tpu.memory_space<vmem>>) target(%dma_start3A_103 : memref<120x128xf32, #tpu.memory_space<hbm>>) target_semaphore(%run_scoped3A : memref<!tpu.dma_semaphore, #tpu.memory_space<semaphore_mem>>)
      %dma_wait3A = arith.constant 0 : i32
      %dma_wait3A_107 = arith.constant 0 : i32
      %dma_wait3A_108 = tpu.memref_slice %arg10[%dma_wait3A, %dma_wait3A_107] : memref<120x128xf32, #tpu.memory_space<vmem>> -> memref<120x128xf32, #tpu.memory_space<vmem>>
      %dma_wait3A_109 = arith.constant 0 : i32
      %dma_wait3A_110 = tpu.memref_slice %arg6[%add3A_81, %dma_wait3A_109] : memref<20224x128xf32, #tpu.memory_space<hbm>> -> memref<120x128xf32, #tpu.memory_space<hbm>>
      %dma_wait3A_111 = arith.constant 0 : i32
      %dma_wait3A_112 = tpu.memref_slice %arg6[%add3A_81, %dma_wait3A_111] : memref<20224x128xf32, #tpu.memory_space<hbm>> -> memref<120x128xf32, #tpu.memory_space<hbm>>
      %dma_wait3A_113 = arith.constant 0 : i32
      %dma_wait3A_114 = arith.constant 0 : i32
      %dma_wait3A_115 = tpu.memref_slice %arg10[%dma_wait3A_113, %dma_wait3A_114] : memref<120x128xf32, #tpu.memory_space<vmem>> -> memref<120x128xf32, #tpu.memory_space<vmem>>
      tpu.wait_dma2 semaphore(%run_scoped3A : memref<!tpu.dma_semaphore, #tpu.memory_space<semaphore_mem>>) src(%dma_wait3A_115 : memref<120x128xf32, #tpu.memory_space<vmem>>) dst(%dma_wait3A_112 : memref<120x128xf32, #tpu.memory_space<hbm>>)
      tpu.yield
    }) : () -> ()
    %add3A_82 = arith.constant 240 : i32
    %add3A_83 = arith.addi %mul3A_0, %add3A_82 : i32
    "tpu.region"() ({
      %run_scoped3A = tpu.sem_alloc : memref<!tpu.dma_semaphore, #tpu.memory_space<semaphore_mem>>
      %dma_start3A = arith.constant 0 : i32
      %dma_start3A_98 = arith.constant 0 : i32
      %dma_start3A_99 = tpu.memref_slice %arg10[%dma_start3A, %dma_start3A_98] : memref<120x128xf32, #tpu.memory_space<vmem>> -> memref<120x128xf32, #tpu.memory_space<vmem>>
      %dma_start3A_100 = arith.constant 0 : i32
      %dma_start3A_101 = tpu.memref_slice %arg8[%add3A_83, %dma_start3A_100] : memref<10112x128xf32, #tpu.memory_space<vmem_shared>> -> memref<120x128xf32, #tpu.memory_space<vmem_shared>>
      %dma_start3A_102 = arith.constant 0 : i32
      %dma_start3A_103 = arith.constant 0 : i32
      %dma_start3A_104 = tpu.memref_slice %arg10[%dma_start3A_102, %dma_start3A_103] : memref<120x128xf32, #tpu.memory_space<vmem>> -> memref<120x128xf32, #tpu.memory_space<vmem>>
      %dma_start3A_105 = arith.constant 0 : i32
      %dma_start3A_106 = tpu.memref_slice %arg8[%add3A_83, %dma_start3A_105] : memref<10112x128xf32, #tpu.memory_space<vmem_shared>> -> memref<120x128xf32, #tpu.memory_space<vmem_shared>>
      tpu.enqueue_dma source(%dma_start3A_106 : memref<120x128xf32, #tpu.memory_space<vmem_shared>>) target(%dma_start3A_104 : memref<120x128xf32, #tpu.memory_space<vmem>>) target_semaphore(%run_scoped3A : memref<!tpu.dma_semaphore, #tpu.memory_space<semaphore_mem>>)
      %dma_wait3A = arith.constant 0 : i32
      %dma_wait3A_107 = arith.constant 0 : i32
      %dma_wait3A_108 = tpu.memref_slice %arg10[%dma_wait3A, %dma_wait3A_107] : memref<120x128xf32, #tpu.memory_space<vmem>> -> memref<120x128xf32, #tpu.memory_space<vmem>>
      %dma_wait3A_109 = arith.constant 0 : i32
      %dma_wait3A_110 = tpu.memref_slice %arg8[%add3A_83, %dma_wait3A_109] : memref<10112x128xf32, #tpu.memory_space<vmem_shared>> -> memref<120x128xf32, #tpu.memory_space<vmem_shared>>
      %dma_wait3A_111 = arith.constant 0 : i32
      %dma_wait3A_112 = arith.constant 0 : i32
      %dma_wait3A_113 = tpu.memref_slice %arg10[%dma_wait3A_111, %dma_wait3A_112] : memref<120x128xf32, #tpu.memory_space<vmem>> -> memref<120x128xf32, #tpu.memory_space<vmem>>
      %dma_wait3A_114 = arith.constant 0 : i32
      %dma_wait3A_115 = tpu.memref_slice %arg8[%add3A_83, %dma_wait3A_114] : memref<10112x128xf32, #tpu.memory_space<vmem_shared>> -> memref<120x128xf32, #tpu.memory_space<vmem_shared>>
      tpu.wait_dma2 semaphore(%run_scoped3A : memref<!tpu.dma_semaphore, #tpu.memory_space<semaphore_mem>>) src(%dma_wait3A_115 : memref<120x128xf32, #tpu.memory_space<vmem_shared>>) dst(%dma_wait3A_113 : memref<120x128xf32, #tpu.memory_space<vmem>>)
      tpu.yield
    }) : () -> ()
    %add3A_84 = arith.constant 240 : i32
    %add3A_85 = arith.addi %add3A_11, %add3A_84 : i32
    "tpu.region"() ({
      %run_scoped3A = tpu.sem_alloc : memref<!tpu.dma_semaphore, #tpu.memory_space<semaphore_mem>>
      %dma_start3A = arith.constant 0 : i32
      %dma_start3A_98 = arith.constant 0 : i32
      %dma_start3A_99 = tpu.memref_slice %arg10[%dma_start3A, %dma_start3A_98] : memref<120x128xf32, #tpu.memory_space<vmem>> -> memref<120x128xf32, #tpu.memory_space<vmem>>
      %dma_start3A_100 = arith.constant 0 : i32
      %dma_start3A_101 = tpu.memref_slice %arg6[%add3A_85, %dma_start3A_100] : memref<20224x128xf32, #tpu.memory_space<hbm>> -> memref<120x128xf32, #tpu.memory_space<hbm>>
      %dma_start3A_102 = arith.constant 0 : i32
      %dma_start3A_103 = tpu.memref_slice %arg6[%add3A_85, %dma_start3A_102] : memref<20224x128xf32, #tpu.memory_space<hbm>> -> memref<120x128xf32, #tpu.memory_space<hbm>>
      %dma_start3A_104 = arith.constant 0 : i32
      %dma_start3A_105 = arith.constant 0 : i32
      %dma_start3A_106 = tpu.memref_slice %arg10[%dma_start3A_104, %dma_start3A_105] : memref<120x128xf32, #tpu.memory_space<vmem>> -> memref<120x128xf32, #tpu.memory_space<vmem>>
      tpu.enqueue_dma source(%dma_start3A_106 : memref<120x128xf32, #tpu.memory_space<vmem>>) target(%dma_start3A_103 : memref<120x128xf32, #tpu.memory_space<hbm>>) target_semaphore(%run_scoped3A : memref<!tpu.dma_semaphore, #tpu.memory_space<semaphore_mem>>)
      %dma_wait3A = arith.constant 0 : i32
      %dma_wait3A_107 = arith.constant 0 : i32
      %dma_wait3A_108 = tpu.memref_slice %arg10[%dma_wait3A, %dma_wait3A_107] : memref<120x128xf32, #tpu.memory_space<vmem>> -> memref<120x128xf32, #tpu.memory_space<vmem>>
      %dma_wait3A_109 = arith.constant 0 : i32
      %dma_wait3A_110 = tpu.memref_slice %arg6[%add3A_85, %dma_wait3A_109] : memref<20224x128xf32, #tpu.memory_space<hbm>> -> memref<120x128xf32, #tpu.memory_space<hbm>>
      %dma_wait3A_111 = arith.constant 0 : i32
      %dma_wait3A_112 = tpu.memref_slice %arg6[%add3A_85, %dma_wait3A_111] : memref<20224x128xf32, #tpu.memory_space<hbm>> -> memref<120x128xf32, #tpu.memory_space<hbm>>
      %dma_wait3A_113 = arith.constant 0 : i32
      %dma_wait3A_114 = arith.constant 0 : i32
      %dma_wait3A_115 = tpu.memref_slice %arg10[%dma_wait3A_113, %dma_wait3A_114] : memref<120x128xf32, #tpu.memory_space<vmem>> -> memref<120x128xf32, #tpu.memory_space<vmem>>
      tpu.wait_dma2 semaphore(%run_scoped3A : memref<!tpu.dma_semaphore, #tpu.memory_space<semaphore_mem>>) src(%dma_wait3A_115 : memref<120x128xf32, #tpu.memory_space<vmem>>) dst(%dma_wait3A_112 : memref<120x128xf32, #tpu.memory_space<hbm>>)
      tpu.yield
    }) : () -> ()
    %add3A_86 = arith.constant 360 : i32
    %add3A_87 = arith.addi %mul3A_0, %add3A_86 : i32
    "tpu.region"() ({
      %run_scoped3A = tpu.sem_alloc : memref<!tpu.dma_semaphore, #tpu.memory_space<semaphore_mem>>
      %dma_start3A = arith.constant 0 : i32
      %dma_start3A_98 = arith.constant 0 : i32
      %dma_start3A_99 = tpu.memref_slice %arg10[%dma_start3A, %dma_start3A_98] : memref<120x128xf32, #tpu.memory_space<vmem>> -> memref<120x128xf32, #tpu.memory_space<vmem>>
      %dma_start3A_100 = arith.constant 0 : i32
      %dma_start3A_101 = tpu.memref_slice %arg8[%add3A_87, %dma_start3A_100] : memref<10112x128xf32, #tpu.memory_space<vmem_shared>> -> memref<120x128xf32, #tpu.memory_space<vmem_shared>>
      %dma_start3A_102 = arith.constant 0 : i32
      %dma_start3A_103 = arith.constant 0 : i32
      %dma_start3A_104 = tpu.memref_slice %arg10[%dma_start3A_102, %dma_start3A_103] : memref<120x128xf32, #tpu.memory_space<vmem>> -> memref<120x128xf32, #tpu.memory_space<vmem>>
      %dma_start3A_105 = arith.constant 0 : i32
      %dma_start3A_106 = tpu.memref_slice %arg8[%add3A_87, %dma_start3A_105] : memref<10112x128xf32, #tpu.memory_space<vmem_shared>> -> memref<120x128xf32, #tpu.memory_space<vmem_shared>>
      tpu.enqueue_dma source(%dma_start3A_106 : memref<120x128xf32, #tpu.memory_space<vmem_shared>>) target(%dma_start3A_104 : memref<120x128xf32, #tpu.memory_space<vmem>>) target_semaphore(%run_scoped3A : memref<!tpu.dma_semaphore, #tpu.memory_space<semaphore_mem>>)
      %dma_wait3A = arith.constant 0 : i32
      %dma_wait3A_107 = arith.constant 0 : i32
      %dma_wait3A_108 = tpu.memref_slice %arg10[%dma_wait3A, %dma_wait3A_107] : memref<120x128xf32, #tpu.memory_space<vmem>> -> memref<120x128xf32, #tpu.memory_space<vmem>>
      %dma_wait3A_109 = arith.constant 0 : i32
      %dma_wait3A_110 = tpu.memref_slice %arg8[%add3A_87, %dma_wait3A_109] : memref<10112x128xf32, #tpu.memory_space<vmem_shared>> -> memref<120x128xf32, #tpu.memory_space<vmem_shared>>
      %dma_wait3A_111 = arith.constant 0 : i32
      %dma_wait3A_112 = arith.constant 0 : i32
      %dma_wait3A_113 = tpu.memref_slice %arg10[%dma_wait3A_111, %dma_wait3A_112] : memref<120x128xf32, #tpu.memory_space<vmem>> -> memref<120x128xf32, #tpu.memory_space<vmem>>
      %dma_wait3A_114 = arith.constant 0 : i32
      %dma_wait3A_115 = tpu.memref_slice %arg8[%add3A_87, %dma_wait3A_114] : memref<10112x128xf32, #tpu.memory_space<vmem_shared>> -> memref<120x128xf32, #tpu.memory_space<vmem_shared>>
      tpu.wait_dma2 semaphore(%run_scoped3A : memref<!tpu.dma_semaphore, #tpu.memory_space<semaphore_mem>>) src(%dma_wait3A_115 : memref<120x128xf32, #tpu.memory_space<vmem_shared>>) dst(%dma_wait3A_113 : memref<120x128xf32, #tpu.memory_space<vmem>>)
      tpu.yield
    }) : () -> ()
    %add3A_88 = arith.constant 360 : i32
    %add3A_89 = arith.addi %add3A_11, %add3A_88 : i32
    "tpu.region"() ({
      %run_scoped3A = tpu.sem_alloc : memref<!tpu.dma_semaphore, #tpu.memory_space<semaphore_mem>>
      %dma_start3A = arith.constant 0 : i32
      %dma_start3A_98 = arith.constant 0 : i32
      %dma_start3A_99 = tpu.memref_slice %arg10[%dma_start3A, %dma_start3A_98] : memref<120x128xf32, #tpu.memory_space<vmem>> -> memref<120x128xf32, #tpu.memory_space<vmem>>
      %dma_start3A_100 = arith.constant 0 : i32
      %dma_start3A_101 = tpu.memref_slice %arg6[%add3A_89, %dma_start3A_100] : memref<20224x128xf32, #tpu.memory_space<hbm>> -> memref<120x128xf32, #tpu.memory_space<hbm>>
      %dma_start3A_102 = arith.constant 0 : i32
      %dma_start3A_103 = tpu.memref_slice %arg6[%add3A_89, %dma_start3A_102] : memref<20224x128xf32, #tpu.memory_space<hbm>> -> memref<120x128xf32, #tpu.memory_space<hbm>>
      %dma_start3A_104 = arith.constant 0 : i32
      %dma_start3A_105 = arith.constant 0 : i32
      %dma_start3A_106 = tpu.memref_slice %arg10[%dma_start3A_104, %dma_start3A_105] : memref<120x128xf32, #tpu.memory_space<vmem>> -> memref<120x128xf32, #tpu.memory_space<vmem>>
      tpu.enqueue_dma source(%dma_start3A_106 : memref<120x128xf32, #tpu.memory_space<vmem>>) target(%dma_start3A_103 : memref<120x128xf32, #tpu.memory_space<hbm>>) target_semaphore(%run_scoped3A : memref<!tpu.dma_semaphore, #tpu.memory_space<semaphore_mem>>)
      %dma_wait3A = arith.constant 0 : i32
      %dma_wait3A_107 = arith.constant 0 : i32
      %dma_wait3A_108 = tpu.memref_slice %arg10[%dma_wait3A, %dma_wait3A_107] : memref<120x128xf32, #tpu.memory_space<vmem>> -> memref<120x128xf32, #tpu.memory_space<vmem>>
      %dma_wait3A_109 = arith.constant 0 : i32
      %dma_wait3A_110 = tpu.memref_slice %arg6[%add3A_89, %dma_wait3A_109] : memref<20224x128xf32, #tpu.memory_space<hbm>> -> memref<120x128xf32, #tpu.memory_space<hbm>>
      %dma_wait3A_111 = arith.constant 0 : i32
      %dma_wait3A_112 = tpu.memref_slice %arg6[%add3A_89, %dma_wait3A_111] : memref<20224x128xf32, #tpu.memory_space<hbm>> -> memref<120x128xf32, #tpu.memory_space<hbm>>
      %dma_wait3A_113 = arith.constant 0 : i32
      %dma_wait3A_114 = arith.constant 0 : i32
      %dma_wait3A_115 = tpu.memref_slice %arg10[%dma_wait3A_113, %dma_wait3A_114] : memref<120x128xf32, #tpu.memory_space<vmem>> -> memref<120x128xf32, #tpu.memory_space<vmem>>
      tpu.wait_dma2 semaphore(%run_scoped3A : memref<!tpu.dma_semaphore, #tpu.memory_space<semaphore_mem>>) src(%dma_wait3A_115 : memref<120x128xf32, #tpu.memory_space<vmem>>) dst(%dma_wait3A_112 : memref<120x128xf32, #tpu.memory_space<hbm>>)
      tpu.yield
    }) : () -> ()
    %add3A_90 = arith.constant 480 : i32
    %add3A_91 = arith.addi %mul3A_0, %add3A_90 : i32
    "tpu.region"() ({
      %run_scoped3A = tpu.sem_alloc : memref<!tpu.dma_semaphore, #tpu.memory_space<semaphore_mem>>
      %dma_start3A = arith.constant 0 : i32
      %dma_start3A_98 = arith.constant 0 : i32
      %dma_start3A_99 = tpu.memref_slice %arg10[%dma_start3A, %dma_start3A_98] : memref<120x128xf32, #tpu.memory_space<vmem>> -> memref<120x128xf32, #tpu.memory_space<vmem>>
      %dma_start3A_100 = arith.constant 0 : i32
      %dma_start3A_101 = tpu.memref_slice %arg8[%add3A_91, %dma_start3A_100] : memref<10112x128xf32, #tpu.memory_space<vmem_shared>> -> memref<120x128xf32, #tpu.memory_space<vmem_shared>>
      %dma_start3A_102 = arith.constant 0 : i32
      %dma_start3A_103 = arith.constant 0 : i32
      %dma_start3A_104 = tpu.memref_slice %arg10[%dma_start3A_102, %dma_start3A_103] : memref<120x128xf32, #tpu.memory_space<vmem>> -> memref<120x128xf32, #tpu.memory_space<vmem>>
      %dma_start3A_105 = arith.constant 0 : i32
      %dma_start3A_106 = tpu.memref_slice %arg8[%add3A_91, %dma_start3A_105] : memref<10112x128xf32, #tpu.memory_space<vmem_shared>> -> memref<120x128xf32, #tpu.memory_space<vmem_shared>>
      tpu.enqueue_dma source(%dma_start3A_106 : memref<120x128xf32, #tpu.memory_space<vmem_shared>>) target(%dma_start3A_104 : memref<120x128xf32, #tpu.memory_space<vmem>>) target_semaphore(%run_scoped3A : memref<!tpu.dma_semaphore, #tpu.memory_space<semaphore_mem>>)
      %dma_wait3A = arith.constant 0 : i32
      %dma_wait3A_107 = arith.constant 0 : i32
      %dma_wait3A_108 = tpu.memref_slice %arg10[%dma_wait3A, %dma_wait3A_107] : memref<120x128xf32, #tpu.memory_space<vmem>> -> memref<120x128xf32, #tpu.memory_space<vmem>>
      %dma_wait3A_109 = arith.constant 0 : i32
      %dma_wait3A_110 = tpu.memref_slice %arg8[%add3A_91, %dma_wait3A_109] : memref<10112x128xf32, #tpu.memory_space<vmem_shared>> -> memref<120x128xf32, #tpu.memory_space<vmem_shared>>
      %dma_wait3A_111 = arith.constant 0 : i32
      %dma_wait3A_112 = arith.constant 0 : i32
      %dma_wait3A_113 = tpu.memref_slice %arg10[%dma_wait3A_111, %dma_wait3A_112] : memref<120x128xf32, #tpu.memory_space<vmem>> -> memref<120x128xf32, #tpu.memory_space<vmem>>
      %dma_wait3A_114 = arith.constant 0 : i32
      %dma_wait3A_115 = tpu.memref_slice %arg8[%add3A_91, %dma_wait3A_114] : memref<10112x128xf32, #tpu.memory_space<vmem_shared>> -> memref<120x128xf32, #tpu.memory_space<vmem_shared>>
      tpu.wait_dma2 semaphore(%run_scoped3A : memref<!tpu.dma_semaphore, #tpu.memory_space<semaphore_mem>>) src(%dma_wait3A_115 : memref<120x128xf32, #tpu.memory_space<vmem_shared>>) dst(%dma_wait3A_113 : memref<120x128xf32, #tpu.memory_space<vmem>>)
      tpu.yield
    }) : () -> ()
    %add3A_92 = arith.constant 480 : i32
    %add3A_93 = arith.addi %add3A_11, %add3A_92 : i32
    "tpu.region"() ({
      %run_scoped3A = tpu.sem_alloc : memref<!tpu.dma_semaphore, #tpu.memory_space<semaphore_mem>>
      %dma_start3A = arith.constant 0 : i32
      %dma_start3A_98 = arith.constant 0 : i32
      %dma_start3A_99 = tpu.memref_slice %arg10[%dma_start3A, %dma_start3A_98] : memref<120x128xf32, #tpu.memory_space<vmem>> -> memref<120x128xf32, #tpu.memory_space<vmem>>
      %dma_start3A_100 = arith.constant 0 : i32
      %dma_start3A_101 = tpu.memref_slice %arg6[%add3A_93, %dma_start3A_100] : memref<20224x128xf32, #tpu.memory_space<hbm>> -> memref<120x128xf32, #tpu.memory_space<hbm>>
      %dma_start3A_102 = arith.constant 0 : i32
      %dma_start3A_103 = tpu.memref_slice %arg6[%add3A_93, %dma_start3A_102] : memref<20224x128xf32, #tpu.memory_space<hbm>> -> memref<120x128xf32, #tpu.memory_space<hbm>>
      %dma_start3A_104 = arith.constant 0 : i32
      %dma_start3A_105 = arith.constant 0 : i32
      %dma_start3A_106 = tpu.memref_slice %arg10[%dma_start3A_104, %dma_start3A_105] : memref<120x128xf32, #tpu.memory_space<vmem>> -> memref<120x128xf32, #tpu.memory_space<vmem>>
      tpu.enqueue_dma source(%dma_start3A_106 : memref<120x128xf32, #tpu.memory_space<vmem>>) target(%dma_start3A_103 : memref<120x128xf32, #tpu.memory_space<hbm>>) target_semaphore(%run_scoped3A : memref<!tpu.dma_semaphore, #tpu.memory_space<semaphore_mem>>)
      %dma_wait3A = arith.constant 0 : i32
      %dma_wait3A_107 = arith.constant 0 : i32
      %dma_wait3A_108 = tpu.memref_slice %arg10[%dma_wait3A, %dma_wait3A_107] : memref<120x128xf32, #tpu.memory_space<vmem>> -> memref<120x128xf32, #tpu.memory_space<vmem>>
      %dma_wait3A_109 = arith.constant 0 : i32
      %dma_wait3A_110 = tpu.memref_slice %arg6[%add3A_93, %dma_wait3A_109] : memref<20224x128xf32, #tpu.memory_space<hbm>> -> memref<120x128xf32, #tpu.memory_space<hbm>>
      %dma_wait3A_111 = arith.constant 0 : i32
      %dma_wait3A_112 = tpu.memref_slice %arg6[%add3A_93, %dma_wait3A_111] : memref<20224x128xf32, #tpu.memory_space<hbm>> -> memref<120x128xf32, #tpu.memory_space<hbm>>
      %dma_wait3A_113 = arith.constant 0 : i32
      %dma_wait3A_114 = arith.constant 0 : i32
      %dma_wait3A_115 = tpu.memref_slice %arg10[%dma_wait3A_113, %dma_wait3A_114] : memref<120x128xf32, #tpu.memory_space<vmem>> -> memref<120x128xf32, #tpu.memory_space<vmem>>
      tpu.wait_dma2 semaphore(%run_scoped3A : memref<!tpu.dma_semaphore, #tpu.memory_space<semaphore_mem>>) src(%dma_wait3A_115 : memref<120x128xf32, #tpu.memory_space<vmem>>) dst(%dma_wait3A_112 : memref<120x128xf32, #tpu.memory_space<hbm>>)
      tpu.yield
    }) : () -> ()
    %add3A_94 = arith.constant 600 : i32
    %add3A_95 = arith.addi %mul3A_0, %add3A_94 : i32
    "tpu.region"() ({
      %run_scoped3A = tpu.sem_alloc : memref<!tpu.dma_semaphore, #tpu.memory_space<semaphore_mem>>
      %dma_start3A = arith.constant 0 : i32
      %dma_start3A_98 = arith.constant 0 : i32
      %dma_start3A_99 = tpu.memref_slice %arg10[%dma_start3A, %dma_start3A_98] : memref<120x128xf32, #tpu.memory_space<vmem>> -> memref<32x128xf32, #tpu.memory_space<vmem>>
      %dma_start3A_100 = arith.constant 0 : i32
      %dma_start3A_101 = tpu.memref_slice %arg8[%add3A_95, %dma_start3A_100] : memref<10112x128xf32, #tpu.memory_space<vmem_shared>> -> memref<32x128xf32, #tpu.memory_space<vmem_shared>>
      %dma_start3A_102 = arith.constant 0 : i32
      %dma_start3A_103 = arith.constant 0 : i32
      %dma_start3A_104 = tpu.memref_slice %arg10[%dma_start3A_102, %dma_start3A_103] : memref<120x128xf32, #tpu.memory_space<vmem>> -> memref<32x128xf32, #tpu.memory_space<vmem>>
      %dma_start3A_105 = arith.constant 0 : i32
      %dma_start3A_106 = tpu.memref_slice %arg8[%add3A_95, %dma_start3A_105] : memref<10112x128xf32, #tpu.memory_space<vmem_shared>> -> memref<32x128xf32, #tpu.memory_space<vmem_shared>>
      tpu.enqueue_dma source(%dma_start3A_106 : memref<32x128xf32, #tpu.memory_space<vmem_shared>>) target(%dma_start3A_104 : memref<32x128xf32, #tpu.memory_space<vmem>>) target_semaphore(%run_scoped3A : memref<!tpu.dma_semaphore, #tpu.memory_space<semaphore_mem>>)
      %dma_wait3A = arith.constant 0 : i32
      %dma_wait3A_107 = arith.constant 0 : i32
      %dma_wait3A_108 = tpu.memref_slice %arg10[%dma_wait3A, %dma_wait3A_107] : memref<120x128xf32, #tpu.memory_space<vmem>> -> memref<32x128xf32, #tpu.memory_space<vmem>>
      %dma_wait3A_109 = arith.constant 0 : i32
      %dma_wait3A_110 = tpu.memref_slice %arg8[%add3A_95, %dma_wait3A_109] : memref<10112x128xf32, #tpu.memory_space<vmem_shared>> -> memref<32x128xf32, #tpu.memory_space<vmem_shared>>
      %dma_wait3A_111 = arith.constant 0 : i32
      %dma_wait3A_112 = arith.constant 0 : i32
      %dma_wait3A_113 = tpu.memref_slice %arg10[%dma_wait3A_111, %dma_wait3A_112] : memref<120x128xf32, #tpu.memory_space<vmem>> -> memref<32x128xf32, #tpu.memory_space<vmem>>
      %dma_wait3A_114 = arith.constant 0 : i32
      %dma_wait3A_115 = tpu.memref_slice %arg8[%add3A_95, %dma_wait3A_114] : memref<10112x128xf32, #tpu.memory_space<vmem_shared>> -> memref<32x128xf32, #tpu.memory_space<vmem_shared>>
      tpu.wait_dma2 semaphore(%run_scoped3A : memref<!tpu.dma_semaphore, #tpu.memory_space<semaphore_mem>>) src(%dma_wait3A_115 : memref<32x128xf32, #tpu.memory_space<vmem_shared>>) dst(%dma_wait3A_113 : memref<32x128xf32, #tpu.memory_space<vmem>>)
      tpu.yield
    }) : () -> ()
    %add3A_96 = arith.constant 600 : i32
    %add3A_97 = arith.addi %add3A_11, %add3A_96 : i32
    "tpu.region"() ({
      %run_scoped3A = tpu.sem_alloc : memref<!tpu.dma_semaphore, #tpu.memory_space<semaphore_mem>>
      %dma_start3A = arith.constant 0 : i32
      %dma_start3A_98 = arith.constant 0 : i32
      %dma_start3A_99 = tpu.memref_slice %arg10[%dma_start3A, %dma_start3A_98] : memref<120x128xf32, #tpu.memory_space<vmem>> -> memref<32x128xf32, #tpu.memory_space<vmem>>
      %dma_start3A_100 = arith.constant 0 : i32
      %dma_start3A_101 = tpu.memref_slice %arg6[%add3A_97, %dma_start3A_100] : memref<20224x128xf32, #tpu.memory_space<hbm>> -> memref<32x128xf32, #tpu.memory_space<hbm>>
      %dma_start3A_102 = arith.constant 0 : i32
      %dma_start3A_103 = tpu.memref_slice %arg6[%add3A_97, %dma_start3A_102] : memref<20224x128xf32, #tpu.memory_space<hbm>> -> memref<32x128xf32, #tpu.memory_space<hbm>>
      %dma_start3A_104 = arith.constant 0 : i32
      %dma_start3A_105 = arith.constant 0 : i32
      %dma_start3A_106 = tpu.memref_slice %arg10[%dma_start3A_104, %dma_start3A_105] : memref<120x128xf32, #tpu.memory_space<vmem>> -> memref<32x128xf32, #tpu.memory_space<vmem>>
      tpu.enqueue_dma source(%dma_start3A_106 : memref<32x128xf32, #tpu.memory_space<vmem>>) target(%dma_start3A_103 : memref<32x128xf32, #tpu.memory_space<hbm>>) target_semaphore(%run_scoped3A : memref<!tpu.dma_semaphore, #tpu.memory_space<semaphore_mem>>)
      %dma_wait3A = arith.constant 0 : i32
      %dma_wait3A_107 = arith.constant 0 : i32
      %dma_wait3A_108 = tpu.memref_slice %arg10[%dma_wait3A, %dma_wait3A_107] : memref<120x128xf32, #tpu.memory_space<vmem>> -> memref<32x128xf32, #tpu.memory_space<vmem>>
      %dma_wait3A_109 = arith.constant 0 : i32
      %dma_wait3A_110 = tpu.memref_slice %arg6[%add3A_97, %dma_wait3A_109] : memref<20224x128xf32, #tpu.memory_space<hbm>> -> memref<32x128xf32, #tpu.memory_space<hbm>>
      %dma_wait3A_111 = arith.constant 0 : i32
      %dma_wait3A_112 = tpu.memref_slice %arg6[%add3A_97, %dma_wait3A_111] : memref<20224x128xf32, #tpu.memory_space<hbm>> -> memref<32x128xf32, #tpu.memory_space<hbm>>
      %dma_wait3A_113 = arith.constant 0 : i32
      %dma_wait3A_114 = arith.constant 0 : i32
      %dma_wait3A_115 = tpu.memref_slice %arg10[%dma_wait3A_113, %dma_wait3A_114] : memref<120x128xf32, #tpu.memory_space<vmem>> -> memref<32x128xf32, #tpu.memory_space<vmem>>
      tpu.wait_dma2 semaphore(%run_scoped3A : memref<!tpu.dma_semaphore, #tpu.memory_space<semaphore_mem>>) src(%dma_wait3A_115 : memref<32x128xf32, #tpu.memory_space<vmem>>) dst(%dma_wait3A_112 : memref<32x128xf32, #tpu.memory_space<hbm>>)
      tpu.yield
    }) : () -> ()
    return
  }
}

module attributes {stable_mosaic.version = 14 : i64} {
  func.func @_tc_body(%arg0: i32, %arg1: memref<1264x128xf32, #tpu.memory_space<vmem>>, %arg2: memref<1264x128xf32, #tpu.memory_space<vmem>>, %arg3: memref<1264x128xf32, #tpu.memory_space<vmem>>, %arg4: memref<1x128x128xf32, #tpu.memory_space<vmem>>, %arg5: memref<1x128x128xf32, #tpu.memory_space<vmem>>, %arg6: memref<1x1x128xf32, #tpu.memory_space<vmem>>, %arg7: memref<1264x128xf32, #tpu.memory_space<vmem>>) attributes {dimension_semantics = [#tpu.dimension_semantics<arbitrary>], iteration_bounds = array<i64: 16>, scalar_prefetch = 0 : i64, scratch_operands = 0 : i64, tpu.core_type = #tpu.core_type<tc>, window_params = [{transform_indices = @transform_0, window_bounds = array<i64: 1264, 128>}, {transform_indices = @transform_1, window_bounds = array<i64: 1264, 128>}, {transform_indices = @transform_2, window_bounds = array<i64: 1264, 128>}, {transform_indices = @transform_3, window_bounds = array<i64: 1, 128, 128>}, {transform_indices = @transform_4, window_bounds = array<i64: 1, 128, 128>}, {transform_indices = @transform_5, window_bounds = array<i64: 1, 1, 128>}, {transform_indices = @transform_6, window_bounds = array<i64: 1264, 128>}]} {
    %get3A = arith.constant 0 : index
    %get3A_0 = arith.constant 0 : index
    %get3A_1 = vector.load %arg2[%get3A, %get3A_0] : memref<1264x128xf32, #tpu.memory_space<vmem>>, vector<1264x1xf32>
    %max3A = arith.constant 1.000000e+00 : f32
    %max3A_2 = vector.broadcast %max3A : f32 to vector<1264x1xf32>
    %max3A_3 = arith.maximumf %get3A_1, %max3A_2 : vector<1264x1xf32>
    %get3A_4 = arith.constant 0 : index
    %get3A_5 = arith.constant 0 : index
    %get3A_6 = vector.load %arg1[%get3A_4, %get3A_5] : memref<1264x128xf32, #tpu.memory_space<vmem>>, vector<1264x128xf32>
    %div3A = vector.broadcast %max3A_3 : vector<1264x1xf32> to vector<1264x128xf32>
    %div3A_7 = arith.divf %get3A_6, %div3A : vector<1264x128xf32>
    %get3A_8 = arith.constant 0 : index
    %get3A_9 = arith.constant 0 : index
    %get3A_10 = arith.constant 0 : index
    %get3A_11 = vector.load %arg4[%get3A_8, %get3A_9, %get3A_10] : memref<1x128x128xf32, #tpu.memory_space<vmem>>, vector<1x128x128xf32>
    %get3A_12 = vector.shape_cast %get3A_11 : vector<1x128x128xf32> to vector<128x128xf32>
    %dot_general3A = arith.constant dense<0.000000e+00> : vector<1264x128xf32>
    %dot_general3A_13 = tpu.matmul %div3A_7, %get3A_12, %dot_general3A {dimension_numbers = #tpu.dot_dimension_numbers<[1], [0], [0], [1], [0, 0, 1, 1], [], []>, transpose_lhs_hint = false} : vector<1264x128xf32>, vector<128x128xf32>, vector<1264x128xf32> -> vector<1264x128xf32>
    %get3A_14 = arith.constant 0 : index
    %get3A_15 = arith.constant 0 : index
    %get3A_16 = vector.load %arg3[%get3A_14, %get3A_15] : memref<1264x128xf32, #tpu.memory_space<vmem>>, vector<1264x128xf32>
    %get3A_17 = arith.constant 0 : index
    %get3A_18 = arith.constant 0 : index
    %get3A_19 = arith.constant 0 : index
    %get3A_20 = vector.load %arg5[%get3A_17, %get3A_18, %get3A_19] : memref<1x128x128xf32, #tpu.memory_space<vmem>>, vector<1x128x128xf32>
    %get3A_21 = vector.shape_cast %get3A_20 : vector<1x128x128xf32> to vector<128x128xf32>
    %dot_general3A_22 = arith.constant dense<0.000000e+00> : vector<1264x128xf32>
    %dot_general3A_23 = tpu.matmul %get3A_16, %get3A_21, %dot_general3A_22 {dimension_numbers = #tpu.dot_dimension_numbers<[1], [0], [0], [1], [0, 0, 1, 1], [], []>, transpose_lhs_hint = false} : vector<1264x128xf32>, vector<128x128xf32>, vector<1264x128xf32> -> vector<1264x128xf32>
    %add3A = arith.addf %dot_general3A_13, %dot_general3A_23 : vector<1264x128xf32>
    %get3A_24 = arith.constant 0 : index
    %get3A_25 = arith.constant 0 : index
    %get3A_26 = arith.constant 0 : index
    %get3A_27 = vector.load %arg6[%get3A_24, %get3A_25, %get3A_26] : memref<1x1x128xf32, #tpu.memory_space<vmem>>, vector<1x1x128xf32>
    %get3A_28 = vector.shape_cast %get3A_27 : vector<1x1x128xf32> to vector<1x128xf32>
    %add3A_29 = vector.broadcast %get3A_28 : vector<1x128xf32> to vector<1264x128xf32>
    %add3A_30 = arith.addf %add3A, %add3A_29 : vector<1264x128xf32>
    %max3A_31 = arith.constant 0.000000e+00 : f32
    %max3A_32 = vector.broadcast %max3A_31 : f32 to vector<1264x128xf32>
    %max3A_33 = arith.maximumf %add3A_30, %max3A_32 : vector<1264x128xf32>
    %swap3A = arith.constant 0 : index
    %swap3A_34 = arith.constant 0 : index
    %swap3A_35 = vector.load %arg7[%swap3A, %swap3A_34] : memref<1264x128xf32, #tpu.memory_space<vmem>>, vector<1264x128xf32>
    tpu.vector_store %arg7[%swap3A, %swap3A_34], %max3A_33 {strides = array<i32>} : memref<1264x128xf32, #tpu.memory_space<vmem>>, vector<1264x128xf32>,
    return
  }
  func.func @transform_0(%arg0: i32) -> (i32, i32) {
    %c0_i32 = arith.constant 0 : i32
    %c0_i32_0 = arith.constant 0 : i32
    return %arg0, %c0_i32 : i32, i32
  }
  func.func @transform_1(%arg0: i32) -> (i32, i32) {
    %c0_i32 = arith.constant 0 : i32
    %c0_i32_0 = arith.constant 0 : i32
    return %arg0, %c0_i32 : i32, i32
  }
  func.func @transform_2(%arg0: i32) -> (i32, i32) {
    %add3A = arith.constant 8 : i32
    %add3A_0 = arith.addi %arg0, %add3A : i32
    %jit3A = arith.constant 16 : i32
    %eq3A = arith.constant 0 : i32
    %eq3A_1 = arith.cmpi eq, %jit3A, %eq3A : i32
    %jit3A_2 = arith.constant 1 : i32
    %select_n3A = arith.select %eq3A_1, %jit3A_2, %jit3A : i32
    %rem3A = arith.remsi %add3A_0, %select_n3A : i32
    %ne3A = arith.constant 0 : i32
    %ne3A_3 = arith.cmpi ne, %rem3A, %ne3A : i32
    %lt3A = arith.constant 0 : i32
    %lt3A_4 = arith.cmpi slt, %rem3A, %lt3A : i32
    %lt3A_5 = arith.constant 0 : i32
    %lt3A_6 = arith.cmpi slt, %select_n3A, %lt3A_5 : i32
    %ne3A_7 = arith.xori %lt3A_4, %lt3A_6 : i1
    %and3A = arith.andi %ne3A_7, %ne3A_3 : i1
    %add3A_8 = arith.addi %rem3A, %select_n3A : i32
    %select_n3A_9 = arith.select %and3A, %add3A_8, %rem3A : i32
    %c0_i32 = arith.constant 0 : i32
    %c0_i32_10 = arith.constant 0 : i32
    return %select_n3A_9, %c0_i32 : i32, i32
  }
  func.func @transform_3(%arg0: i32) -> (i32, i32, i32) {
    %jit3A = arith.constant 8 : i32
    %div3A = arith.divsi %arg0, %jit3A : i32
    %sign3A = arith.constant 0 : i32
    %sign3A_0 = arith.cmpi sgt, %arg0, %sign3A : i32
    %sign3A_1 = arith.extui %sign3A_0 : i1 to i32
    %sign3A_2 = arith.constant 0 : i32
    %sign3A_3 = arith.cmpi slt, %arg0, %sign3A_2 : i32
    %sign3A_4 = arith.extui %sign3A_3 : i1 to i32
    %sign3A_5 = arith.subi %sign3A_1, %sign3A_4 : i32
    %sign3A_6 = arith.constant 0 : i32
    %sign3A_7 = arith.cmpi sgt, %jit3A, %sign3A_6 : i32
    %sign3A_8 = arith.extui %sign3A_7 : i1 to i32
    %sign3A_9 = arith.constant 0 : i32
    %sign3A_10 = arith.cmpi slt, %jit3A, %sign3A_9 : i32
    %sign3A_11 = arith.extui %sign3A_10 : i1 to i32
    %sign3A_12 = arith.subi %sign3A_8, %sign3A_11 : i32
    %ne3A = arith.cmpi ne, %sign3A_5, %sign3A_12 : i32
    %rem3A = arith.remsi %arg0, %jit3A : i32
    %ne3A_13 = arith.constant 0 : i32
    %ne3A_14 = arith.cmpi ne, %rem3A, %ne3A_13 : i32
    %and3A = arith.andi %ne3A, %ne3A_14 : i1
    %sub3A = arith.constant 1 : i32
    %sub3A_15 = arith.subi %div3A, %sub3A : i32
    %select_n3A = arith.select %and3A, %sub3A_15, %div3A : i32
    %c0_i32 = arith.constant 0 : i32
    %c0_i32_16 = arith.constant 0 : i32
    %c0_i32_17 = arith.constant 0 : i32
    return %select_n3A, %c0_i32, %c0_i32_16 : i32, i32, i32
  }
  func.func @transform_4(%arg0: i32) -> (i32, i32, i32) {
    %jit3A = arith.constant 8 : i32
    %div3A = arith.divsi %arg0, %jit3A : i32
    %sign3A = arith.constant 0 : i32
    %sign3A_0 = arith.cmpi sgt, %arg0, %sign3A : i32
    %sign3A_1 = arith.extui %sign3A_0 : i1 to i32
    %sign3A_2 = arith.constant 0 : i32
    %sign3A_3 = arith.cmpi slt, %arg0, %sign3A_2 : i32
    %sign3A_4 = arith.extui %sign3A_3 : i1 to i32
    %sign3A_5 = arith.subi %sign3A_1, %sign3A_4 : i32
    %sign3A_6 = arith.constant 0 : i32
    %sign3A_7 = arith.cmpi sgt, %jit3A, %sign3A_6 : i32
    %sign3A_8 = arith.extui %sign3A_7 : i1 to i32
    %sign3A_9 = arith.constant 0 : i32
    %sign3A_10 = arith.cmpi slt, %jit3A, %sign3A_9 : i32
    %sign3A_11 = arith.extui %sign3A_10 : i1 to i32
    %sign3A_12 = arith.subi %sign3A_8, %sign3A_11 : i32
    %ne3A = arith.cmpi ne, %sign3A_5, %sign3A_12 : i32
    %rem3A = arith.remsi %arg0, %jit3A : i32
    %ne3A_13 = arith.constant 0 : i32
    %ne3A_14 = arith.cmpi ne, %rem3A, %ne3A_13 : i32
    %and3A = arith.andi %ne3A, %ne3A_14 : i1
    %sub3A = arith.constant 1 : i32
    %sub3A_15 = arith.subi %div3A, %sub3A : i32
    %select_n3A = arith.select %and3A, %sub3A_15, %div3A : i32
    %c0_i32 = arith.constant 0 : i32
    %c0_i32_16 = arith.constant 0 : i32
    %c0_i32_17 = arith.constant 0 : i32
    return %select_n3A, %c0_i32, %c0_i32_16 : i32, i32, i32
  }
  func.func @transform_5(%arg0: i32) -> (i32, i32, i32) {
    %jit3A = arith.constant 8 : i32
    %div3A = arith.divsi %arg0, %jit3A : i32
    %sign3A = arith.constant 0 : i32
    %sign3A_0 = arith.cmpi sgt, %arg0, %sign3A : i32
    %sign3A_1 = arith.extui %sign3A_0 : i1 to i32
    %sign3A_2 = arith.constant 0 : i32
    %sign3A_3 = arith.cmpi slt, %arg0, %sign3A_2 : i32
    %sign3A_4 = arith.extui %sign3A_3 : i1 to i32
    %sign3A_5 = arith.subi %sign3A_1, %sign3A_4 : i32
    %sign3A_6 = arith.constant 0 : i32
    %sign3A_7 = arith.cmpi sgt, %jit3A, %sign3A_6 : i32
    %sign3A_8 = arith.extui %sign3A_7 : i1 to i32
    %sign3A_9 = arith.constant 0 : i32
    %sign3A_10 = arith.cmpi slt, %jit3A, %sign3A_9 : i32
    %sign3A_11 = arith.extui %sign3A_10 : i1 to i32
    %sign3A_12 = arith.subi %sign3A_8, %sign3A_11 : i32
    %ne3A = arith.cmpi ne, %sign3A_5, %sign3A_12 : i32
    %rem3A = arith.remsi %arg0, %jit3A : i32
    %ne3A_13 = arith.constant 0 : i32
    %ne3A_14 = arith.cmpi ne, %rem3A, %ne3A_13 : i32
    %and3A = arith.andi %ne3A, %ne3A_14 : i1
    %sub3A = arith.constant 1 : i32
    %sub3A_15 = arith.subi %div3A, %sub3A : i32
    %select_n3A = arith.select %and3A, %sub3A_15, %div3A : i32
    %c0_i32 = arith.constant 0 : i32
    %c0_i32_16 = arith.constant 0 : i32
    %c0_i32_17 = arith.constant 0 : i32
    return %select_n3A, %c0_i32, %c0_i32_16 : i32, i32, i32
  }
  func.func @transform_6(%arg0: i32) -> (i32, i32) {
    %add3A = arith.constant 8 : i32
    %add3A_0 = arith.addi %arg0, %add3A : i32
    %jit3A = arith.constant 16 : i32
    %eq3A = arith.constant 0 : i32
    %eq3A_1 = arith.cmpi eq, %jit3A, %eq3A : i32
    %jit3A_2 = arith.constant 1 : i32
    %select_n3A = arith.select %eq3A_1, %jit3A_2, %jit3A : i32
    %rem3A = arith.remsi %add3A_0, %select_n3A : i32
    %ne3A = arith.constant 0 : i32
    %ne3A_3 = arith.cmpi ne, %rem3A, %ne3A : i32
    %lt3A = arith.constant 0 : i32
    %lt3A_4 = arith.cmpi slt, %rem3A, %lt3A : i32
    %lt3A_5 = arith.constant 0 : i32
    %lt3A_6 = arith.cmpi slt, %select_n3A, %lt3A_5 : i32
    %ne3A_7 = arith.xori %lt3A_4, %lt3A_6 : i1
    %and3A = arith.andi %ne3A_7, %ne3A_3 : i1
    %add3A_8 = arith.addi %rem3A, %select_n3A : i32
    %select_n3A_9 = arith.select %and3A, %add3A_8, %rem3A : i32
    %c0_i32 = arith.constant 0 : i32
    %c0_i32_10 = arith.constant 0 : i32
    return %select_n3A_9, %c0_i32 : i32, i32
  }
}

module attributes {stable_mosaic.version = 14 : i64} {
  func.func @_tc_body(%arg0: i32, %arg1: memref<1264x128xf32, #tpu.memory_space<vmem>>, %arg2: memref<1264x128xf32, #tpu.memory_space<vmem>>, %arg3: memref<1264x128xf32, #tpu.memory_space<vmem>>, %arg4: memref<1x128x128xf32, #tpu.memory_space<vmem>>, %arg5: memref<1x128x128xf32, #tpu.memory_space<vmem>>, %arg6: memref<1x1x128xf32, #tpu.memory_space<vmem>>, %arg7: memref<1264x128xf32, #tpu.memory_space<vmem>>) attributes {dimension_semantics = [#tpu.dimension_semantics<arbitrary>], iteration_bounds = array<i64: 16>, scalar_prefetch = 0 : i64, scratch_operands = 0 : i64, tpu.core_type = #tpu.core_type<tc>, window_params = [{transform_indices = @transform_0, window_bounds = array<i64: 1264, 128>}, {transform_indices = @transform_1, window_bounds = array<i64: 1264, 128>}, {transform_indices = @transform_2, window_bounds = array<i64: 1264, 128>}, {transform_indices = @transform_3, window_bounds = array<i64: 1, 128, 128>}, {transform_indices = @transform_4, window_bounds = array<i64: 1, 128, 128>}, {transform_indices = @transform_5, window_bounds = array<i64: 1, 1, 128>}, {transform_indices = @transform_6, window_bounds = array<i64: 1264, 128>}]} {
    %get3A = arith.constant 0 : index
    %get3A_0 = arith.constant 0 : index
    %get3A_1 = vector.load %arg2[%get3A, %get3A_0] : memref<1264x128xf32, #tpu.memory_space<vmem>>, vector<1264x1xf32>
    %max3A = arith.constant 1.000000e+00 : f32
    %max3A_2 = vector.broadcast %max3A : f32 to vector<1264x1xf32>
    %max3A_3 = arith.maximumf %get3A_1, %max3A_2 : vector<1264x1xf32>
    %get3A_4 = arith.constant 0 : index
    %get3A_5 = arith.constant 0 : index
    %get3A_6 = vector.load %arg1[%get3A_4, %get3A_5] : memref<1264x128xf32, #tpu.memory_space<vmem>>, vector<1264x128xf32>
    %div3A = vector.broadcast %max3A_3 : vector<1264x1xf32> to vector<1264x128xf32>
    %div3A_7 = arith.divf %get3A_6, %div3A : vector<1264x128xf32>
    %get3A_8 = arith.constant 0 : index
    %get3A_9 = arith.constant 0 : index
    %get3A_10 = arith.constant 0 : index
    %get3A_11 = vector.load %arg4[%get3A_8, %get3A_9, %get3A_10] : memref<1x128x128xf32, #tpu.memory_space<vmem>>, vector<1x128x128xf32>
    %get3A_12 = vector.shape_cast %get3A_11 : vector<1x128x128xf32> to vector<128x128xf32>
    %dot_general3A = arith.constant dense<0.000000e+00> : vector<1264x128xf32>
    %dot_general3A_13 = tpu.matmul %div3A_7, %get3A_12, %dot_general3A {dimension_numbers = #tpu.dot_dimension_numbers<[1], [0], [0], [1], [0, 0, 1, 1], [], []>, transpose_lhs_hint = false} : vector<1264x128xf32>, vector<128x128xf32>, vector<1264x128xf32> -> vector<1264x128xf32>
    %get3A_14 = arith.constant 0 : index
    %get3A_15 = arith.constant 0 : index
    %get3A_16 = vector.load %arg3[%get3A_14, %get3A_15] : memref<1264x128xf32, #tpu.memory_space<vmem>>, vector<1264x128xf32>
    %get3A_17 = arith.constant 0 : index
    %get3A_18 = arith.constant 0 : index
    %get3A_19 = arith.constant 0 : index
    %get3A_20 = vector.load %arg5[%get3A_17, %get3A_18, %get3A_19] : memref<1x128x128xf32, #tpu.memory_space<vmem>>, vector<1x128x128xf32>
    %get3A_21 = vector.shape_cast %get3A_20 : vector<1x128x128xf32> to vector<128x128xf32>
    %dot_general3A_22 = arith.constant dense<0.000000e+00> : vector<1264x128xf32>
    %dot_general3A_23 = tpu.matmul %get3A_16, %get3A_21, %dot_general3A_22 {dimension_numbers = #tpu.dot_dimension_numbers<[1], [0], [0], [1], [0, 0, 1, 1], [], []>, transpose_lhs_hint = false} : vector<1264x128xf32>, vector<128x128xf32>, vector<1264x128xf32> -> vector<1264x128xf32>
    %add3A = arith.addf %dot_general3A_13, %dot_general3A_23 : vector<1264x128xf32>
    %get3A_24 = arith.constant 0 : index
    %get3A_25 = arith.constant 0 : index
    %get3A_26 = arith.constant 0 : index
    %get3A_27 = vector.load %arg6[%get3A_24, %get3A_25, %get3A_26] : memref<1x1x128xf32, #tpu.memory_space<vmem>>, vector<1x1x128xf32>
    %get3A_28 = vector.shape_cast %get3A_27 : vector<1x1x128xf32> to vector<1x128xf32>
    %add3A_29 = vector.broadcast %get3A_28 : vector<1x128xf32> to vector<1264x128xf32>
    %add3A_30 = arith.addf %add3A, %add3A_29 : vector<1264x128xf32>
    %swap3A = arith.constant 0 : index
    %swap3A_31 = arith.constant 0 : index
    %swap3A_32 = vector.load %arg7[%swap3A, %swap3A_31] : memref<1264x128xf32, #tpu.memory_space<vmem>>, vector<1264x128xf32>
    tpu.vector_store %arg7[%swap3A, %swap3A_31], %add3A_30 {strides = array<i32>} : memref<1264x128xf32, #tpu.memory_space<vmem>>, vector<1264x128xf32>,
    return
  }
  func.func @transform_0(%arg0: i32) -> (i32, i32) {
    %c0_i32 = arith.constant 0 : i32
    %c0_i32_0 = arith.constant 0 : i32
    return %arg0, %c0_i32 : i32, i32
  }
  func.func @transform_1(%arg0: i32) -> (i32, i32) {
    %c0_i32 = arith.constant 0 : i32
    %c0_i32_0 = arith.constant 0 : i32
    return %arg0, %c0_i32 : i32, i32
  }
  func.func @transform_2(%arg0: i32) -> (i32, i32) {
    %add3A = arith.constant 8 : i32
    %add3A_0 = arith.addi %arg0, %add3A : i32
    %jit3A = arith.constant 16 : i32
    %eq3A = arith.constant 0 : i32
    %eq3A_1 = arith.cmpi eq, %jit3A, %eq3A : i32
    %jit3A_2 = arith.constant 1 : i32
    %select_n3A = arith.select %eq3A_1, %jit3A_2, %jit3A : i32
    %rem3A = arith.remsi %add3A_0, %select_n3A : i32
    %ne3A = arith.constant 0 : i32
    %ne3A_3 = arith.cmpi ne, %rem3A, %ne3A : i32
    %lt3A = arith.constant 0 : i32
    %lt3A_4 = arith.cmpi slt, %rem3A, %lt3A : i32
    %lt3A_5 = arith.constant 0 : i32
    %lt3A_6 = arith.cmpi slt, %select_n3A, %lt3A_5 : i32
    %ne3A_7 = arith.xori %lt3A_4, %lt3A_6 : i1
    %and3A = arith.andi %ne3A_7, %ne3A_3 : i1
    %add3A_8 = arith.addi %rem3A, %select_n3A : i32
    %select_n3A_9 = arith.select %and3A, %add3A_8, %rem3A : i32
    %c0_i32 = arith.constant 0 : i32
    %c0_i32_10 = arith.constant 0 : i32
    return %select_n3A_9, %c0_i32 : i32, i32
  }
  func.func @transform_3(%arg0: i32) -> (i32, i32, i32) {
    %jit3A = arith.constant 8 : i32
    %div3A = arith.divsi %arg0, %jit3A : i32
    %sign3A = arith.constant 0 : i32
    %sign3A_0 = arith.cmpi sgt, %arg0, %sign3A : i32
    %sign3A_1 = arith.extui %sign3A_0 : i1 to i32
    %sign3A_2 = arith.constant 0 : i32
    %sign3A_3 = arith.cmpi slt, %arg0, %sign3A_2 : i32
    %sign3A_4 = arith.extui %sign3A_3 : i1 to i32
    %sign3A_5 = arith.subi %sign3A_1, %sign3A_4 : i32
    %sign3A_6 = arith.constant 0 : i32
    %sign3A_7 = arith.cmpi sgt, %jit3A, %sign3A_6 : i32
    %sign3A_8 = arith.extui %sign3A_7 : i1 to i32
    %sign3A_9 = arith.constant 0 : i32
    %sign3A_10 = arith.cmpi slt, %jit3A, %sign3A_9 : i32
    %sign3A_11 = arith.extui %sign3A_10 : i1 to i32
    %sign3A_12 = arith.subi %sign3A_8, %sign3A_11 : i32
    %ne3A = arith.cmpi ne, %sign3A_5, %sign3A_12 : i32
    %rem3A = arith.remsi %arg0, %jit3A : i32
    %ne3A_13 = arith.constant 0 : i32
    %ne3A_14 = arith.cmpi ne, %rem3A, %ne3A_13 : i32
    %and3A = arith.andi %ne3A, %ne3A_14 : i1
    %sub3A = arith.constant 1 : i32
    %sub3A_15 = arith.subi %div3A, %sub3A : i32
    %select_n3A = arith.select %and3A, %sub3A_15, %div3A : i32
    %c0_i32 = arith.constant 0 : i32
    %c0_i32_16 = arith.constant 0 : i32
    %c0_i32_17 = arith.constant 0 : i32
    return %select_n3A, %c0_i32, %c0_i32_16 : i32, i32, i32
  }
  func.func @transform_4(%arg0: i32) -> (i32, i32, i32) {
    %jit3A = arith.constant 8 : i32
    %div3A = arith.divsi %arg0, %jit3A : i32
    %sign3A = arith.constant 0 : i32
    %sign3A_0 = arith.cmpi sgt, %arg0, %sign3A : i32
    %sign3A_1 = arith.extui %sign3A_0 : i1 to i32
    %sign3A_2 = arith.constant 0 : i32
    %sign3A_3 = arith.cmpi slt, %arg0, %sign3A_2 : i32
    %sign3A_4 = arith.extui %sign3A_3 : i1 to i32
    %sign3A_5 = arith.subi %sign3A_1, %sign3A_4 : i32
    %sign3A_6 = arith.constant 0 : i32
    %sign3A_7 = arith.cmpi sgt, %jit3A, %sign3A_6 : i32
    %sign3A_8 = arith.extui %sign3A_7 : i1 to i32
    %sign3A_9 = arith.constant 0 : i32
    %sign3A_10 = arith.cmpi slt, %jit3A, %sign3A_9 : i32
    %sign3A_11 = arith.extui %sign3A_10 : i1 to i32
    %sign3A_12 = arith.subi %sign3A_8, %sign3A_11 : i32
    %ne3A = arith.cmpi ne, %sign3A_5, %sign3A_12 : i32
    %rem3A = arith.remsi %arg0, %jit3A : i32
    %ne3A_13 = arith.constant 0 : i32
    %ne3A_14 = arith.cmpi ne, %rem3A, %ne3A_13 : i32
    %and3A = arith.andi %ne3A, %ne3A_14 : i1
    %sub3A = arith.constant 1 : i32
    %sub3A_15 = arith.subi %div3A, %sub3A : i32
    %select_n3A = arith.select %and3A, %sub3A_15, %div3A : i32
    %c0_i32 = arith.constant 0 : i32
    %c0_i32_16 = arith.constant 0 : i32
    %c0_i32_17 = arith.constant 0 : i32
    return %select_n3A, %c0_i32, %c0_i32_16 : i32, i32, i32
  }
  func.func @transform_5(%arg0: i32) -> (i32, i32, i32) {
    %jit3A = arith.constant 8 : i32
    %div3A = arith.divsi %arg0, %jit3A : i32
    %sign3A = arith.constant 0 : i32
    %sign3A_0 = arith.cmpi sgt, %arg0, %sign3A : i32
    %sign3A_1 = arith.extui %sign3A_0 : i1 to i32
    %sign3A_2 = arith.constant 0 : i32
    %sign3A_3 = arith.cmpi slt, %arg0, %sign3A_2 : i32
    %sign3A_4 = arith.extui %sign3A_3 : i1 to i32
    %sign3A_5 = arith.subi %sign3A_1, %sign3A_4 : i32
    %sign3A_6 = arith.constant 0 : i32
    %sign3A_7 = arith.cmpi sgt, %jit3A, %sign3A_6 : i32
    %sign3A_8 = arith.extui %sign3A_7 : i1 to i32
    %sign3A_9 = arith.constant 0 : i32
    %sign3A_10 = arith.cmpi slt, %jit3A, %sign3A_9 : i32
    %sign3A_11 = arith.extui %sign3A_10 : i1 to i32
    %sign3A_12 = arith.subi %sign3A_8, %sign3A_11 : i32
    %ne3A = arith.cmpi ne, %sign3A_5, %sign3A_12 : i32
    %rem3A = arith.remsi %arg0, %jit3A : i32
    %ne3A_13 = arith.constant 0 : i32
    %ne3A_14 = arith.cmpi ne, %rem3A, %ne3A_13 : i32
    %and3A = arith.andi %ne3A, %ne3A_14 : i1
    %sub3A = arith.constant 1 : i32
    %sub3A_15 = arith.subi %div3A, %sub3A : i32
    %select_n3A = arith.select %and3A, %sub3A_15, %div3A : i32
    %c0_i32 = arith.constant 0 : i32
    %c0_i32_16 = arith.constant 0 : i32
    %c0_i32_17 = arith.constant 0 : i32
    return %select_n3A, %c0_i32, %c0_i32_16 : i32, i32, i32
  }
  func.func @transform_6(%arg0: i32) -> (i32, i32) {
    %c0_i32 = arith.constant 0 : i32
    %c0_i32_0 = arith.constant 0 : i32
    return %arg0, %c0_i32 : i32, i32
  }
}

</mosaic_0001>

<sc_bundles>
// kernel: kernel.6.cloned.1.call-start
scs
__scs_entry_jumppad:
0x0: {  	(pc) =	sbr.rel $0x88, $3  }
0x1: {  	(tag) =	ssettag $0x0;
	lr =	simm.s32 $0x1  }
0x2: {  	[smem:$0x3F91] =	sst lr;
	_ =	strace $0xD0000000  }
0x3: {  	_ = 	snop  }
0x4: {  	_ = 	snop  }
0x5: {  	_ = 	snop  }
0x6: {  	_ = 	snop  }
0x7: {  	_ = 	snop  }
__scs_overlays_trampoline_lowered:
0x8: {  	[smem:$0x3FA0] =	sst s0  }
0x9: {  	[smem:$0x3FA1] =	sst s1  }
0xa: {  	[smem:$0x3FA2] =	sst s2  }
0xb: {  	[smem:$0x3FA3] =	sst s3  }
0xc: {  	[smem:$0x3FA4] =	sst s4  }
0xd: {  	[smem:$0x3FA5] =	sst s5  }
0xe: {  	[smem:$0x3FA6] =	sst s6  }
0xf: {  	[smem:$0x3FA7] =	sst s7  }
0x10: {  	[smem:$0x3FA8] =	sst s8  }
0x11: {  	[smem:$0x3FA9] =	sst s9;
	s0 =	simm.s32 @!p0 $0x0  }
0x12: {  	s1 =	sld [smem:$0x3F8F];
	s0 =	simm.s32 @p0 $0x1  }
0x13: {  	[smem:$0x3FAA] =	sst s0;
	s0 =	simm.s32 @!p1 $0x0  }
0x14: {  	s2 =	sld [smem:$0x3F8E];
	s0 =	simm.s32 @p1 $0x1  }
0x15: {  	[smem:$0x3FAB] =	sst s0;
	s0 =	simm.s32 @!p2 $0x0  }
0x16: {  	s3 =	sld [smem:$0x3FDB];
	s0 =	simm.s32 @p2 $0x1  }
0x17: {  	s4 =	simm.s32 $0x1BF5;
	[smem:$0x3FAD] =	sst s0  }
0x18: {  	s0 =	sld [smem:$0x3F90];
	_ =	swait.ge [sflag:s4], $0x0  }
0x19: {  	s7 =	sld [smem:$0x3F91]  }
0x1a: {  	s8 =	sadd.s32 $0xFFFFE003, lr  }
0x1b: {  	s9 =	sadd.s32 $0xFFFFFEF7, lr;
	s5 =	simm.s32 $0xFFFFFFFF;
	p2 =	slt.u32 s8, $0xFFFFF086  }
0x1c: {  	p1 =	slt.u32 s9, $0xF7A;
	s5 =	simm.s32 @!p2 $0x0  }
0x1d: {  	s5 =	simm.s32 @p1 $0x1;
	p0 =	seq.s32 s7, s2  }
0x1e: {  	s7 =	smul.u32 @!p0 $0xF7A, s2;
	p2 =	seq.s32 @!p0 s5, $0x0  }
0x1f: {  	s9 =	smul.u32 $0xF7A, s1;
	s8 =	simm.s32 @!p0 $0x1BF5;
	p2 =	por !p2, p0  }
0x20: {  	[sflag:s8] =	ssyncset.s32 @!p0 $0xFFFFF086;
	s6 =	sadd.s32 @!p0 s3, s7;
	s7 =	simm.s32 @!p0 $0x108  }
0x21: {  	s3 =	sadd.s32 s3, s9;
	s6 =	sadd.s32 @!p0 $0x88, s6;
	s7 =	simm.s32 @p2 $0x1082  }
0x22: {  	[simem:s7], [sflag:s8] =	dma.local @!p0 [hbm:s6], $0xF7A  }
0x23: {  	s9 =	sor.u32 $0xD0000000, s2;
	s6 =	simm.s32 $0x108;
	_ =	swait.ge @!p0 [sflag:s8], $0x0  }
0x24: {  	s3 =	sadd.s32 $0x88, s3;
	s6 =	simm.s32 @!p1 $0x1082;
	[sflag:s4] =	ssyncset.s32 $0xFFFFF086  }
0x25: {  	[simem:s6], [sflag:s4] =	dma.local [hbm:s3], $0xF7A  }
0x26: {  	[smem:$0x3F91] =	sst s1;
	(tag) =	ssettag s2;
	_ =	strace s9  }
0x27: {  	s1 =	sld [smem:$0x3FA1]  }
0x28: {  	s2 =	sld [smem:$0x3FA2]  }
0x29: {  	s4 =	sld [smem:$0x3FA4]  }
0x2a: {  	p0 =	seq.s32 s5, $0x0;
	s5 =	sld [smem:$0x3FA5]  }
0x2b: {  	s6 =	sld [smem:$0x3FA6]  }
0x2c: {  	s7 =	sld [smem:$0x3FA7]  }
0x2d: {  	s3 =	simm.s32 $0x108;
	s8 =	sld [smem:$0x3FA8]  }
0x2e: {  	s3 =	simm.s32 @!p0 $0x1082;
	s9 =	sld [smem:$0x3FA9]  }
0x2f: {  	lr =	sadd.s32 s0, s3;
	s0 =	sld [smem:$0x3FA0]  }
0x30: {  	s3 =	sld [smem:$0x3FA3]  }
0x31: {  	[smem:$0x3FAC] =	sst s10  }
0x32: {  	s10 =	sld [smem:$0x3FAA];
	_ =	sdelay $0x3  }
0x33: {  	p0 =	seq.s32 s10, $0x1;
	s10 =	sld [smem:$0x3FAC];
	_ =	sdelay $0x3  }
0x34: {  	[smem:$0x3FAC] =	sst s10  }
0x35: {  	s10 =	sld [smem:$0x3FAB];
	_ =	sdelay $0x3  }
0x36: {  	p1 =	seq.s32 s10, $0x1;
	s10 =	sld [smem:$0x3FAC];
	_ =	sdelay $0x3  }
0x37: {  	[smem:$0x3FAC] =	sst s10  }
0x38: {  	s10 =	sld [smem:$0x3FAD]  }
0x39: {  	_ = 	snop;
	(pc) =	sbr.ind lr, $3  }
0x3a: {  	_ = 	snop  }
0x3b: {  	_ = 	snop  }
0x3c: {  	p2 =	seq.s32 s10, $0x1;
	s10 =	sld [smem:$0x3FAC]  }
0x3d: {  	_ =	shalt  }
0x3e: {  	_ =	shalt  }
0x3f: {  	_ =	shalt  }
0x40: {  	_ =	shalt  }
0x41: {  	_ =	shalt  }
0x42: {  	_ =	shalt  }
0x43: {  	_ =	shalt  }
0x44: {  	_ =	shalt  }
0x45: {  	_ =	shalt  }
0x46: {  	_ =	shalt  }
0x47: {  	_ =	shalt  }
0x48: {  	_ =	shalt  }
0x49: {  	_ =	shalt  }
0x4a: {  	_ =	shalt  }
0x4b: {  	_ =	shalt  }
0x4c: {  	_ =	shalt  }
0x4d: {  	_ =	shalt  }
0x4e: {  	_ =	shalt  }
0x4f: {  	_ =	shalt  }
0x50: {  	_ =	shalt  }
0x51: {  	_ =	shalt  }
0x52: {  	_ =	shalt  }
0x53: {  	_ =	shalt  }
0x54: {  	_ =	shalt  }
0x55: {  	_ =	shalt  }
0x56: {  	_ =	shalt  }
0x57: {  	_ =	shalt  }
0x58: {  	_ =	shalt  }
0x59: {  	_ =	shalt  }
0x5a: {  	_ =	shalt  }
0x5b: {  	_ =	shalt  }
0x5c: {  	_ =	shalt  }
0x5d: {  	_ =	shalt  }
0x5e: {  	_ =	shalt  }
0x5f: {  	_ =	shalt  }
0x60: {  	_ =	shalt  }
0x61: {  	_ =	shalt  }
0x62: {  	_ =	shalt  }
0x63: {  	_ =	shalt  }
0x64: {  	_ =	shalt  }
0x65: {  	_ =	shalt  }
0x66: {  	_ =	shalt  }
0x67: {  	_ =	shalt  }
0x68: {  	_ =	shalt  }
0x69: {  	_ =	shalt  }
0x6a: {  	_ =	shalt  }
0x6b: {  	_ =	shalt  }
0x6c: {  	_ =	shalt  }
0x6d: {  	_ =	shalt  }
0x6e: {  	_ =	shalt  }
0x6f: {  	_ =	shalt  }
0x70: {  	_ =	shalt  }
0x71: {  	_ =	shalt  }
0x72: {  	_ =	shalt  }
0x73: {  	_ =	shalt  }
0x74: {  	_ =	shalt  }
0x75: {  	_ =	shalt  }
0x76: {  	_ =	shalt  }
0x77: {  	_ =	shalt  }
0x78: {  	_ =	shalt  }
0x79: {  	_ =	shalt  }
0x7a: {  	_ =	shalt  }
0x7b: {  	_ =	shalt  }
0x7c: {  	_ =	shalt  }
0x7d: {  	_ =	shalt  }
0x7e: {  	_ =	shalt  }
0x7f: {  	_ =	shalt  }
0x80: {  	_ =	shalt  }
0x81: {  	_ =	shalt  }
0x82: {  	_ =	shalt  }
0x83: {  	_ =	shalt  }
0x84: {  	_ =	shalt  }
0x85: {  	_ =	shalt  }
0x86: {  	_ =	shalt  }
0x87: {  	_ =	shalt  }
.Lfunc_end0:
.L_simem_size_0:
called_computation_lowered:
.L_overlay_start_0:
0x88: {  	s2 =	sld [smem:$0x3FD9]  }
0x89: {  	s3 =	sld [smem:$0x3FFE];
	_ =	sdelay $0x1  }
0x8a: {  	s1 =	srdreg.scid  }
0x8b: {  	s0 =	sand.u32 $0x1, s1  }
0x8c: {  	s14 =	sshll.u32 s0, $0xA;
	s2 =	sadd.s32 s3, s2  }
0x8d: {  	s2 =	sadd.s32 s2, s14  }
0x8e: {  	[smem:$0x3FB8] =	sst s2  }
0x8f: {  	_ = 	snop  }
0x90: {  	s2 =	sld [smem:$0x3FD0];
	_ =	sdelay $0x2  }
0x91: {  	s15 =	simm.s32 $0xA;
	s4 =	simm.s32 $0x10  }
0x92: {  	[smem:s4], [sflag:s15] =	dma.local [hbm:s2], $0x1  }
0x93: {  	_ =	swait.eq [sflag:s15], $0x1  }
0x94: {  	[sflag:s15] =	ssyncset.done $0x0  }
0x95: {  	s16 =	sld [smem:$0x10];
	[sflag:s15] =	ssyncadd.s32 $0xFFFFFFFF  }
0x96: {  	s17 =	sld [smem:$0x11];
	(tm) =	ssettm $0x1  }
0x97: {  	s18 =	sld [smem:$0x3FFB];
	_ =	sdelay $0x3  }
0x98: {  	_ =	strace s18  }
0x99: {  	s4 =	sld [smem:$0x3FFC];
	_ =	sdelay $0x3  }
0x9a: {  	_ =	strace s4  }
0x9b: {  	s4 =	sld [smem:$0x3FFD];
	_ =	sdelay $0x3  }
0x9c: {  	_ =	strace s4  }
0x9d: {  	_ =	strace $0x8FFFFFFF  }
0x9e: {  	s19 =	sld [smem:$0x3FDB];
	_ =	sdelay $0x1  }
0x9f: {  	s5 =	simm.s32 $_scs_section_size  }
0xa0: {  	s6 =	simm.s32 $_size__tile_overlayer_lowered;
	s7 =	simm.s32 $_tile_overlayer_lowered  }
0xa1: {  	s22 =	simm.s32 $0x1BFF;
	s21 =	sshll.u32 s7, $0x1;
	s4 =	sadd.s32 s5, s19  }
0xa2: {  	s8 =	simm.s32 $0x0;
	s20 =	sshll.u32 s6, $0x1;
	s6 =	sadd.s32 s21, s4  }
0xa3: {  	[timem:s8], [sflag:s22] =	dma.local [hbm:s6], s20  }
0xa4: {  	_ =	swait.ge [sflag:s22], s20  }
0xa5: {  	s5 =	ssub.s32 $0x0, s20;
	[sflag:s22] =	ssyncset.done $0x0  }
0xa6: {  	[sflag:s22] =	ssyncadd.s32 s5;
	_ =	sdelay $0x1  }
0xa7: {  	s23 =	simm.s32 $0x1B8B  }
0xa8: {  	_ =	swait.ge [sflag:s23], $0x1  }
0xa9: {  	[sflag:s23] =	ssyncset.done $0x0  }
0xaa: {  	s25 =	simm.s32 $0x1B8E;
	s24 =	sld [smem:$0x3FFE];
	[sflag:s23] =	ssyncadd.s32 $0xFFFFFFFF  }
0xab: {  	s26 =	simm.s32 $execute0_lowered;
	[smem:$0x3FD2] =	sst s25  }
0xac: {  	s6 =	sshll.u32 s26, $0x1;
	_ =	strace $0x80000046;
	[dreg:$0x1] =	wrdreg $0xFFFFFFFF  }
0xad: {  	s28 =	simm.s32 $_size_execute0_lowered;
	s4 =	sadd.s32 s4, s6;
	[dreg:$0x0] =	wrdreg $0x0  }
0xae: {  	s6 =	sshll.u32 s28, $0x1;
	[dreg:$0x2] =	wrdreg s4  }
0xaf: {  	[dreg:$0x3] =	wrdreg s6  }
0xb0: {  	[dreg:$0x4] =	wrdreg $0xC0  }
0xb1: {  	_ =	task [dreg:s8], $0x5FFFF  }
0xb2: {  	[dreg:$0x1] =	wrdreg $0xFFFFFFFF  }
0xb3: {  	[dreg:$0x0] =	wrdreg $0x60  }
0xb4: {  	[dreg:$0x2] =	wrdreg s24  }
0xb5: {  	[dreg:$0x3] =	wrdreg s16  }
0xb6: {  	[dreg:$0x4] =	wrdreg s17  }
0xb7: {  	[dreg:$0x5] =	wrdreg $0x0  }
0xb8: {  	[dreg:$0x6] =	wrdreg $0x9  }
0xb9: {  	_ =	task.clear_ibuf [dreg:s8], $0x7FFFF;
	_ =	strace $0x90000046  }
0xba: {  	s29 =	simm.s32 $0x9;
	_ =	strace $0x80000048  }
0xbb: {  	_ =	swait.ge [sflag:s29], $0x1  }
0xbc: {  	[sflag:s29] =	ssyncadd.s32 $0xFFFFFFFF  }
0xbd: {  	_ =	strace $0x90000048  }
0xbe: {  	_ =	sfence  }
0xbf: {  	s30 =	sld [smem:$0x0];
	_ =	sdelay $0x2  }
0xc0: {  	s31 =	sshll.u32 s1, $0xD;
	s1 =	sshrl.u32 s1, $0x2  }
0xc1: {  	s3 =	sand.u32 $0x4000, s31;
	s1 =	sadd.s32 s1, s30  }
0xc2: {  	s0 =	sor.u32 s3, s0;
	s1 =	sshll.u32 s1, $0x11  }
0xc3: {  	s0 =	sor.u32 s1, s0  }
0xc4: {  	s0 =	sadd.s32 $0x8F2B, s0  }
0xc5: {  	[sflag:s0] =	ssyncadd.remote.s32 $0x1  }
0xc6: {  	_ =	sfence.sel $0xFFFF  }
0xc7: {  	[dreg:$0x0] =	wrdreg $0xFFFFFFFF;
	(pc) =	sbr.abs _section_cstart, $3  }
0xc8: {  	[dreg:$0x1] =	wrdreg $0xFFFFFFFF  }
0xc9: {  	_ =	task.clear_ibuf [dreg:s8], $0x2FFFF;
	_ =	strace $0x9FFFFFFF  }
0xca: {  	(tm) =	ssettm $0x7FFFFFFF  }
0xcb: {  	_ =	shalt  }
tec
execute0_lowered:
.L_overlay_start_1:
0x0: {  	(tag) =	ssettag $0x1  }
0x1: {  	s0 =	rddreg [dreg:$0x0]  }
0x2: {  	s3 =	rddreg [dreg:$0x3]  }
0x3: {  	s1 =	srdreg.scid;
	s5 =	simm.s32 $0x0;
	s13 =	stileid.u32  }
0x4: {  	s28 =	simm.s32 $0x14400;
	s29 =	simm.s32 $0x3;
	s30 =	simm.s32 $0x13C00  }
0x5: {  	s31 =	simm.s32 $0x78;
	s1 =	sand.u32 $0x1, s1;
	s4 =	smul.u32 $0x278, s13  }
0x6: {  	[smem:$0x7FF] =	sst s5;
	s6 =	sadd.s32 $0x2D200, s0;
	s7 =	smul.u32 $0x4F000, s13  }
0x7: {  	s8 =	sadd.s32 $0x7C200, s0;
	s2 =	smul.u32 $0x15000, s1;
	_ =	strace $0x80000047  }
0x8: {  	s9 =	smul.u32 $0x2780, s1;
	s1 =	ssub.s32 $0x2, s1;
	s7 =	sshrl.u32 s7, $0x2  }
0x9: {  	s10 =	sshrl.u32 s1, $0x1;
	s2 =	sadd.s32 s2, s0;
	s26 =	sadd.s32 s7, s3  }
0xa: {  	s0 =	sadd.s32 $0xCB200, s0;
	s7 =	sadd.s32 $0x3C00, s26;
	[dreg:$0x5] =	wrdreg s26  }
0xb: {  	s1 =	ssub.s32 s1, s10;
	s23 =	sadd.s32 $0x7800, s26;
	[dreg:$0x6] =	wrdreg s7  }
0xc: {  	s4 =	sadd.s32 s4, s9;
	s1 =	smax.u32 s1, $0x1;
	[dreg:$0x7] =	wrdreg s23  }
0xd: {  	s4 =	sshll.u32 s4, $0x4;
	s9 =	sadd.s32 $0xF000, s26;
	[dreg:$0x16] =	wrdreg s1  }
0xe: {  	s21 =	smul.u32 $0x1500, s13;
	s14 =	sadd.s32 s0, s4;
	[dreg:$0x15] =	wrdreg s9  }
0xf: {  	s13 =	simm.s32 $0x14380;
	s19 =	sadd.s32 s8, s4;
	[dreg:$0x8] =	wrdreg s14  }
0x10: {  	s24 =	sadd.s32 $0x780, s4;
	s7 =	simm.s32 $0x0;
	[dreg:$0xe] =	wrdreg s19  }
0x11: {  	s25 =	sadd.s32 $0xF00, s4;
	s15 =	sadd.s32 s0, s24;
	[dreg:$0x18] =	wrdreg s7  }
0x12: {  	s17 =	sadd.s32 $0x1680, s4;
	s16 =	sadd.s32 s0, s25;
	[dreg:$0x9] =	wrdreg s15  }
0x13: {  	s11 =	sadd.s32 $0x1E00, s4;
	s14 =	sadd.s32 s0, s17;
	[dreg:$0xa] =	wrdreg s16  }
0x14: {  	s12 =	sadd.s32 $0x2580, s4;
	s18 =	sadd.s32 s0, s11;
	[dreg:$0xb] =	wrdreg s14  }
0x15: {  	s10 =	simm.s32 $0x14200;
	s0 =	sadd.s32 s0, s12;
	[dreg:$0xc] =	wrdreg s18  }
0x16: {  	s4 =	simm.s32 $0x14080;
	s20 =	sadd.s32 s8, s24;
	[dreg:$0xd] =	wrdreg s0  }
0x17: {  	s1 =	simm.s32 $0x14180;
	s22 =	sadd.s32 s8, s25;
	[dreg:$0xf] =	wrdreg s20  }
0x18: {  	s23 =	sadd.s32 s8, s17;
	s24 =	sadd.s32 s8, s11;
	[dreg:$0x10] =	wrdreg s22  }
0x19: {  	s25 =	sadd.s32 s8, s12;
	s11 =	simm.s32 $0x14280;
	[dreg:$0x11] =	wrdreg s23  }
0x1a: {  	s12 =	simm.s32 $0x14300;
	s17 =	simm.s32 $0x13D00;
	[dreg:$0x12] =	wrdreg s24  }
0x1b: {  	s19 =	simm.s32 $0x13D80;
	s8 =	simm.s32 $0x13F80;
	[dreg:$0x13] =	wrdreg s25  }
0x1c: {  	s23 =	sadd.s32 $0xB400, s26;
	s0 =	sadd.s32 s21, s2;
	s22 =	sadd.s32 $0x12C00, s26  }
0x1d: {  	s2 =	simm.s32 $0x14100;
	s14 =	simm.s32 $0x13C80;
	s15 =	simm.s32 $0x18000  }
0x1e: {  	s16 =	simm.s32 $0x1;
	s18 =	simm.s32 $0x2;
	s20 =	simm.s32 $0x13E00  }
0x1f: {  	s21 =	simm.s32 $0x13E80;
	s24 =	simm.s32 $0x13F00;
	[dreg:$0x14] =	wrdreg s23  }
0x20: {  	s25 =	sadd.s32 $0x3200, s0;
	s0 =	simm.s32 $0x14000;
	[dreg:$0x17] =	wrdreg s22  }
.LBB2_1:
0x21: {  	s7 =	rddreg [dreg:$0x1]  }
0x22: {  	[tilespmem:s28], [sflag:$0x3] =	stream.linear.gather [hbm4b:s7+s5], $0x3C00, $0x38;
	[tilespmem:$0x1BC00] =	vst v63  }
0x23: {  	_ =	swait.ge [sflag:s29], $0x3C00  }
0x24: {  	[sflag:s29] =	ssyncset.done $0x0  }
0x25: {  	[sflag:s29] =	ssyncadd.s32 $0xFFFFC400  }
0x26: {  	[spmem:s26] =	stream.linear.scatter [tilespmem:s28], [sflag:$0x3], $0x3C00, $0x38;
	[tilespmem:$0x1BC00] =	vst v63  }
0x27: {  	_ =	swait.ge [sflag:s29], $0x3C00  }
0x28: {  	[sflag:s29] =	ssyncset.done $0x0  }
0x29: {  	s26 =	rddreg [dreg:$0x6];
	[sflag:s29] =	ssyncadd.s32 $0xFFFFC400  }
0x2a: {  	[spmem:s26] =	stream.linear.scatter [tilespmem:s28], [sflag:$0x3], $0x3C00, $0x38;
	[tilespmem:$0x1BC00] =	vst v63  }
0x2b: {  	_ =	swait.ge [sflag:s29], $0x3C00  }
0x2c: {  	[sflag:s29] =	ssyncset.done $0x0  }
0x2d: {  	s26 =	rddreg [dreg:$0x7];
	[sflag:s29] =	ssyncadd.s32 $0xFFFFC400  }
0x2e: {  	[spmem:s26] =	stream.linear.scatter [tilespmem:s28], [sflag:$0x3], $0x3C00, $0x38;
	[tilespmem:$0x1BC00] =	vst v63  }
0x2f: {  	_ =	swait.ge [sflag:s29], $0x3C00  }
0x30: {  	[sflag:s29] =	ssyncset.done $0x0  }
0x31: {  	[sflag:s29] =	ssyncadd.s32 $0xFFFFC400  }
0x32: {  	[spmem:s23] =	stream.linear.scatter [tilespmem:s28], [sflag:$0x3], $0x3C00, $0x38;
	[tilespmem:$0x1BC00] =	vst v63  }
0x33: {  	_ =	swait.ge [sflag:s29], $0x3C00  }
0x34: {  	[sflag:s29] =	ssyncset.done $0x0  }
0x35: {  	[sflag:s29] =	ssyncadd.s32 $0xFFFFC400  }
0x36: {  	[spmem:s9] =	stream.linear.scatter [tilespmem:s28], [sflag:$0x3], $0x3C00, $0x38;
	[tilespmem:$0x1BC00] =	vst v63  }
0x37: {  	_ =	swait.ge [sflag:s29], $0x3C00  }
0x38: {  	[sflag:s29] =	ssyncset.done $0x0  }
0x39: {  	[sflag:s29] =	ssyncadd.s32 $0xFFFFC400  }
0x3a: {  	[spmem:s22] =	stream.linear.scatter [tilespmem:s28], [sflag:$0x3], $0x1000, $0x38;
	[tilespmem:$0x1BC00] =	vst v63  }
0x3b: {  	_ =	swait.ge [sflag:s29], $0x1000  }
0x3c: {  	[sflag:s29] =	ssyncset.done $0x0  }
0x3d: {  	[sflag:s29] =	ssyncadd.s32 $0xFFFFF000  }
0x3e: {  	s23 =	rddreg [dreg:$0x2]  }
0x3f: {  	[tilespmem:s28], [sflag:$0x3] =	stream.linear.gather [hbm4b:s23+s5], $0x3C00, $0x38;
	[tilespmem:$0x1BC00] =	vst v63  }
0x40: {  	_ =	swait.ge [sflag:s29], $0x3C00  }
0x41: {  	[sflag:s29] =	ssyncset.done $0x0  }
0x42: {  	[sflag:s29] =	ssyncadd.s32 $0xFFFFC400  }
0x43: {  	s26 =	sadd.s32 $0x0, s25;
	[bflag:$0x0] =	sbarrier.arrive $0xFFFF  }
0x44: {  	[tilespmem:s30], [sflag:$0x3] =	stream.linear.gather [hbm4b:s26+s5], $0x800, $0x38;
	[tilespmem:$0x1BC00] =	vst v63  }
0x45: {  	_ =	swait.ge [sflag:s29], $0x800  }
0x46: {  	[sflag:s29] =	ssyncset.done $0x0  }
0x47: {  	[sflag:s29] =	ssyncadd.s32 $0xFFFFF800  }
0x48: {  	[spmem:s3] =	stream.indirect.scatter.add.f32 [tilespmem:s28], [sflag:$0x3], $0x80, s0, s31, $0xb8;
	[tilespmem:$0x1BC00] =	vst v63  }
0x49: {  	_ =	swait.ge [sflag:s29], $0x3C00  }
0x4a: {  	[sflag:s29] =	ssyncset.done $0x0  }
0x4b: {  	[sflag:s29] =	ssyncadd.s32 $0xFFFFC400  }
0x4c: {  	[spmem:s3] =	stream.indirect.scatter.add.f32 [tilespmem:s28], [sflag:$0x3], $0x80, s4, s31, $0xb8;
	[tilespmem:$0x1BC00] =	vst v63  }
0x4d: {  	_ =	swait.ge [sflag:s29], $0x3C00  }
0x4e: {  	[sflag:s29] =	ssyncset.done $0x0  }
0x4f: {  	[sflag:s29] =	ssyncadd.s32 $0xFFFFC400  }
0x50: {  	[spmem:s3] =	stream.indirect.scatter.add.f32 [tilespmem:s28], [sflag:$0x3], $0x80, s2, s31, $0xb8;
	[tilespmem:$0x1BC00] =	vst v63  }
0x51: {  	_ =	swait.ge [sflag:s29], $0x3C00  }
0x52: {  	[sflag:s29] =	ssyncset.done $0x0  }
0x53: {  	[sflag:s29] =	ssyncadd.s32 $0xFFFFC400  }
0x54: {  	[spmem:s3] =	stream.indirect.scatter.add.f32 [tilespmem:s28], [sflag:$0x3], $0x80, s1, s31, $0xb8;
	[tilespmem:$0x1BC00] =	vst v63  }
0x55: {  	_ =	swait.ge [sflag:s29], $0x3C00  }
0x56: {  	[sflag:s29] =	ssyncset.done $0x0  }
0x57: {  	[sflag:s29] =	ssyncadd.s32 $0xFFFFC400  }
0x58: {  	[spmem:s3] =	stream.indirect.scatter.add.f32 [tilespmem:s28], [sflag:$0x3], $0x80, s10, s31, $0xb8;
	[tilespmem:$0x1BC00] =	vst v63  }
0x59: {  	_ =	swait.ge [sflag:s29], $0x3C00  }
0x5a: {  	[sflag:s29] =	ssyncset.done $0x0  }
0x5b: {  	[sflag:s29] =	ssyncadd.s32 $0xFFFFC400  }
0x5c: {  	[spmem:s3] =	stream.indirect.scatter.add.f32 [tilespmem:s28], [sflag:$0x3], $0x80, s11, s31, $0xb8;
	[tilespmem:$0x1BC00] =	vst v63  }
0x5d: {  	_ =	swait.ge [sflag:s29], $0x3C00  }
0x5e: {  	[sflag:s29] =	ssyncset.done $0x0  }
0x5f: {  	[sflag:s29] =	ssyncadd.s32 $0xFFFFC400  }
0x60: {  	[spmem:s3] =	stream.indirect.scatter.add.f32 [tilespmem:s28], [sflag:$0x3], $0x80, s12, s31, $0xb8;
	[tilespmem:$0x1BC00] =	vst v63  }
0x61: {  	_ =	swait.ge [sflag:s29], $0x3C00  }
0x62: {  	[sflag:s29] =	ssyncset.done $0x0  }
0x63: {  	[sflag:s29] =	ssyncadd.s32 $0xFFFFC400  }
0x64: {  	[spmem:s3] =	stream.indirect.scatter.add.f32 [tilespmem:s28], [sflag:$0x3], $0x80, s13, s31, $0xb8;
	[tilespmem:$0x1BC00] =	vst v63  }
0x65: {  	_ =	swait.ge [sflag:s29], $0x3C00  }
0x66: {  	s22 =	simm.s32 $0x100;
	s23 =	simm.s32 $0x200;
	[sflag:s29] =	ssyncset.done $0x0  }
.LBB2_2:
0x67: {  	s26 =	sadd.s32 s22, s25  }
0x68: {  	[sflag:s29] =	ssyncadd.s32 $0xFFFFC400;
	s22 =	smov.u32 s23;
	s7 =	sadd.s32 $0x100, s23  }
0x69: {  	[tilespmem:s30], [sflag:$0x3] =	stream.linear.gather [hbm4b:s26+s5], $0x800, $0x38;
	[tilespmem:$0x1BC00] =	vst v63  }
0x6a: {  	p0 =	sne.s32 s23, $0x1400;
	_ =	swait.ge [sflag:s29], $0x800  }
0x6b: {  	[sflag:s29] =	ssyncset.done $0x0  }
0x6c: {  	[sflag:s29] =	ssyncadd.s32 $0xFFFFF800  }
0x6d: {  	[spmem:s3] =	stream.indirect.scatter.add.f32 [tilespmem:s28], [sflag:$0x3], $0x80, s0, s31, $0xb8;
	[tilespmem:$0x1BC00] =	vst v63  }
0x6e: {  	_ =	swait.ge [sflag:s29], $0x3C00  }
0x6f: {  	[sflag:s29] =	ssyncset.done $0x0  }
0x70: {  	[sflag:s29] =	ssyncadd.s32 $0xFFFFC400  }
0x71: {  	[spmem:s3] =	stream.indirect.scatter.add.f32 [tilespmem:s28], [sflag:$0x3], $0x80, s4, s31, $0xb8;
	[tilespmem:$0x1BC00] =	vst v63  }
0x72: {  	_ =	swait.ge [sflag:s29], $0x3C00  }
0x73: {  	[sflag:s29] =	ssyncset.done $0x0  }
0x74: {  	[sflag:s29] =	ssyncadd.s32 $0xFFFFC400  }
0x75: {  	[spmem:s3] =	stream.indirect.scatter.add.f32 [tilespmem:s28], [sflag:$0x3], $0x80, s2, s31, $0xb8;
	[tilespmem:$0x1BC00] =	vst v63  }
0x76: {  	_ =	swait.ge [sflag:s29], $0x3C00  }
0x77: {  	[sflag:s29] =	ssyncset.done $0x0  }
0x78: {  	[sflag:s29] =	ssyncadd.s32 $0xFFFFC400  }
0x79: {  	[spmem:s3] =	stream.indirect.scatter.add.f32 [tilespmem:s28], [sflag:$0x3], $0x80, s1, s31, $0xb8;
	[tilespmem:$0x1BC00] =	vst v63  }
0x7a: {  	_ =	swait.ge [sflag:s29], $0x3C00  }
0x7b: {  	[sflag:s29] =	ssyncset.done $0x0  }
0x7c: {  	[sflag:s29] =	ssyncadd.s32 $0xFFFFC400  }
0x7d: {  	[spmem:s3] =	stream.indirect.scatter.add.f32 [tilespmem:s28], [sflag:$0x3], $0x80, s10, s31, $0xb8;
	[tilespmem:$0x1BC00] =	vst v63  }
0x7e: {  	_ =	swait.ge [sflag:s29], $0x3C00  }
0x7f: {  	[sflag:s29] =	ssyncset.done $0x0  }
0x80: {  	[sflag:s29] =	ssyncadd.s32 $0xFFFFC400  }
0x81: {  	[spmem:s3] =	stream.indirect.scatter.add.f32 [tilespmem:s28], [sflag:$0x3], $0x80, s11, s31, $0xb8;
	[tilespmem:$0x1BC00] =	vst v63  }
0x82: {  	_ =	swait.ge [sflag:s29], $0x3C00  }
0x83: {  	[sflag:s29] =	ssyncset.done $0x0  }
0x84: {  	[sflag:s29] =	ssyncadd.s32 $0xFFFFC400  }
0x85: {  	[spmem:s3] =	stream.indirect.scatter.add.f32 [tilespmem:s28], [sflag:$0x3], $0x80, s12, s31, $0xb8;
	[tilespmem:$0x1BC00] =	vst v63  }
0x86: {  	_ =	swait.ge [sflag:s29], $0x3C00  }
.Ltmp0:
0x87: {  	[sflag:s29] =	ssyncset.done $0x0;
	(pc) =	sbr.rel @p0 .LBB2_2-.Ltmp0, $4  }
0x88: {  	[sflag:s29] =	ssyncadd.s32 $0xFFFFC400  }
0x89: {  	[spmem:s3] =	stream.indirect.scatter.add.f32 [tilespmem:s28], [sflag:$0x3], $0x80, s13, s31, $0xb8;
	[tilespmem:$0x1BC00] =	vst v63  }
0x8a: {  	_ =	swait.ge [sflag:s29], $0x3C00  }
0x8b: {  	s23 =	smov.u32 s7;
	[sflag:s29] =	ssyncset.done $0x0  }
0x8c: {  	s7 =	sadd.s32 s22, s25;
	[sflag:s29] =	ssyncadd.s32 $0xFFFFC400  }
0x8d: {  	[tilespmem:s30], [sflag:$0x3] =	stream.linear.gather [hbm4b:s7+s5], $0x800, $0x38;
	[tilespmem:$0x1BC00] =	vst v63  }
0x8e: {  	_ =	swait.ge [sflag:s29], $0x800  }
0x8f: {  	[sflag:s29] =	ssyncset.done $0x0  }
0x90: {  	[sflag:s29] =	ssyncadd.s32 $0xFFFFF800  }
0x91: {  	[spmem:s3] =	stream.indirect.scatter.add.f32 [tilespmem:s28], [sflag:$0x3], $0x80, s0, s31, $0xb8;
	[tilespmem:$0x1BC00] =	vst v63  }
0x92: {  	_ =	swait.ge [sflag:s29], $0x3C00  }
0x93: {  	[sflag:s29] =	ssyncset.done $0x0  }
0x94: {  	[sflag:s29] =	ssyncadd.s32 $0xFFFFC400  }
0x95: {  	[spmem:s3] =	stream.indirect.scatter.add.f32 [tilespmem:s28], [sflag:$0x3], $0x80, s4, s31, $0xb8;
	[tilespmem:$0x1BC00] =	vst v63  }
0x96: {  	_ =	swait.ge [sflag:s29], $0x3C00  }
0x97: {  	[sflag:s29] =	ssyncset.done $0x0  }
0x98: {  	[sflag:s29] =	ssyncadd.s32 $0xFFFFC400  }
0x99: {  	[spmem:s3] =	stream.indirect.scatter.add.f32 [tilespmem:s28], [sflag:$0x3], $0x80, s2, s31, $0xb8;
	[tilespmem:$0x1BC00] =	vst v63  }
0x9a: {  	_ =	swait.ge [sflag:s29], $0x3C00  }
0x9b: {  	[sflag:s29] =	ssyncset.done $0x0  }
0x9c: {  	[sflag:s29] =	ssyncadd.s32 $0xFFFFC400  }
0x9d: {  	[spmem:s3] =	stream.indirect.scatter.add.f32 [tilespmem:s28], [sflag:$0x3], $0x80, s1, s31, $0xb8;
	[tilespmem:$0x1BC00] =	vst v63  }
0x9e: {  	_ =	swait.ge [sflag:s29], $0x3C00  }
0x9f: {  	[sflag:s29] =	ssyncset.done $0x0  }
0xa0: {  	[sflag:s29] =	ssyncadd.s32 $0xFFFFC400  }
0xa1: {  	[spmem:s3] =	stream.indirect.scatter.add.f32 [tilespmem:s28], [sflag:$0x3], $0x80, s10, s31, $0xb8;
	[tilespmem:$0x1BC00] =	vst v63  }
0xa2: {  	_ =	swait.ge [sflag:s29], $0x3C00  }
0xa3: {  	[sflag:s29] =	ssyncset.done $0x0  }
0xa4: {  	[sflag:s29] =	ssyncadd.s32 $0xFFFFC400  }
0xa5: {  	[spmem:s3] =	stream.indirect.scatter.add.f32 [tilespmem:s28], [sflag:$0x3], $0x80, s11, s31, $0xb8;
	[tilespmem:$0x1BC00] =	vst v63  }
0xa6: {  	_ =	swait.ge [sflag:s29], $0x3C00  }
0xa7: {  	[sflag:s29] =	ssyncset.done $0x0  }
0xa8: {  	[sflag:s29] =	ssyncadd.s32 $0xFFFFC400  }
0xa9: {  	[spmem:s3] =	stream.indirect.scatter.add.f32 [tilespmem:s28], [sflag:$0x3], $0x80, s12, s31, $0xb8;
	[tilespmem:$0x1BC00] =	vst v63  }
0xaa: {  	_ =	swait.ge [sflag:s29], $0x3C00  }
0xab: {  	[sflag:s29] =	ssyncset.done $0x0  }
0xac: {  	[sflag:s29] =	ssyncadd.s32 $0xFFFFC400  }
0xad: {  	[spmem:s3] =	stream.indirect.scatter.add.f32 [tilespmem:s28], [sflag:$0x3], $0x80, s13, s31, $0xb8;
	[tilespmem:$0x1BC00] =	vst v63  }
0xae: {  	_ =	swait.ge [sflag:s29], $0x3C00  }
0xaf: {  	[sflag:s29] =	ssyncset.done $0x0  }
0xb0: {  	[sflag:s29] =	ssyncadd.s32 $0xFFFFC400  }
0xb1: {  	[bflag:$0x0] =	sbarrier.arrive $0xFFFF  }
0xb2: {  	s9 =	rddreg [dreg:$0x5]  }
0xb3: {  	[tilespmem:s28], [sflag:$0x3] =	stream.linear.gather [spmem:s9], $0x3C00, $0x38;
	[tilespmem:$0x1BC00] =	vst v63  }
0xb4: {  	_ =	swait.ge [sflag:s29], $0x3C00  }
0xb5: {  	[sflag:s29] =	ssyncset.done $0x0  }
0xb6: {  	s7 =	simm.s32 $0x0;
	s9 =	rddreg [dreg:$0x8];
	[sflag:s29] =	ssyncadd.s32 $0xFFFFC400  }
0xb7: {  	[hbm4b:s9+s7] =	stream.linear.scatter [tilespmem:s28], [sflag:$0x3], $0x3C00, $0x38;
	[tilespmem:$0x1BC00] =	vst v63  }
0xb8: {  	_ =	swait.ge [sflag:s29], $0x3C00  }
0xb9: {  	[sflag:s29] =	ssyncset.done $0x0  }
0xba: {  	s22 =	rddreg [dreg:$0x6];
	[sflag:s29] =	ssyncadd.s32 $0xFFFFC400  }
0xbb: {  	[tilespmem:s28], [sflag:$0x3] =	stream.linear.gather [spmem:s22], $0x3C00, $0x38;
	[tilespmem:$0x1BC00] =	vst v63  }
0xbc: {  	_ =	swait.ge [sflag:s29], $0x3C00  }
0xbd: {  	[sflag:s29] =	ssyncset.done $0x0  }
0xbe: {  	s23 =	rddreg [dreg:$0x9];
	[sflag:s29] =	ssyncadd.s32 $0xFFFFC400  }
0xbf: {  	[hbm4b:s23+s7] =	stream.linear.scatter [tilespmem:s28], [sflag:$0x3], $0x3C00, $0x38;
	[tilespmem:$0x1BC00] =	vst v63  }
0xc0: {  	_ =	swait.ge [sflag:s29], $0x3C00  }
0xc1: {  	[sflag:s29] =	ssyncset.done $0x0  }
0xc2: {  	s26 =	rddreg [dreg:$0x7];
	[sflag:s29] =	ssyncadd.s32 $0xFFFFC400  }
0xc3: {  	[tilespmem:s28], [sflag:$0x3] =	stream.linear.gather [spmem:s26], $0x3C00, $0x38;
	[tilespmem:$0x1BC00] =	vst v63  }
0xc4: {  	_ =	swait.ge [sflag:s29], $0x3C00  }
0xc5: {  	[sflag:s29] =	ssyncset.done $0x0  }
0xc6: {  	s9 =	rddreg [dreg:$0xa];
	[sflag:s29] =	ssyncadd.s32 $0xFFFFC400  }
0xc7: {  	[hbm4b:s9+s7] =	stream.linear.scatter [tilespmem:s28], [sflag:$0x3], $0x3C00, $0x38;
	[tilespmem:$0x1BC00] =	vst v63  }
0xc8: {  	_ =	swait.ge [sflag:s29], $0x3C00  }
0xc9: {  	[sflag:s29] =	ssyncset.done $0x0  }
0xca: {  	s26 =	rddreg [dreg:$0x14];
	[sflag:s29] =	ssyncadd.s32 $0xFFFFC400  }
0xcb: {  	[tilespmem:s28], [sflag:$0x3] =	stream.linear.gather [spmem:s26], $0x3C00, $0x38;
	[tilespmem:$0x1BC00] =	vst v63  }
0xcc: {  	_ =	swait.ge [sflag:s29], $0x3C00  }
0xcd: {  	[sflag:s29] =	ssyncset.done $0x0  }
0xce: {  	s23 =	rddreg [dreg:$0xb];
	[sflag:s29] =	ssyncadd.s32 $0xFFFFC400  }
0xcf: {  	[hbm4b:s23+s7] =	stream.linear.scatter [tilespmem:s28], [sflag:$0x3], $0x3C00, $0x38;
	[tilespmem:$0x1BC00] =	vst v63  }
0xd0: {  	_ =	swait.ge [sflag:s29], $0x3C00  }
0xd1: {  	[sflag:s29] =	ssyncset.done $0x0  }
0xd2: {  	s23 =	rddreg [dreg:$0x15];
	[sflag:s29] =	ssyncadd.s32 $0xFFFFC400  }
0xd3: {  	[tilespmem:s28], [sflag:$0x3] =	stream.linear.gather [spmem:s23], $0x3C00, $0x38;
	[tilespmem:$0x1BC00] =	vst v63  }
0xd4: {  	_ =	swait.ge [sflag:s29], $0x3C00  }
0xd5: {  	[sflag:s29] =	ssyncset.done $0x0  }
0xd6: {  	s9 =	rddreg [dreg:$0xc];
	[sflag:s29] =	ssyncadd.s32 $0xFFFFC400  }
0xd7: {  	[hbm4b:s9+s7] =	stream.linear.scatter [tilespmem:s28], [sflag:$0x3], $0x3C00, $0x38;
	[tilespmem:$0x1BC00] =	vst v63  }
0xd8: {  	_ =	swait.ge [sflag:s29], $0x3C00  }
0xd9: {  	[sflag:s29] =	ssyncset.done $0x0  }
0xda: {  	s9 =	rddreg [dreg:$0x17];
	[sflag:s29] =	ssyncadd.s32 $0xFFFFC400  }
0xdb: {  	[tilespmem:s28], [sflag:$0x3] =	stream.linear.gather [spmem:s9], $0x1000, $0x38;
	[tilespmem:$0x1BC00] =	vst v63  }
0xdc: {  	_ =	swait.ge [sflag:s29], $0x1000  }
0xdd: {  	[sflag:s29] =	ssyncset.done $0x0  }
0xde: {  	s22 =	rddreg [dreg:$0xd];
	[sflag:s29] =	ssyncadd.s32 $0xFFFFF000  }
0xdf: {  	[hbm4b:s22+s7] =	stream.linear.scatter [tilespmem:s28], [sflag:$0x3], $0x1000, $0x38;
	[tilespmem:$0x1BC00] =	vst v63  }
0xe0: {  	_ =	swait.ge [sflag:s29], $0x1000  }
0xe1: {  	[sflag:s29] =	ssyncset.done $0x0  }
0xe2: {  	[sflag:s29] =	ssyncadd.s32 $0xFFFFF000  }
0xe3: {  	s22 =	rddreg [dreg:$0x1]  }
0xe4: {  	[tilespmem:s28], [sflag:$0x3] =	stream.linear.gather [hbm4b:s22+s7], $0x3C00, $0x38;
	[tilespmem:$0x1BC00] =	vst v63  }
0xe5: {  	_ =	swait.ge [sflag:s29], $0x3C00  }
0xe6: {  	[sflag:s29] =	ssyncset.done $0x0  }
0xe7: {  	s22 =	rddreg [dreg:$0x5];
	[sflag:s29] =	ssyncadd.s32 $0xFFFFC400  }
0xe8: {  	[spmem:s22] =	stream.linear.scatter [tilespmem:s28], [sflag:$0x3], $0x3C00, $0x38;
	[tilespmem:$0x1BC00] =	vst v63  }
0xe9: {  	_ =	swait.ge [sflag:s29], $0x3C00  }
0xea: {  	[sflag:s29] =	ssyncset.done $0x0  }
0xeb: {  	s22 =	rddreg [dreg:$0x6];
	[sflag:s29] =	ssyncadd.s32 $0xFFFFC400  }
0xec: {  	[spmem:s22] =	stream.linear.scatter [tilespmem:s28], [sflag:$0x3], $0x3C00, $0x38;
	[tilespmem:$0x1BC00] =	vst v63  }
0xed: {  	_ =	swait.ge [sflag:s29], $0x3C00  }
0xee: {  	[sflag:s29] =	ssyncset.done $0x0  }
0xef: {  	s22 =	rddreg [dreg:$0x7];
	[sflag:s29] =	ssyncadd.s32 $0xFFFFC400  }
0xf0: {  	[spmem:s22] =	stream.linear.scatter [tilespmem:s28], [sflag:$0x3], $0x3C00, $0x38;
	[tilespmem:$0x1BC00] =	vst v63  }
0xf1: {  	_ =	swait.ge [sflag:s29], $0x3C00  }
0xf2: {  	[sflag:s29] =	ssyncset.done $0x0  }
0xf3: {  	[sflag:s29] =	ssyncadd.s32 $0xFFFFC400  }
0xf4: {  	[spmem:s26] =	stream.linear.scatter [tilespmem:s28], [sflag:$0x3], $0x3C00, $0x38;
	[tilespmem:$0x1BC00] =	vst v63  }
0xf5: {  	_ =	swait.ge [sflag:s29], $0x3C00  }
0xf6: {  	[sflag:s29] =	ssyncset.done $0x0  }
0xf7: {  	[sflag:s29] =	ssyncadd.s32 $0xFFFFC400  }
0xf8: {  	[spmem:s23] =	stream.linear.scatter [tilespmem:s28], [sflag:$0x3], $0x3C00, $0x38;
	[tilespmem:$0x1BC00] =	vst v63  }
0xf9: {  	_ =	swait.ge [sflag:s29], $0x3C00  }
0xfa: {  	[sflag:s29] =	ssyncset.done $0x0  }
0xfb: {  	[sflag:s29] =	ssyncadd.s32 $0xFFFFC400  }
0xfc: {  	[spmem:s9] =	stream.linear.scatter [tilespmem:s28], [sflag:$0x3], $0x1000, $0x38;
	[tilespmem:$0x1BC00] =	vst v63  }
0xfd: {  	_ =	swait.ge [sflag:s29], $0x1000  }
0xfe: {  	[sflag:s29] =	ssyncset.done $0x0  }
0xff: {  	[sflag:s29] =	ssyncadd.s32 $0xFFFFF000  }
0x100: {  	s26 =	sadd.s32 $0x0, s25;
	[bflag:$0x0] =	sbarrier.arrive $0xFFFF  }
0x101: {  	[tilespmem:s30], [sflag:$0x3] =	stream.linear.gather [hbm4b:s26+s5], $0x800, $0x38;
	[tilespmem:$0x1BC00] =	vst v63  }
0x102: {  	_ =	swait.ge [sflag:s29], $0x800  }
0x103: {  	[sflag:s29] =	ssyncset.done $0x0  }
0x104: {  	[sflag:s29] =	ssyncadd.s32 $0xFFFFF800  }
0x105: {  	[tilespmem:s28], [sflag:$0x1] =	stream.indirect.gather [hbm4b:s6+s31], $0x80, s30, s31, $0xb8;
	[tilespmem:$0x1BC00] =	vst v63  }
0x106: {  	_ = 	snop  }
0x107: {  	[tilespmem:s15], [sflag:$0x2] =	stream.indirect.gather [hbm4b:s6+s31], $0x80, s14, s31, $0xb8;
	[tilespmem:$0x1BC00] =	vst v63  }
0x108: {  	_ =	swait.ge [sflag:s16], $0x3C00  }
0x109: {  	[sflag:s16] =	ssyncset.done $0x0  }
0x10a: {  	[sflag:s16] =	ssyncadd.s32 $0xFFFFC400  }
0x10b: {  	[spmem:s3] =	stream.indirect.scatter.add.f32 [tilespmem:s28], [sflag:$0x3], $0x80, s0, s31, $0xb8;
	[tilespmem:$0x1BC00] =	vst v63  }
0x10c: {  	_ =	swait.ge [sflag:s29], $0x3C00  }
0x10d: {  	[sflag:s29] =	ssyncset.done $0x0  }
0x10e: {  	[sflag:s29] =	ssyncadd.s32 $0xFFFFC400  }
0x10f: {  	[tilespmem:s28], [sflag:$0x1] =	stream.indirect.gather [hbm4b:s6+s31], $0x80, s17, s31, $0xb8;
	[tilespmem:$0x1BC00] =	vst v63  }
0x110: {  	_ =	swait.ge [sflag:s18], $0x3C00  }
0x111: {  	[sflag:s18] =	ssyncset.done $0x0  }
0x112: {  	[sflag:s18] =	ssyncadd.s32 $0xFFFFC400  }
0x113: {  	[spmem:s3] =	stream.indirect.scatter.add.f32 [tilespmem:s15], [sflag:$0x3], $0x80, s4, s31, $0xb8;
	[tilespmem:$0x1BC00] =	vst v63  }
0x114: {  	_ =	swait.ge [sflag:s29], $0x3C00  }
0x115: {  	[sflag:s29] =	ssyncset.done $0x0  }
0x116: {  	[sflag:s29] =	ssyncadd.s32 $0xFFFFC400  }
0x117: {  	[tilespmem:s15], [sflag:$0x2] =	stream.indirect.gather [hbm4b:s6+s31], $0x80, s19, s31, $0xb8;
	[tilespmem:$0x1BC00] =	vst v63  }
0x118: {  	_ =	swait.ge [sflag:s16], $0x3C00  }
0x119: {  	[sflag:s16] =	ssyncset.done $0x0  }
0x11a: {  	[sflag:s16] =	ssyncadd.s32 $0xFFFFC400  }
0x11b: {  	[spmem:s3] =	stream.indirect.scatter.add.f32 [tilespmem:s28], [sflag:$0x3], $0x80, s2, s31, $0xb8;
	[tilespmem:$0x1BC00] =	vst v63  }
0x11c: {  	_ =	swait.ge [sflag:s29], $0x3C00  }
0x11d: {  	[sflag:s29] =	ssyncset.done $0x0  }
0x11e: {  	[sflag:s29] =	ssyncadd.s32 $0xFFFFC400  }
0x11f: {  	[tilespmem:s28], [sflag:$0x1] =	stream.indirect.gather [hbm4b:s6+s31], $0x80, s20, s31, $0xb8;
	[tilespmem:$0x1BC00] =	vst v63  }
0x120: {  	_ =	swait.ge [sflag:s18], $0x3C00  }
0x121: {  	[sflag:s18] =	ssyncset.done $0x0  }
0x122: {  	[sflag:s18] =	ssyncadd.s32 $0xFFFFC400  }
0x123: {  	[spmem:s3] =	stream.indirect.scatter.add.f32 [tilespmem:s15], [sflag:$0x3], $0x80, s1, s31, $0xb8;
	[tilespmem:$0x1BC00] =	vst v63  }
0x124: {  	_ =	swait.ge [sflag:s29], $0x3C00  }
0x125: {  	[sflag:s29] =	ssyncset.done $0x0  }
0x126: {  	[sflag:s29] =	ssyncadd.s32 $0xFFFFC400  }
0x127: {  	[tilespmem:s15], [sflag:$0x2] =	stream.indirect.gather [hbm4b:s6+s31], $0x80, s21, s31, $0xb8;
	[tilespmem:$0x1BC00] =	vst v63  }
0x128: {  	_ =	swait.ge [sflag:s16], $0x3C00  }
0x129: {  	[sflag:s16] =	ssyncset.done $0x0  }
0x12a: {  	[sflag:s16] =	ssyncadd.s32 $0xFFFFC400  }
0x12b: {  	[spmem:s3] =	stream.indirect.scatter.add.f32 [tilespmem:s28], [sflag:$0x3], $0x80, s10, s31, $0xb8;
	[tilespmem:$0x1BC00] =	vst v63  }
0x12c: {  	_ =	swait.ge [sflag:s29], $0x3C00  }
0x12d: {  	[sflag:s29] =	ssyncset.done $0x0  }
0x12e: {  	[sflag:s29] =	ssyncadd.s32 $0xFFFFC400  }
0x12f: {  	[tilespmem:s28], [sflag:$0x1] =	stream.indirect.gather [hbm4b:s6+s31], $0x80, s24, s31, $0xb8;
	[tilespmem:$0x1BC00] =	vst v63  }
0x130: {  	_ =	swait.ge [sflag:s18], $0x3C00  }
0x131: {  	[sflag:s18] =	ssyncset.done $0x0  }
0x132: {  	[sflag:s18] =	ssyncadd.s32 $0xFFFFC400  }
0x133: {  	[spmem:s3] =	stream.indirect.scatter.add.f32 [tilespmem:s15], [sflag:$0x3], $0x80, s11, s31, $0xb8;
	[tilespmem:$0x1BC00] =	vst v63  }
0x134: {  	_ =	swait.ge [sflag:s29], $0x3C00  }
0x135: {  	[sflag:s29] =	ssyncset.done $0x0  }
0x136: {  	[sflag:s29] =	ssyncadd.s32 $0xFFFFC400  }
0x137: {  	[tilespmem:s15], [sflag:$0x2] =	stream.indirect.gather [hbm4b:s6+s31], $0x80, s8, s31, $0xb8;
	[tilespmem:$0x1BC00] =	vst v63  }
0x138: {  	_ =	swait.ge [sflag:s16], $0x3C00  }
0x139: {  	[sflag:s16] =	ssyncset.done $0x0  }
0x13a: {  	[sflag:s16] =	ssyncadd.s32 $0xFFFFC400  }
0x13b: {  	[spmem:s3] =	stream.indirect.scatter.add.f32 [tilespmem:s28], [sflag:$0x3], $0x80, s12, s31, $0xb8;
	[tilespmem:$0x1BC00] =	vst v63  }
0x13c: {  	_ =	swait.ge [sflag:s29], $0x3C00  }
0x13d: {  	[sflag:s29] =	ssyncset.done $0x0  }
0x13e: {  	[sflag:s29] =	ssyncadd.s32 $0xFFFFC400  }
0x13f: {  	_ =	swait.ge [sflag:s18], $0x3C00  }
0x140: {  	[sflag:s18] =	ssyncset.done $0x0  }
0x141: {  	[sflag:s18] =	ssyncadd.s32 $0xFFFFC400  }
0x142: {  	[spmem:s3] =	stream.indirect.scatter.add.f32 [tilespmem:s15], [sflag:$0x3], $0x80, s13, s31, $0xb8;
	[tilespmem:$0x1BC00] =	vst v63  }
0x143: {  	_ =	swait.ge [sflag:s29], $0x3C00  }
0x144: {  	s7 =	simm.s32 $0x200;
	s22 =	simm.s32 $0x100;
	[sflag:s29] =	ssyncset.done $0x0  }
.LBB2_4:
0x145: {  	s26 =	sadd.s32 s22, s25  }
0x146: {  	[sflag:s29] =	ssyncadd.s32 $0xFFFFC400;
	s22 =	smov.u32 s7;
	s23 =	sadd.s32 $0x100, s7  }
0x147: {  	[tilespmem:s30], [sflag:$0x3] =	stream.linear.gather [hbm4b:s26+s5], $0x800, $0x38;
	[tilespmem:$0x1BC00] =	vst v63  }
0x148: {  	p0 =	sne.s32 s7, $0x1400;
	_ =	swait.ge [sflag:s29], $0x800  }
0x149: {  	[sflag:s29] =	ssyncset.done $0x0  }
0x14a: {  	[sflag:s29] =	ssyncadd.s32 $0xFFFFF800  }
0x14b: {  	[tilespmem:s28], [sflag:$0x1] =	stream.indirect.gather [hbm4b:s6+s31], $0x80, s30, s31, $0xb8;
	[tilespmem:$0x1BC00] =	vst v63  }
0x14c: {  	_ = 	snop  }
0x14d: {  	[tilespmem:s15], [sflag:$0x2] =	stream.indirect.gather [hbm4b:s6+s31], $0x80, s14, s31, $0xb8;
	[tilespmem:$0x1BC00] =	vst v63  }
0x14e: {  	_ =	swait.ge [sflag:s16], $0x3C00  }
0x14f: {  	[sflag:s16] =	ssyncset.done $0x0  }
0x150: {  	[sflag:s16] =	ssyncadd.s32 $0xFFFFC400  }
0x151: {  	[spmem:s3] =	stream.indirect.scatter.add.f32 [tilespmem:s28], [sflag:$0x3], $0x80, s0, s31, $0xb8;
	[tilespmem:$0x1BC00] =	vst v63  }
0x152: {  	_ =	swait.ge [sflag:s29], $0x3C00  }
0x153: {  	[sflag:s29] =	ssyncset.done $0x0  }
0x154: {  	[sflag:s29] =	ssyncadd.s32 $0xFFFFC400  }
0x155: {  	[tilespmem:s28], [sflag:$0x1] =	stream.indirect.gather [hbm4b:s6+s31], $0x80, s17, s31, $0xb8;
	[tilespmem:$0x1BC00] =	vst v63  }
0x156: {  	_ =	swait.ge [sflag:s18], $0x3C00  }
0x157: {  	[sflag:s18] =	ssyncset.done $0x0  }
0x158: {  	[sflag:s18] =	ssyncadd.s32 $0xFFFFC400  }
0x159: {  	[spmem:s3] =	stream.indirect.scatter.add.f32 [tilespmem:s15], [sflag:$0x3], $0x80, s4, s31, $0xb8;
	[tilespmem:$0x1BC00] =	vst v63  }
0x15a: {  	_ =	swait.ge [sflag:s29], $0x3C00  }
0x15b: {  	[sflag:s29] =	ssyncset.done $0x0  }
0x15c: {  	[sflag:s29] =	ssyncadd.s32 $0xFFFFC400  }
0x15d: {  	[tilespmem:s15], [sflag:$0x2] =	stream.indirect.gather [hbm4b:s6+s31], $0x80, s19, s31, $0xb8;
	[tilespmem:$0x1BC00] =	vst v63  }
0x15e: {  	_ =	swait.ge [sflag:s16], $0x3C00  }
0x15f: {  	[sflag:s16] =	ssyncset.done $0x0  }
0x160: {  	[sflag:s16] =	ssyncadd.s32 $0xFFFFC400  }
0x161: {  	[spmem:s3] =	stream.indirect.scatter.add.f32 [tilespmem:s28], [sflag:$0x3], $0x80, s2, s31, $0xb8;
	[tilespmem:$0x1BC00] =	vst v63  }
0x162: {  	_ =	swait.ge [sflag:s29], $0x3C00  }
0x163: {  	[sflag:s29] =	ssyncset.done $0x0  }
0x164: {  	[sflag:s29] =	ssyncadd.s32 $0xFFFFC400  }
0x165: {  	[tilespmem:s28], [sflag:$0x1] =	stream.indirect.gather [hbm4b:s6+s31], $0x80, s20, s31, $0xb8;
	[tilespmem:$0x1BC00] =	vst v63  }
0x166: {  	_ =	swait.ge [sflag:s18], $0x3C00  }
0x167: {  	[sflag:s18] =	ssyncset.done $0x0  }
0x168: {  	[sflag:s18] =	ssyncadd.s32 $0xFFFFC400  }
0x169: {  	[spmem:s3] =	stream.indirect.scatter.add.f32 [tilespmem:s15], [sflag:$0x3], $0x80, s1, s31, $0xb8;
	[tilespmem:$0x1BC00] =	vst v63  }
0x16a: {  	_ =	swait.ge [sflag:s29], $0x3C00  }
0x16b: {  	[sflag:s29] =	ssyncset.done $0x0  }
0x16c: {  	[sflag:s29] =	ssyncadd.s32 $0xFFFFC400  }
0x16d: {  	[tilespmem:s15], [sflag:$0x2] =	stream.indirect.gather [hbm4b:s6+s31], $0x80, s21, s31, $0xb8;
	[tilespmem:$0x1BC00] =	vst v63  }
0x16e: {  	_ =	swait.ge [sflag:s16], $0x3C00  }
0x16f: {  	[sflag:s16] =	ssyncset.done $0x0  }
0x170: {  	[sflag:s16] =	ssyncadd.s32 $0xFFFFC400  }
0x171: {  	[spmem:s3] =	stream.indirect.scatter.add.f32 [tilespmem:s28], [sflag:$0x3], $0x80, s10, s31, $0xb8;
	[tilespmem:$0x1BC00] =	vst v63  }
0x172: {  	_ =	swait.ge [sflag:s29], $0x3C00  }
0x173: {  	[sflag:s29] =	ssyncset.done $0x0  }
0x174: {  	[sflag:s29] =	ssyncadd.s32 $0xFFFFC400  }
0x175: {  	[tilespmem:s28], [sflag:$0x1] =	stream.indirect.gather [hbm4b:s6+s31], $0x80, s24, s31, $0xb8;
	[tilespmem:$0x1BC00] =	vst v63  }
0x176: {  	_ =	swait.ge [sflag:s18], $0x3C00  }
0x177: {  	[sflag:s18] =	ssyncset.done $0x0  }
0x178: {  	[sflag:s18] =	ssyncadd.s32 $0xFFFFC400  }
0x179: {  	[spmem:s3] =	stream.indirect.scatter.add.f32 [tilespmem:s15], [sflag:$0x3], $0x80, s11, s31, $0xb8;
	[tilespmem:$0x1BC00] =	vst v63  }
0x17a: {  	_ =	swait.ge [sflag:s29], $0x3C00  }
0x17b: {  	[sflag:s29] =	ssyncset.done $0x0  }
0x17c: {  	[sflag:s29] =	ssyncadd.s32 $0xFFFFC400  }
0x17d: {  	[tilespmem:s15], [sflag:$0x2] =	stream.indirect.gather [hbm4b:s6+s31], $0x80, s8, s31, $0xb8;
	[tilespmem:$0x1BC00] =	vst v63  }
0x17e: {  	_ =	swait.ge [sflag:s16], $0x3C00  }
0x17f: {  	[sflag:s16] =	ssyncset.done $0x0  }
0x180: {  	[sflag:s16] =	ssyncadd.s32 $0xFFFFC400  }
0x181: {  	[spmem:s3] =	stream.indirect.scatter.add.f32 [tilespmem:s28], [sflag:$0x3], $0x80, s12, s31, $0xb8;
	[tilespmem:$0x1BC00] =	vst v63  }
0x182: {  	_ =	swait.ge [sflag:s29], $0x3C00  }
0x183: {  	[sflag:s29] =	ssyncset.done $0x0  }
0x184: {  	[sflag:s29] =	ssyncadd.s32 $0xFFFFC400  }
0x185: {  	_ =	swait.ge [sflag:s18], $0x3C00  }
.Ltmp1:
0x186: {  	[sflag:s18] =	ssyncset.done $0x0;
	(pc) =	sbr.rel @p0 .LBB2_4-.Ltmp1, $4  }
0x187: {  	[sflag:s18] =	ssyncadd.s32 $0xFFFFC400  }
0x188: {  	[spmem:s3] =	stream.indirect.scatter.add.f32 [tilespmem:s15], [sflag:$0x3], $0x80, s13, s31, $0xb8;
	[tilespmem:$0x1BC00] =	vst v63  }
0x189: {  	_ =	swait.ge [sflag:s29], $0x3C00  }
0x18a: {  	s7 =	smov.u32 s23;
	[sflag:s29] =	ssyncset.done $0x0  }
0x18b: {  	s7 =	sadd.s32 s22, s25;
	[sflag:s29] =	ssyncadd.s32 $0xFFFFC400  }
0x18c: {  	[tilespmem:s30], [sflag:$0x3] =	stream.linear.gather [hbm4b:s7+s5], $0x800, $0x38;
	[tilespmem:$0x1BC00] =	vst v63  }
0x18d: {  	_ =	swait.ge [sflag:s29], $0x800  }
0x18e: {  	[sflag:s29] =	ssyncset.done $0x0  }
0x18f: {  	[sflag:s29] =	ssyncadd.s32 $0xFFFFF800  }
0x190: {  	[tilespmem:s28], [sflag:$0x1] =	stream.indirect.gather [hbm4b:s6+s31], $0x80, s30, s31, $0xb8;
	[tilespmem:$0x1BC00] =	vst v63  }
0x191: {  	_ = 	snop  }
0x192: {  	[tilespmem:s15], [sflag:$0x2] =	stream.indirect.gather [hbm4b:s6+s31], $0x80, s14, s31, $0xb8;
	[tilespmem:$0x1BC00] =	vst v63  }
0x193: {  	_ =	swait.ge [sflag:s16], $0x3C00  }
0x194: {  	[sflag:s16] =	ssyncset.done $0x0  }
0x195: {  	[sflag:s16] =	ssyncadd.s32 $0xFFFFC400  }
0x196: {  	[spmem:s3] =	stream.indirect.scatter.add.f32 [tilespmem:s28], [sflag:$0x3], $0x80, s0, s31, $0xb8;
	[tilespmem:$0x1BC00] =	vst v63  }
0x197: {  	_ =	swait.ge [sflag:s29], $0x3C00  }
0x198: {  	[sflag:s29] =	ssyncset.done $0x0  }
0x199: {  	[sflag:s29] =	ssyncadd.s32 $0xFFFFC400  }
0x19a: {  	[tilespmem:s28], [sflag:$0x1] =	stream.indirect.gather [hbm4b:s6+s31], $0x80, s17, s31, $0xb8;
	[tilespmem:$0x1BC00] =	vst v63  }
0x19b: {  	_ =	swait.ge [sflag:s18], $0x3C00  }
0x19c: {  	[sflag:s18] =	ssyncset.done $0x0  }
0x19d: {  	[sflag:s18] =	ssyncadd.s32 $0xFFFFC400  }
0x19e: {  	[spmem:s3] =	stream.indirect.scatter.add.f32 [tilespmem:s15], [sflag:$0x3], $0x80, s4, s31, $0xb8;
	[tilespmem:$0x1BC00] =	vst v63  }
0x19f: {  	_ =	swait.ge [sflag:s29], $0x3C00  }
0x1a0: {  	[sflag:s29] =	ssyncset.done $0x0  }
0x1a1: {  	[sflag:s29] =	ssyncadd.s32 $0xFFFFC400  }
0x1a2: {  	[tilespmem:s15], [sflag:$0x2] =	stream.indirect.gather [hbm4b:s6+s31], $0x80, s19, s31, $0xb8;
	[tilespmem:$0x1BC00] =	vst v63  }
0x1a3: {  	_ =	swait.ge [sflag:s16], $0x3C00  }
0x1a4: {  	[sflag:s16] =	ssyncset.done $0x0  }
0x1a5: {  	[sflag:s16] =	ssyncadd.s32 $0xFFFFC400  }
0x1a6: {  	[spmem:s3] =	stream.indirect.scatter.add.f32 [tilespmem:s28], [sflag:$0x3], $0x80, s2, s31, $0xb8;
	[tilespmem:$0x1BC00] =	vst v63  }
0x1a7: {  	_ =	swait.ge [sflag:s29], $0x3C00  }
0x1a8: {  	[sflag:s29] =	ssyncset.done $0x0  }
0x1a9: {  	[sflag:s29] =	ssyncadd.s32 $0xFFFFC400  }
0x1aa: {  	[tilespmem:s28], [sflag:$0x1] =	stream.indirect.gather [hbm4b:s6+s31], $0x80, s20, s31, $0xb8;
	[tilespmem:$0x1BC00] =	vst v63  }
0x1ab: {  	_ =	swait.ge [sflag:s18], $0x3C00  }
0x1ac: {  	[sflag:s18] =	ssyncset.done $0x0  }
0x1ad: {  	[sflag:s18] =	ssyncadd.s32 $0xFFFFC400  }
0x1ae: {  	[spmem:s3] =	stream.indirect.scatter.add.f32 [tilespmem:s15], [sflag:$0x3], $0x80, s1, s31, $0xb8;
	[tilespmem:$0x1BC00] =	vst v63  }
0x1af: {  	_ =	swait.ge [sflag:s29], $0x3C00  }
0x1b0: {  	[sflag:s29] =	ssyncset.done $0x0  }
0x1b1: {  	[sflag:s29] =	ssyncadd.s32 $0xFFFFC400  }
0x1b2: {  	[tilespmem:s15], [sflag:$0x2] =	stream.indirect.gather [hbm4b:s6+s31], $0x80, s21, s31, $0xb8;
	[tilespmem:$0x1BC00] =	vst v63  }
0x1b3: {  	_ =	swait.ge [sflag:s16], $0x3C00  }
0x1b4: {  	[sflag:s16] =	ssyncset.done $0x0  }
0x1b5: {  	[sflag:s16] =	ssyncadd.s32 $0xFFFFC400  }
0x1b6: {  	[spmem:s3] =	stream.indirect.scatter.add.f32 [tilespmem:s28], [sflag:$0x3], $0x80, s10, s31, $0xb8;
	[tilespmem:$0x1BC00] =	vst v63  }
0x1b7: {  	_ =	swait.ge [sflag:s29], $0x3C00  }
0x1b8: {  	[sflag:s29] =	ssyncset.done $0x0  }
0x1b9: {  	[sflag:s29] =	ssyncadd.s32 $0xFFFFC400  }
0x1ba: {  	[tilespmem:s28], [sflag:$0x1] =	stream.indirect.gather [hbm4b:s6+s31], $0x80, s24, s31, $0xb8;
	[tilespmem:$0x1BC00] =	vst v63  }
0x1bb: {  	_ =	swait.ge [sflag:s18], $0x3C00  }
0x1bc: {  	[sflag:s18] =	ssyncset.done $0x0  }
0x1bd: {  	[sflag:s18] =	ssyncadd.s32 $0xFFFFC400  }
0x1be: {  	[spmem:s3] =	stream.indirect.scatter.add.f32 [tilespmem:s15], [sflag:$0x3], $0x80, s11, s31, $0xb8;
	[tilespmem:$0x1BC00] =	vst v63  }
0x1bf: {  	_ =	swait.ge [sflag:s29], $0x3C00  }
0x1c0: {  	[sflag:s29] =	ssyncset.done $0x0  }
0x1c1: {  	[sflag:s29] =	ssyncadd.s32 $0xFFFFC400  }
0x1c2: {  	[tilespmem:s15], [sflag:$0x2] =	stream.indirect.gather [hbm4b:s6+s31], $0x80, s8, s31, $0xb8;
	[tilespmem:$0x1BC00] =	vst v63  }
0x1c3: {  	_ =	swait.ge [sflag:s16], $0x3C00  }
0x1c4: {  	[sflag:s16] =	ssyncset.done $0x0  }
0x1c5: {  	[sflag:s16] =	ssyncadd.s32 $0xFFFFC400  }
0x1c6: {  	[spmem:s3] =	stream.indirect.scatter.add.f32 [tilespmem:s28], [sflag:$0x3], $0x80, s12, s31, $0xb8;
	[tilespmem:$0x1BC00] =	vst v63  }
0x1c7: {  	_ =	swait.ge [sflag:s29], $0x3C00  }
0x1c8: {  	[sflag:s29] =	ssyncset.done $0x0  }
0x1c9: {  	[sflag:s29] =	ssyncadd.s32 $0xFFFFC400  }
0x1ca: {  	_ =	swait.ge [sflag:s18], $0x3C00  }
0x1cb: {  	[sflag:s18] =	ssyncset.done $0x0  }
0x1cc: {  	[sflag:s18] =	ssyncadd.s32 $0xFFFFC400  }
0x1cd: {  	[spmem:s3] =	stream.indirect.scatter.add.f32 [tilespmem:s15], [sflag:$0x3], $0x80, s13, s31, $0xb8;
	[tilespmem:$0x1BC00] =	vst v63  }
0x1ce: {  	_ =	swait.ge [sflag:s29], $0x3C00  }
0x1cf: {  	[sflag:s29] =	ssyncset.done $0x0  }
0x1d0: {  	[sflag:s29] =	ssyncadd.s32 $0xFFFFC400  }
0x1d1: {  	[bflag:$0x0] =	sbarrier.arrive $0xFFFF  }
0x1d2: {  	s23 =	rddreg [dreg:$0x5]  }
0x1d3: {  	[tilespmem:s28], [sflag:$0x3] =	stream.linear.gather [spmem:s23], $0x3C00, $0x38;
	[tilespmem:$0x1BC00] =	vst v63  }
0x1d4: {  	_ =	swait.ge [sflag:s29], $0x3C00  }
0x1d5: {  	[sflag:s29] =	ssyncset.done $0x0  }
0x1d6: {  	s26 =	rddreg [dreg:$0xe];
	[sflag:s29] =	ssyncadd.s32 $0xFFFFC400  }
0x1d7: {  	[hbm4b:s26+s5] =	stream.linear.scatter [tilespmem:s28], [sflag:$0x3], $0x3C00, $0x38;
	[tilespmem:$0x1BC00] =	vst v63  }
0x1d8: {  	_ =	swait.ge [sflag:s29], $0x3C00  }
0x1d9: {  	[sflag:s29] =	ssyncset.done $0x0  }
0x1da: {  	s9 =	rddreg [dreg:$0x6];
	[sflag:s29] =	ssyncadd.s32 $0xFFFFC400  }
0x1db: {  	[tilespmem:s28], [sflag:$0x3] =	stream.linear.gather [spmem:s9], $0x3C00, $0x38;
	[tilespmem:$0x1BC00] =	vst v63  }
0x1dc: {  	_ =	swait.ge [sflag:s29], $0x3C00  }
0x1dd: {  	[sflag:s29] =	ssyncset.done $0x0  }
0x1de: {  	s22 =	rddreg [dreg:$0xf];
	[sflag:s29] =	ssyncadd.s32 $0xFFFFC400  }
0x1df: {  	[hbm4b:s22+s5] =	stream.linear.scatter [tilespmem:s28], [sflag:$0x3], $0x3C00, $0x38;
	[tilespmem:$0x1BC00] =	vst v63  }
0x1e0: {  	_ =	swait.ge [sflag:s29], $0x3C00  }
0x1e1: {  	[sflag:s29] =	ssyncset.done $0x0  }
0x1e2: {  	s23 =	rddreg [dreg:$0x7];
	[sflag:s29] =	ssyncadd.s32 $0xFFFFC400  }
0x1e3: {  	[tilespmem:s28], [sflag:$0x3] =	stream.linear.gather [spmem:s23], $0x3C00, $0x38;
	[tilespmem:$0x1BC00] =	vst v63  }
0x1e4: {  	_ =	swait.ge [sflag:s29], $0x3C00  }
0x1e5: {  	[sflag:s29] =	ssyncset.done $0x0  }
0x1e6: {  	s26 =	rddreg [dreg:$0x10];
	[sflag:s29] =	ssyncadd.s32 $0xFFFFC400  }
0x1e7: {  	[hbm4b:s26+s5] =	stream.linear.scatter [tilespmem:s28], [sflag:$0x3], $0x3C00, $0x38;
	[tilespmem:$0x1BC00] =	vst v63  }
0x1e8: {  	_ =	swait.ge [sflag:s29], $0x3C00  }
0x1e9: {  	[sflag:s29] =	ssyncset.done $0x0  }
0x1ea: {  	s26 =	rddreg [dreg:$0x14];
	[sflag:s29] =	ssyncadd.s32 $0xFFFFC400  }
0x1eb: {  	[tilespmem:s28], [sflag:$0x3] =	stream.linear.gather [spmem:s26], $0x3C00, $0x38;
	[tilespmem:$0x1BC00] =	vst v63  }
0x1ec: {  	_ =	swait.ge [sflag:s29], $0x3C00  }
0x1ed: {  	[sflag:s29] =	ssyncset.done $0x0  }
0x1ee: {  	s9 =	rddreg [dreg:$0x11];
	[sflag:s29] =	ssyncadd.s32 $0xFFFFC400  }
0x1ef: {  	[hbm4b:s9+s5] =	stream.linear.scatter [tilespmem:s28], [sflag:$0x3], $0x3C00, $0x38;
	[tilespmem:$0x1BC00] =	vst v63  }
0x1f0: {  	_ =	swait.ge [sflag:s29], $0x3C00  }
0x1f1: {  	[sflag:s29] =	ssyncset.done $0x0  }
0x1f2: {  	s9 =	rddreg [dreg:$0x15];
	[sflag:s29] =	ssyncadd.s32 $0xFFFFC400  }
0x1f3: {  	[tilespmem:s28], [sflag:$0x3] =	stream.linear.gather [spmem:s9], $0x3C00, $0x38;
	[tilespmem:$0x1BC00] =	vst v63  }
0x1f4: {  	_ =	swait.ge [sflag:s29], $0x3C00  }
0x1f5: {  	[sflag:s29] =	ssyncset.done $0x0  }
0x1f6: {  	s22 =	rddreg [dreg:$0x12];
	[sflag:s29] =	ssyncadd.s32 $0xFFFFC400  }
0x1f7: {  	[hbm4b:s22+s5] =	stream.linear.scatter [tilespmem:s28], [sflag:$0x3], $0x3C00, $0x38;
	[tilespmem:$0x1BC00] =	vst v63  }
0x1f8: {  	_ =	swait.ge [sflag:s29], $0x3C00  }
0x1f9: {  	[sflag:s29] =	ssyncset.done $0x0  }
0x1fa: {  	s22 =	rddreg [dreg:$0x17];
	[sflag:s29] =	ssyncadd.s32 $0xFFFFC400  }
0x1fb: {  	[tilespmem:s28], [sflag:$0x3] =	stream.linear.gather [spmem:s22], $0x1000, $0x38;
	[tilespmem:$0x1BC00] =	vst v63  }
0x1fc: {  	_ =	swait.ge [sflag:s29], $0x1000  }
0x1fd: {  	[sflag:s29] =	ssyncset.done $0x0  }
0x1fe: {  	s23 =	rddreg [dreg:$0x13];
	[sflag:s29] =	ssyncadd.s32 $0xFFFFF000  }
0x1ff: {  	[hbm4b:s23+s5] =	stream.linear.scatter [tilespmem:s28], [sflag:$0x3], $0x1000, $0x38;
	[tilespmem:$0x1BC00] =	vst v63  }
0x200: {  	_ =	swait.ge [sflag:s29], $0x1000  }
0x201: {  	s23 =	rddreg [dreg:$0x18]  }
0x202: {  	s7 =	rddreg [dreg:$0x16];
	s23 =	sadd.s32 $0x1, s23  }
0x203: {  	p0 =	sne.s32 s23, s7  }
.Ltmp2:
0x204: {  	_ = 	snop;
	(pc) =	sbr.rel @p0 .LBB2_1-.Ltmp2, $3  }
0x205: {  	_ =	sdelay $0x1  }
0x206: {  	[sflag:s29] =	ssyncset.done $0x0;
	[dreg:$0x18] =	wrdreg s23  }
0x207: {  	[sflag:s29] =	ssyncadd.s32 $0xFFFFF000;
	s23 =	smov.u32 s26;
	s26 =	rddreg [dreg:$0x5]  }
0x208: {  	_ =	sfence.sel $0x180000  }
0x209: {  	[bflag:$0x0] =	sbarrier.arrive $0xFFFF  }
0x20a: {  	_ =	strace $0x90000047  }
0x20b: {  	s0 =	stileid.u32;
	[bflag:$0x2] =	sbarrier.arrive $0xFFFF  }
0x20c: {  	p0 =	sne.s32 s0, $0x0;
	s0 =	rddreg [dreg:$0x4]  }
0x20d: {  	s0 =	sadd.s32 @!p0 $0x100000, s0  }
0x20e: {  	[sflag:s0] =	ssyncadd.tile.s32 @!p0 $0x1;
	_ =	shalt  }
.Lfunc_end2:
_tile_overlayer_lowered:
.L_overlay_start_2:
0x20f: {  	(tag) =	ssettag $0x2  }
0x210: {  	s0 =	rddreg [dreg:$0x0];
	s2 =	stileid.u32  }
0x211: {  	s1 =	rddreg [dreg:$0x1];
	p0 =	sne.s32 s2, $0x0  }
0x212: {  	s3 =	rddreg [dreg:$0x2];
	[bflag:$0x3] =	sbarrier.arrive $0xFFFF;
	s2 =	simm.s32 @!p0 $0x1C03  }
0x213: {  	[timem:s3], [sflag:s2] =	dma.local @!p0 [hbm:s0], s1  }
0x214: {  	s0 =	simm.s32 @!p0 $0x3  }
0x215: {  	_ =	swait.ge @!p0 [sflag:s0], s1  }
0x216: {  	s1 =	ssub.s32 @!p0 $0x0, s1;
	[sflag:s0] =	ssyncset.done @!p0 $0x0  }
0x217: {  	[sflag:s0] =	ssyncadd.s32 @!p0 s1  }
0x218: {  	[bflag:$0x3] =	sbarrier.arrive $0xFFFF  }
0x219: {  	_ =	shalt  }

// kernel: kernel.9.cloned.1.call-start
scs
__scs_entry_jumppad:
0x0: {  	(pc) =	sbr.rel $0x88, $3  }
0x1: {  	(tag) =	ssettag $0x0;
	lr =	simm.s32 $0x1  }
0x2: {  	[smem:$0x3F91] =	sst lr;
	_ =	strace $0xD0000000  }
0x3: {  	_ = 	snop  }
0x4: {  	_ = 	snop  }
0x5: {  	_ = 	snop  }
0x6: {  	_ = 	snop  }
0x7: {  	_ = 	snop  }
__scs_overlays_trampoline_lowered:
0x8: {  	[smem:$0x3FA0] =	sst s0  }
0x9: {  	[smem:$0x3FA1] =	sst s1  }
0xa: {  	[smem:$0x3FA2] =	sst s2  }
0xb: {  	[smem:$0x3FA3] =	sst s3  }
0xc: {  	[smem:$0x3FA4] =	sst s4  }
0xd: {  	[smem:$0x3FA5] =	sst s5  }
0xe: {  	[smem:$0x3FA6] =	sst s6  }
0xf: {  	[smem:$0x3FA7] =	sst s7  }
0x10: {  	[smem:$0x3FA8] =	sst s8  }
0x11: {  	[smem:$0x3FA9] =	sst s9;
	s0 =	simm.s32 @!p0 $0x0  }
0x12: {  	s1 =	sld [smem:$0x3F8F];
	s0 =	simm.s32 @p0 $0x1  }
0x13: {  	[smem:$0x3FAA] =	sst s0;
	s0 =	simm.s32 @!p1 $0x0  }
0x14: {  	s2 =	sld [smem:$0x3F8E];
	s0 =	simm.s32 @p1 $0x1  }
0x15: {  	[smem:$0x3FAB] =	sst s0;
	s0 =	simm.s32 @!p2 $0x0  }
0x16: {  	s3 =	sld [smem:$0x3FDB];
	s0 =	simm.s32 @p2 $0x1  }
0x17: {  	s4 =	simm.s32 $0x1BF5;
	[smem:$0x3FAD] =	sst s0  }
0x18: {  	s0 =	sld [smem:$0x3F90];
	_ =	swait.ge [sflag:s4], $0x0  }
0x19: {  	s7 =	sld [smem:$0x3F91]  }
0x1a: {  	s8 =	sadd.s32 $0xFFFFE003, lr  }
0x1b: {  	s9 =	sadd.s32 $0xFFFFFEF7, lr;
	s5 =	simm.s32 $0xFFFFFFFF;
	p2 =	slt.u32 s8, $0xFFFFF086  }
0x1c: {  	p1 =	slt.u32 s9, $0xF7A;
	s5 =	simm.s32 @!p2 $0x0  }
0x1d: {  	s5 =	simm.s32 @p1 $0x1;
	p0 =	seq.s32 s7, s2  }
0x1e: {  	s7 =	smul.u32 @!p0 $0xF7A, s2;
	p2 =	seq.s32 @!p0 s5, $0x0  }
0x1f: {  	s9 =	smul.u32 $0xF7A, s1;
	s8 =	simm.s32 @!p0 $0x1BF5;
	p2 =	por !p2, p0  }
0x20: {  	[sflag:s8] =	ssyncset.s32 @!p0 $0xFFFFF086;
	s6 =	sadd.s32 @!p0 s3, s7;
	s7 =	simm.s32 @!p0 $0x108  }
0x21: {  	s3 =	sadd.s32 s3, s9;
	s6 =	sadd.s32 @!p0 $0x88, s6;
	s7 =	simm.s32 @p2 $0x1082  }
0x22: {  	[simem:s7], [sflag:s8] =	dma.local @!p0 [hbm:s6], $0xF7A  }
0x23: {  	s9 =	sor.u32 $0xD0000000, s2;
	s6 =	simm.s32 $0x108;
	_ =	swait.ge @!p0 [sflag:s8], $0x0  }
0x24: {  	s3 =	sadd.s32 $0x88, s3;
	s6 =	simm.s32 @!p1 $0x1082;
	[sflag:s4] =	ssyncset.s32 $0xFFFFF086  }
0x25: {  	[simem:s6], [sflag:s4] =	dma.local [hbm:s3], $0xF7A  }
0x26: {  	[smem:$0x3F91] =	sst s1;
	(tag) =	ssettag s2;
	_ =	strace s9  }
0x27: {  	s1 =	sld [smem:$0x3FA1]  }
0x28: {  	s2 =	sld [smem:$0x3FA2]  }
0x29: {  	s4 =	sld [smem:$0x3FA4]  }
0x2a: {  	p0 =	seq.s32 s5, $0x0;
	s5 =	sld [smem:$0x3FA5]  }
0x2b: {  	s6 =	sld [smem:$0x3FA6]  }
0x2c: {  	s7 =	sld [smem:$0x3FA7]  }
0x2d: {  	s3 =	simm.s32 $0x108;
	s8 =	sld [smem:$0x3FA8]  }
0x2e: {  	s3 =	simm.s32 @!p0 $0x1082;
	s9 =	sld [smem:$0x3FA9]  }
0x2f: {  	lr =	sadd.s32 s0, s3;
	s0 =	sld [smem:$0x3FA0]  }
0x30: {  	s3 =	sld [smem:$0x3FA3]  }
0x31: {  	[smem:$0x3FAC] =	sst s10  }
0x32: {  	s10 =	sld [smem:$0x3FAA];
	_ =	sdelay $0x3  }
0x33: {  	p0 =	seq.s32 s10, $0x1;
	s10 =	sld [smem:$0x3FAC];
	_ =	sdelay $0x3  }
0x34: {  	[smem:$0x3FAC] =	sst s10  }
0x35: {  	s10 =	sld [smem:$0x3FAB];
	_ =	sdelay $0x3  }
0x36: {  	p1 =	seq.s32 s10, $0x1;
	s10 =	sld [smem:$0x3FAC];
	_ =	sdelay $0x3  }
0x37: {  	[smem:$0x3FAC] =	sst s10  }
0x38: {  	s10 =	sld [smem:$0x3FAD]  }
0x39: {  	_ = 	snop;
	(pc) =	sbr.ind lr, $3  }
0x3a: {  	_ = 	snop  }
0x3b: {  	_ = 	snop  }
0x3c: {  	p2 =	seq.s32 s10, $0x1;
	s10 =	sld [smem:$0x3FAC]  }
0x3d: {  	_ =	shalt  }
0x3e: {  	_ =	shalt  }
0x3f: {  	_ =	shalt  }
0x40: {  	_ =	shalt  }
0x41: {  	_ =	shalt  }
0x42: {  	_ =	shalt  }
0x43: {  	_ =	shalt  }
0x44: {  	_ =	shalt  }
0x45: {  	_ =	shalt  }
0x46: {  	_ =	shalt  }
0x47: {  	_ =	shalt  }
0x48: {  	_ =	shalt  }
0x49: {  	_ =	shalt  }
0x4a: {  	_ =	shalt  }
0x4b: {  	_ =	shalt  }
0x4c: {  	_ =	shalt  }
0x4d: {  	_ =	shalt  }
0x4e: {  	_ =	shalt  }
0x4f: {  	_ =	shalt  }
0x50: {  	_ =	shalt  }
0x51: {  	_ =	shalt  }
0x52: {  	_ =	shalt  }
0x53: {  	_ =	shalt  }
0x54: {  	_ =	shalt  }
0x55: {  	_ =	shalt  }
0x56: {  	_ =	shalt  }
0x57: {  	_ =	shalt  }
0x58: {  	_ =	shalt  }
0x59: {  	_ =	shalt  }
0x5a: {  	_ =	shalt  }
0x5b: {  	_ =	shalt  }
0x5c: {  	_ =	shalt  }
0x5d: {  	_ =	shalt  }
0x5e: {  	_ =	shalt  }
0x5f: {  	_ =	shalt  }
0x60: {  	_ =	shalt  }
0x61: {  	_ =	shalt  }
0x62: {  	_ =	shalt  }
0x63: {  	_ =	shalt  }
0x64: {  	_ =	shalt  }
0x65: {  	_ =	shalt  }
0x66: {  	_ =	shalt  }
0x67: {  	_ =	shalt  }
0x68: {  	_ =	shalt  }
0x69: {  	_ =	shalt  }
0x6a: {  	_ =	shalt  }
0x6b: {  	_ =	shalt  }
0x6c: {  	_ =	shalt  }
0x6d: {  	_ =	shalt  }
0x6e: {  	_ =	shalt  }
0x6f: {  	_ =	shalt  }
0x70: {  	_ =	shalt  }
0x71: {  	_ =	shalt  }
0x72: {  	_ =	shalt  }
0x73: {  	_ =	shalt  }
0x74: {  	_ =	shalt  }
0x75: {  	_ =	shalt  }
0x76: {  	_ =	shalt  }
0x77: {  	_ =	shalt  }
0x78: {  	_ =	shalt  }
0x79: {  	_ =	shalt  }
0x7a: {  	_ =	shalt  }
0x7b: {  	_ =	shalt  }
0x7c: {  	_ =	shalt  }
0x7d: {  	_ =	shalt  }
0x7e: {  	_ =	shalt  }
0x7f: {  	_ =	shalt  }
0x80: {  	_ =	shalt  }
0x81: {  	_ =	shalt  }
0x82: {  	_ =	shalt  }
0x83: {  	_ =	shalt  }
0x84: {  	_ =	shalt  }
0x85: {  	_ =	shalt  }
0x86: {  	_ =	shalt  }
0x87: {  	_ =	shalt  }
.Lfunc_end0:
.L_simem_size_0:
called_computation.1_lowered:
.L_overlay_start_0:
0x88: {  	s2 =	sld [smem:$0x3FD9]  }
0x89: {  	s3 =	sld [smem:$0x3FFE];
	_ =	sdelay $0x1  }
0x8a: {  	s1 =	srdreg.scid  }
0x8b: {  	s0 =	sand.u32 $0x1, s1  }
0x8c: {  	s14 =	sshll.u32 s0, $0xA;
	s2 =	sadd.s32 s3, s2  }
0x8d: {  	s2 =	sadd.s32 s2, s14  }
0x8e: {  	[smem:$0x3FB8] =	sst s2  }
0x8f: {  	_ = 	snop  }
0x90: {  	s2 =	sld [smem:$0x3FD0];
	_ =	sdelay $0x2  }
0x91: {  	s15 =	simm.s32 $0xA;
	s4 =	simm.s32 $0x10  }
0x92: {  	[smem:s4], [sflag:s15] =	dma.local [hbm:s2], $0x1  }
0x93: {  	_ =	swait.eq [sflag:s15], $0x1  }
0x94: {  	[sflag:s15] =	ssyncset.done $0x0  }
0x95: {  	[sflag:s15] =	ssyncadd.s32 $0xFFFFFFFF  }
0x96: {  	s16 =	sld [smem:$0x10];
	(tm) =	ssettm $0x1  }
0x97: {  	s17 =	sld [smem:$0x3FFB];
	_ =	sdelay $0x3  }
0x98: {  	_ =	strace s17  }
0x99: {  	s3 =	sld [smem:$0x3FFC];
	_ =	sdelay $0x3  }
0x9a: {  	_ =	strace s3  }
0x9b: {  	s3 =	sld [smem:$0x3FFD];
	_ =	sdelay $0x3  }
0x9c: {  	_ =	strace s3  }
0x9d: {  	_ =	strace $0x8FFFFFFF  }
0x9e: {  	s18 =	sld [smem:$0x3FDB];
	_ =	sdelay $0x1  }
0x9f: {  	s19 =	simm.s32 $_scs_section_size  }
0xa0: {  	s5 =	simm.s32 $_size__tile_overlayer_lowered;
	s6 =	simm.s32 $_tile_overlayer_lowered  }
0xa1: {  	s22 =	simm.s32 $0x1BFF;
	s21 =	sshll.u32 s6, $0x1;
	s3 =	sadd.s32 s19, s18  }
0xa2: {  	s7 =	simm.s32 $0x0;
	s20 =	sshll.u32 s5, $0x1;
	s5 =	sadd.s32 s21, s3  }
0xa3: {  	[timem:s7], [sflag:s22] =	dma.local [hbm:s5], s20  }
0xa4: {  	_ =	swait.ge [sflag:s22], s20  }
0xa5: {  	s4 =	ssub.s32 $0x0, s20;
	[sflag:s22] =	ssyncset.done $0x0  }
0xa6: {  	[sflag:s22] =	ssyncadd.s32 s4;
	_ =	sdelay $0x1  }
0xa7: {  	s23 =	simm.s32 $0x1B8B  }
0xa8: {  	_ =	swait.ge [sflag:s23], $0x1  }
0xa9: {  	[sflag:s23] =	ssyncset.done $0x0  }
0xaa: {  	s25 =	simm.s32 $0x1B8E;
	s24 =	sld [smem:$0x3FFE];
	[sflag:s23] =	ssyncadd.s32 $0xFFFFFFFF  }
0xab: {  	s26 =	simm.s32 $execute0_lowered;
	[smem:$0x3FD2] =	sst s25  }
0xac: {  	s5 =	sshll.u32 s26, $0x1;
	_ =	strace $0x80000049;
	[dreg:$0x1] =	wrdreg $0xFFFFFFFF  }
0xad: {  	s28 =	simm.s32 $_size_execute0_lowered;
	s3 =	sadd.s32 s3, s5;
	[dreg:$0x0] =	wrdreg $0x0  }
0xae: {  	s5 =	sshll.u32 s28, $0x1;
	[dreg:$0x2] =	wrdreg s3  }
0xaf: {  	[dreg:$0x3] =	wrdreg s5  }
0xb0: {  	[dreg:$0x4] =	wrdreg $0xC0  }
0xb1: {  	_ =	task [dreg:s7], $0x5FFFF  }
0xb2: {  	[dreg:$0x1] =	wrdreg $0xFFFFFFFF  }
0xb3: {  	[dreg:$0x0] =	wrdreg $0x60  }
0xb4: {  	[dreg:$0x2] =	wrdreg s24  }
0xb5: {  	[dreg:$0x3] =	wrdreg s16  }
0xb6: {  	[dreg:$0x4] =	wrdreg $0x0  }
0xb7: {  	[dreg:$0x5] =	wrdreg $0x9  }
0xb8: {  	_ =	task.clear_ibuf [dreg:s7], $0x6FFFF;
	_ =	strace $0x90000049  }
0xb9: {  	s29 =	simm.s32 $0x9;
	_ =	strace $0x8000004B  }
0xba: {  	_ =	swait.ge [sflag:s29], $0x1  }
0xbb: {  	[sflag:s29] =	ssyncadd.s32 $0xFFFFFFFF  }
0xbc: {  	_ =	strace $0x9000004B  }
0xbd: {  	_ =	sfence  }
0xbe: {  	s30 =	sld [smem:$0x0];
	_ =	sdelay $0x2  }
0xbf: {  	s31 =	sshll.u32 s1, $0xD;
	s1 =	sshrl.u32 s1, $0x2  }
0xc0: {  	s3 =	sand.u32 $0x4000, s31;
	s1 =	sadd.s32 s1, s30  }
0xc1: {  	s0 =	sor.u32 s3, s0;
	s1 =	sshll.u32 s1, $0x11  }
0xc2: {  	s0 =	sor.u32 s1, s0  }
0xc3: {  	s0 =	sadd.s32 $0x8F2B, s0  }
0xc4: {  	[sflag:s0] =	ssyncadd.remote.s32 $0x1  }
0xc5: {  	_ =	sfence.sel $0xFFFF  }
0xc6: {  	[dreg:$0x0] =	wrdreg $0xFFFFFFFF;
	(pc) =	sbr.abs _section_cstart, $3  }
0xc7: {  	[dreg:$0x1] =	wrdreg $0xFFFFFFFF  }
0xc8: {  	_ =	task.clear_ibuf [dreg:s7], $0x2FFFF;
	_ =	strace $0x9FFFFFFF  }
0xc9: {  	(tm) =	ssettm $0x7FFFFFFF  }
tec
execute0_lowered:
.L_overlay_start_1:
0x0: {  	(tag) =	ssettag $0x1  }
0x1: {  	s0 =	rddreg [dreg:$0x0]  }
0x2: {  	s1 =	srdreg.scid;
	s3 =	rddreg [dreg:$0x2]  }
0x3: {  	s9 =	stileid.u32;
	s4 =	simm.s32 $0x0;
	s28 =	simm.s32 $0x14000  }
0x4: {  	s29 =	simm.s32 $0x13D00;
	s30 =	simm.s32 $0x2;
	s6 =	smul.u32 $0x278, s9  }
0x5: {  	s31 =	simm.s32 $0x14080;
	s12 =	simm.s32 $0x14180;
	s8 =	smul.u32 $0x4F000, s9  }
0x6: {  	s13 =	simm.s32 $0x13E80;
	s1 =	sand.u32 $0x1, s1;
	s21 =	smul.u32 $0x1500, s9  }
0x7: {  	s14 =	simm.s32 $0x14200;
	s15 =	simm.s32 $0x13F00;
	s2 =	smul.u32 $0x15000, s1  }
0x8: {  	[smem:$0x7FF] =	sst s4;
	s5 =	sadd.s32 $0x2D200, s0;
	s7 =	smul.u32 $0x2780, s1  }
0x9: {  	_ =	strace $0x8000004A;
	s1 =	ssub.s32 $0x2, s1;
	s16 =	sshrl.u32 s8, $0x2  }
0xa: {  	s17 =	sshrl.u32 s1, $0x1;
	s6 =	sadd.s32 s6, s7;
	s7 =	sadd.s32 s16, s3  }
0xb: {  	s1 =	ssub.s32 s1, s17;
	s10 =	sadd.s32 $0xB400, s7;
	[dreg:$0x4] =	wrdreg s7  }
0xc: {  	s2 =	sadd.s32 s2, s0;
	s25 =	smax.u32 s1, $0x1;
	[dreg:$0x7] =	wrdreg s10  }
0xd: {  	s6 =	sshll.u32 s6, $0x4;
	s8 =	sadd.s32 $0x3C00, s7;
	[dreg:$0x10] =	wrdreg s25  }
0xe: {  	s18 =	sadd.s32 $0x7800, s7;
	s11 =	sadd.s32 $0x12C00, s7;
	[dreg:$0x5] =	wrdreg s8  }
0xf: {  	s0 =	sadd.s32 s6, s0;
	s6 =	simm.s32 $0x0;
	[dreg:$0x9] =	wrdreg s11  }
0x10: {  	s16 =	simm.s32 $0x14280;
	s9 =	smov.u32 s18;
	[dreg:$0x11] =	wrdreg s6  }
0x11: {  	s17 =	simm.s32 $0x13F80;
	s10 =	sadd.s32 $0xF000, s7;
	[dreg:$0x6] =	wrdreg s9  }
0x12: {  	s26 =	sadd.s32 s21, s2;
	s19 =	sadd.s32 $0x7C200, s0;
	[dreg:$0x8] =	wrdreg s10  }
0x13: {  	s21 =	simm.s32 $0x3;
	s20 =	sadd.s32 $0x7C980, s0;
	[dreg:$0xa] =	wrdreg s19  }
0x14: {  	s2 =	simm.s32 $0x14100;
	s22 =	sadd.s32 $0x7D100, s0;
	[dreg:$0xb] =	wrdreg s20  }
0x15: {  	s1 =	simm.s32 $0x13E00;
	s23 =	sadd.s32 $0x7D880, s0;
	[dreg:$0xc] =	wrdreg s22  }
0x16: {  	s25 =	simm.s32 $0x18000;
	s24 =	sadd.s32 $0x7E000, s0;
	[dreg:$0xd] =	wrdreg s23  }
0x17: {  	s18 =	simm.s32 $0x14300;
	s0 =	sadd.s32 $0x7E780, s0;
	[dreg:$0xe] =	wrdreg s24  }
0x18: {  	s7 =	simm.s32 $0x14380;
	[dreg:$0xf] =	wrdreg s0;
	s19 =	sadd.s32 $0x3200, s26  }
0x19: {  	s20 =	simm.s32 $0x14400;
	s22 =	simm.s32 $0x13C00;
	s23 =	simm.s32 $0x78  }
0x1a: {  	s24 =	simm.s32 $0x13C80;
	s26 =	simm.s32 $0x1;
	s0 =	simm.s32 $0x13D80  }
.LBB2_1:
0x1b: {  	s6 =	rddreg [dreg:$0x1]  }
0x1c: {  	[tilespmem:s20], [sflag:$0x3] =	stream.linear.gather [hbm4b:s6+s4], $0x3C00, $0x38;
	[tilespmem:$0x1BC00] =	vst v63  }
0x1d: {  	_ =	swait.ge [sflag:s21], $0x3C00  }
0x1e: {  	[sflag:s21] =	ssyncset.done $0x0  }
0x1f: {  	s6 =	rddreg [dreg:$0x4];
	[sflag:s21] =	ssyncadd.s32 $0xFFFFC400  }
0x20: {  	[spmem:s6] =	stream.linear.scatter [tilespmem:s20], [sflag:$0x3], $0x3C00, $0x38;
	[tilespmem:$0x1BC00] =	vst v63  }
0x21: {  	_ =	swait.ge [sflag:s21], $0x3C00  }
0x22: {  	[sflag:s21] =	ssyncset.done $0x0  }
0x23: {  	[sflag:s21] =	ssyncadd.s32 $0xFFFFC400  }
0x24: {  	[spmem:s8] =	stream.linear.scatter [tilespmem:s20], [sflag:$0x3], $0x3C00, $0x38;
	[tilespmem:$0x1BC00] =	vst v63  }
0x25: {  	_ =	swait.ge [sflag:s21], $0x3C00  }
0x26: {  	[sflag:s21] =	ssyncset.done $0x0  }
0x27: {  	[sflag:s21] =	ssyncadd.s32 $0xFFFFC400  }
0x28: {  	[spmem:s9] =	stream.linear.scatter [tilespmem:s20], [sflag:$0x3], $0x3C00, $0x38;
	[tilespmem:$0x1BC00] =	vst v63  }
0x29: {  	_ =	swait.ge [sflag:s21], $0x3C00  }
0x2a: {  	[sflag:s21] =	ssyncset.done $0x0  }
0x2b: {  	s9 =	rddreg [dreg:$0x7];
	[sflag:s21] =	ssyncadd.s32 $0xFFFFC400  }
0x2c: {  	[spmem:s9] =	stream.linear.scatter [tilespmem:s20], [sflag:$0x3], $0x3C00, $0x38;
	[tilespmem:$0x1BC00] =	vst v63  }
0x2d: {  	_ =	swait.ge [sflag:s21], $0x3C00  }
0x2e: {  	[sflag:s21] =	ssyncset.done $0x0  }
0x2f: {  	[sflag:s21] =	ssyncadd.s32 $0xFFFFC400  }
0x30: {  	[spmem:s10] =	stream.linear.scatter [tilespmem:s20], [sflag:$0x3], $0x3C00, $0x38;
	[tilespmem:$0x1BC00] =	vst v63  }
0x31: {  	_ =	swait.ge [sflag:s21], $0x3C00  }
0x32: {  	[sflag:s21] =	ssyncset.done $0x0  }
0x33: {  	[sflag:s21] =	ssyncadd.s32 $0xFFFFC400  }
0x34: {  	[spmem:s11] =	stream.linear.scatter [tilespmem:s20], [sflag:$0x3], $0x1000, $0x38;
	[tilespmem:$0x1BC00] =	vst v63  }
0x35: {  	_ =	swait.ge [sflag:s21], $0x1000  }
0x36: {  	[sflag:s21] =	ssyncset.done $0x0  }
0x37: {  	[sflag:s21] =	ssyncadd.s32 $0xFFFFF000  }
0x38: {  	s11 =	sadd.s32 $0x0, s19;
	[bflag:$0x0] =	sbarrier.arrive $0xFFFF  }
0x39: {  	[tilespmem:s22], [sflag:$0x3] =	stream.linear.gather [hbm4b:s11+s4], $0x800, $0x38;
	[tilespmem:$0x1BC00] =	vst v63  }
0x3a: {  	_ =	swait.ge [sflag:s21], $0x800  }
0x3b: {  	[sflag:s21] =	ssyncset.done $0x0  }
0x3c: {  	[sflag:s21] =	ssyncadd.s32 $0xFFFFF800  }
0x3d: {  	[tilespmem:s20], [sflag:$0x1] =	stream.indirect.gather [hbm4b:s5+s23], $0x80, s22, s23, $0xb8;
	[tilespmem:$0x1BC00] =	vst v63  }
0x3e: {  	_ = 	snop  }
0x3f: {  	[tilespmem:s25], [sflag:$0x2] =	stream.indirect.gather [hbm4b:s5+s23], $0x80, s24, s23, $0xb8;
	[tilespmem:$0x1BC00] =	vst v63  }
0x40: {  	_ =	swait.ge [sflag:s26], $0x3C00  }
0x41: {  	[sflag:s26] =	ssyncset.done $0x0  }
0x42: {  	[sflag:s26] =	ssyncadd.s32 $0xFFFFC400  }
0x43: {  	[spmem:s3] =	stream.indirect.scatter.add.f32 [tilespmem:s20], [sflag:$0x3], $0x80, s28, s23, $0xb8;
	[tilespmem:$0x1BC00] =	vst v63  }
0x44: {  	_ =	swait.ge [sflag:s21], $0x3C00  }
0x45: {  	[sflag:s21] =	ssyncset.done $0x0  }
0x46: {  	[sflag:s21] =	ssyncadd.s32 $0xFFFFC400  }
0x47: {  	[tilespmem:s20], [sflag:$0x1] =	stream.indirect.gather [hbm4b:s5+s23], $0x80, s29, s23, $0xb8;
	[tilespmem:$0x1BC00] =	vst v63  }
0x48: {  	_ =	swait.ge [sflag:s30], $0x3C00  }
0x49: {  	[sflag:s30] =	ssyncset.done $0x0  }
0x4a: {  	[sflag:s30] =	ssyncadd.s32 $0xFFFFC400  }
0x4b: {  	[spmem:s3] =	stream.indirect.scatter.add.f32 [tilespmem:s25], [sflag:$0x3], $0x80, s31, s23, $0xb8;
	[tilespmem:$0x1BC00] =	vst v63  }
0x4c: {  	_ =	swait.ge [sflag:s21], $0x3C00  }
0x4d: {  	[sflag:s21] =	ssyncset.done $0x0  }
0x4e: {  	[sflag:s21] =	ssyncadd.s32 $0xFFFFC400  }
0x4f: {  	[tilespmem:s25], [sflag:$0x2] =	stream.indirect.gather [hbm4b:s5+s23], $0x80, s0, s23, $0xb8;
	[tilespmem:$0x1BC00] =	vst v63  }
0x50: {  	_ =	swait.ge [sflag:s26], $0x3C00  }
0x51: {  	[sflag:s26] =	ssyncset.done $0x0  }
0x52: {  	[sflag:s26] =	ssyncadd.s32 $0xFFFFC400  }
0x53: {  	[spmem:s3] =	stream.indirect.scatter.add.f32 [tilespmem:s20], [sflag:$0x3], $0x80, s2, s23, $0xb8;
	[tilespmem:$0x1BC00] =	vst v63  }
0x54: {  	_ =	swait.ge [sflag:s21], $0x3C00  }
0x55: {  	[sflag:s21] =	ssyncset.done $0x0  }
0x56: {  	[sflag:s21] =	ssyncadd.s32 $0xFFFFC400  }
0x57: {  	[tilespmem:s20], [sflag:$0x1] =	stream.indirect.gather [hbm4b:s5+s23], $0x80, s1, s23, $0xb8;
	[tilespmem:$0x1BC00] =	vst v63  }
0x58: {  	_ =	swait.ge [sflag:s30], $0x3C00  }
0x59: {  	[sflag:s30] =	ssyncset.done $0x0  }
0x5a: {  	[sflag:s30] =	ssyncadd.s32 $0xFFFFC400  }
0x5b: {  	[spmem:s3] =	stream.indirect.scatter.add.f32 [tilespmem:s25], [sflag:$0x3], $0x80, s12, s23, $0xb8;
	[tilespmem:$0x1BC00] =	vst v63  }
0x5c: {  	_ =	swait.ge [sflag:s21], $0x3C00  }
0x5d: {  	[sflag:s21] =	ssyncset.done $0x0  }
0x5e: {  	[sflag:s21] =	ssyncadd.s32 $0xFFFFC400  }
0x5f: {  	[tilespmem:s25], [sflag:$0x2] =	stream.indirect.gather [hbm4b:s5+s23], $0x80, s13, s23, $0xb8;
	[tilespmem:$0x1BC00] =	vst v63  }
0x60: {  	_ =	swait.ge [sflag:s26], $0x3C00  }
0x61: {  	[sflag:s26] =	ssyncset.done $0x0  }
0x62: {  	[sflag:s26] =	ssyncadd.s32 $0xFFFFC400  }
0x63: {  	[spmem:s3] =	stream.indirect.scatter.add.f32 [tilespmem:s20], [sflag:$0x3], $0x80, s14, s23, $0xb8;
	[tilespmem:$0x1BC00] =	vst v63  }
0x64: {  	_ =	swait.ge [sflag:s21], $0x3C00  }
0x65: {  	[sflag:s21] =	ssyncset.done $0x0  }
0x66: {  	[sflag:s21] =	ssyncadd.s32 $0xFFFFC400  }
0x67: {  	[tilespmem:s20], [sflag:$0x1] =	stream.indirect.gather [hbm4b:s5+s23], $0x80, s15, s23, $0xb8;
	[tilespmem:$0x1BC00] =	vst v63  }
0x68: {  	_ =	swait.ge [sflag:s30], $0x3C00  }
0x69: {  	[sflag:s30] =	ssyncset.done $0x0  }
0x6a: {  	[sflag:s30] =	ssyncadd.s32 $0xFFFFC400  }
0x6b: {  	[spmem:s3] =	stream.indirect.scatter.add.f32 [tilespmem:s25], [sflag:$0x3], $0x80, s16, s23, $0xb8;
	[tilespmem:$0x1BC00] =	vst v63  }
0x6c: {  	_ =	swait.ge [sflag:s21], $0x3C00  }
0x6d: {  	[sflag:s21] =	ssyncset.done $0x0  }
0x6e: {  	[sflag:s21] =	ssyncadd.s32 $0xFFFFC400  }
0x6f: {  	[tilespmem:s25], [sflag:$0x2] =	stream.indirect.gather [hbm4b:s5+s23], $0x80, s17, s23, $0xb8;
	[tilespmem:$0x1BC00] =	vst v63  }
0x70: {  	_ =	swait.ge [sflag:s26], $0x3C00  }
0x71: {  	[sflag:s26] =	ssyncset.done $0x0  }
0x72: {  	[sflag:s26] =	ssyncadd.s32 $0xFFFFC400  }
0x73: {  	[spmem:s3] =	stream.indirect.scatter.add.f32 [tilespmem:s20], [sflag:$0x3], $0x80, s18, s23, $0xb8;
	[tilespmem:$0x1BC00] =	vst v63  }
0x74: {  	_ =	swait.ge [sflag:s21], $0x3C00  }
0x75: {  	[sflag:s21] =	ssyncset.done $0x0  }
0x76: {  	[sflag:s21] =	ssyncadd.s32 $0xFFFFC400  }
0x77: {  	_ =	swait.ge [sflag:s30], $0x3C00  }
0x78: {  	[sflag:s30] =	ssyncset.done $0x0  }
0x79: {  	[sflag:s30] =	ssyncadd.s32 $0xFFFFC400  }
0x7a: {  	[spmem:s3] =	stream.indirect.scatter.add.f32 [tilespmem:s25], [sflag:$0x3], $0x80, s7, s23, $0xb8;
	[tilespmem:$0x1BC00] =	vst v63  }
0x7b: {  	_ =	swait.ge [sflag:s21], $0x3C00  }
0x7c: {  	s9 =	simm.s32 $0x100;
	s10 =	simm.s32 $0x200;
	[sflag:s21] =	ssyncset.done $0x0  }
.LBB2_2:
0x7d: {  	s6 =	sadd.s32 s9, s19  }
0x7e: {  	[sflag:s21] =	ssyncadd.s32 $0xFFFFC400;
	s9 =	smov.u32 s10;
	s11 =	sadd.s32 $0x100, s10  }
0x7f: {  	[tilespmem:s22], [sflag:$0x3] =	stream.linear.gather [hbm4b:s6+s4], $0x800, $0x38;
	[tilespmem:$0x1BC00] =	vst v63  }
0x80: {  	p0 =	sne.s32 s10, $0x1400;
	_ =	swait.ge [sflag:s21], $0x800  }
0x81: {  	[sflag:s21] =	ssyncset.done $0x0  }
0x82: {  	[sflag:s21] =	ssyncadd.s32 $0xFFFFF800  }
0x83: {  	[tilespmem:s20], [sflag:$0x1] =	stream.indirect.gather [hbm4b:s5+s23], $0x80, s22, s23, $0xb8;
	[tilespmem:$0x1BC00] =	vst v63  }
0x84: {  	_ = 	snop  }
0x85: {  	[tilespmem:s25], [sflag:$0x2] =	stream.indirect.gather [hbm4b:s5+s23], $0x80, s24, s23, $0xb8;
	[tilespmem:$0x1BC00] =	vst v63  }
0x86: {  	_ =	swait.ge [sflag:s26], $0x3C00  }
0x87: {  	[sflag:s26] =	ssyncset.done $0x0  }
0x88: {  	[sflag:s26] =	ssyncadd.s32 $0xFFFFC400  }
0x89: {  	[spmem:s3] =	stream.indirect.scatter.add.f32 [tilespmem:s20], [sflag:$0x3], $0x80, s28, s23, $0xb8;
	[tilespmem:$0x1BC00] =	vst v63  }
0x8a: {  	_ =	swait.ge [sflag:s21], $0x3C00  }
0x8b: {  	[sflag:s21] =	ssyncset.done $0x0  }
0x8c: {  	[sflag:s21] =	ssyncadd.s32 $0xFFFFC400  }
0x8d: {  	[tilespmem:s20], [sflag:$0x1] =	stream.indirect.gather [hbm4b:s5+s23], $0x80, s29, s23, $0xb8;
	[tilespmem:$0x1BC00] =	vst v63  }
0x8e: {  	_ =	swait.ge [sflag:s30], $0x3C00  }
0x8f: {  	[sflag:s30] =	ssyncset.done $0x0  }
0x90: {  	[sflag:s30] =	ssyncadd.s32 $0xFFFFC400  }
0x91: {  	[spmem:s3] =	stream.indirect.scatter.add.f32 [tilespmem:s25], [sflag:$0x3], $0x80, s31, s23, $0xb8;
	[tilespmem:$0x1BC00] =	vst v63  }
0x92: {  	_ =	swait.ge [sflag:s21], $0x3C00  }
0x93: {  	[sflag:s21] =	ssyncset.done $0x0  }
0x94: {  	[sflag:s21] =	ssyncadd.s32 $0xFFFFC400  }
0x95: {  	[tilespmem:s25], [sflag:$0x2] =	stream.indirect.gather [hbm4b:s5+s23], $0x80, s0, s23, $0xb8;
	[tilespmem:$0x1BC00] =	vst v63  }
0x96: {  	_ =	swait.ge [sflag:s26], $0x3C00  }
0x97: {  	[sflag:s26] =	ssyncset.done $0x0  }
0x98: {  	[sflag:s26] =	ssyncadd.s32 $0xFFFFC400  }
0x99: {  	[spmem:s3] =	stream.indirect.scatter.add.f32 [tilespmem:s20], [sflag:$0x3], $0x80, s2, s23, $0xb8;
	[tilespmem:$0x1BC00] =	vst v63  }
0x9a: {  	_ =	swait.ge [sflag:s21], $0x3C00  }
0x9b: {  	[sflag:s21] =	ssyncset.done $0x0  }
0x9c: {  	[sflag:s21] =	ssyncadd.s32 $0xFFFFC400  }
0x9d: {  	[tilespmem:s20], [sflag:$0x1] =	stream.indirect.gather [hbm4b:s5+s23], $0x80, s1, s23, $0xb8;
	[tilespmem:$0x1BC00] =	vst v63  }
0x9e: {  	_ =	swait.ge [sflag:s30], $0x3C00  }
0x9f: {  	[sflag:s30] =	ssyncset.done $0x0  }
0xa0: {  	[sflag:s30] =	ssyncadd.s32 $0xFFFFC400  }
0xa1: {  	[spmem:s3] =	stream.indirect.scatter.add.f32 [tilespmem:s25], [sflag:$0x3], $0x80, s12, s23, $0xb8;
	[tilespmem:$0x1BC00] =	vst v63  }
0xa2: {  	_ =	swait.ge [sflag:s21], $0x3C00  }
0xa3: {  	[sflag:s21] =	ssyncset.done $0x0  }
0xa4: {  	[sflag:s21] =	ssyncadd.s32 $0xFFFFC400  }
0xa5: {  	[tilespmem:s25], [sflag:$0x2] =	stream.indirect.gather [hbm4b:s5+s23], $0x80, s13, s23, $0xb8;
	[tilespmem:$0x1BC00] =	vst v63  }
0xa6: {  	_ =	swait.ge [sflag:s26], $0x3C00  }
0xa7: {  	[sflag:s26] =	ssyncset.done $0x0  }
0xa8: {  	[sflag:s26] =	ssyncadd.s32 $0xFFFFC400  }
0xa9: {  	[spmem:s3] =	stream.indirect.scatter.add.f32 [tilespmem:s20], [sflag:$0x3], $0x80, s14, s23, $0xb8;
	[tilespmem:$0x1BC00] =	vst v63  }
0xaa: {  	_ =	swait.ge [sflag:s21], $0x3C00  }
0xab: {  	[sflag:s21] =	ssyncset.done $0x0  }
0xac: {  	[sflag:s21] =	ssyncadd.s32 $0xFFFFC400  }
0xad: {  	[tilespmem:s20], [sflag:$0x1] =	stream.indirect.gather [hbm4b:s5+s23], $0x80, s15, s23, $0xb8;
	[tilespmem:$0x1BC00] =	vst v63  }
0xae: {  	_ =	swait.ge [sflag:s30], $0x3C00  }
0xaf: {  	[sflag:s30] =	ssyncset.done $0x0  }
0xb0: {  	[sflag:s30] =	ssyncadd.s32 $0xFFFFC400  }
0xb1: {  	[spmem:s3] =	stream.indirect.scatter.add.f32 [tilespmem:s25], [sflag:$0x3], $0x80, s16, s23, $0xb8;
	[tilespmem:$0x1BC00] =	vst v63  }
0xb2: {  	_ =	swait.ge [sflag:s21], $0x3C00  }
0xb3: {  	[sflag:s21] =	ssyncset.done $0x0  }
0xb4: {  	[sflag:s21] =	ssyncadd.s32 $0xFFFFC400  }
0xb5: {  	[tilespmem:s25], [sflag:$0x2] =	stream.indirect.gather [hbm4b:s5+s23], $0x80, s17, s23, $0xb8;
	[tilespmem:$0x1BC00] =	vst v63  }
0xb6: {  	_ =	swait.ge [sflag:s26], $0x3C00  }
0xb7: {  	[sflag:s26] =	ssyncset.done $0x0  }
0xb8: {  	[sflag:s26] =	ssyncadd.s32 $0xFFFFC400  }
0xb9: {  	[spmem:s3] =	stream.indirect.scatter.add.f32 [tilespmem:s20], [sflag:$0x3], $0x80, s18, s23, $0xb8;
	[tilespmem:$0x1BC00] =	vst v63  }
0xba: {  	_ =	swait.ge [sflag:s21], $0x3C00  }
0xbb: {  	[sflag:s21] =	ssyncset.done $0x0  }
0xbc: {  	[sflag:s21] =	ssyncadd.s32 $0xFFFFC400  }
0xbd: {  	_ =	swait.ge [sflag:s30], $0x3C00  }
.Ltmp0:
0xbe: {  	[sflag:s30] =	ssyncset.done $0x0;
	(pc) =	sbr.rel @p0 .LBB2_2-.Ltmp0, $4  }
0xbf: {  	[sflag:s30] =	ssyncadd.s32 $0xFFFFC400  }
0xc0: {  	[spmem:s3] =	stream.indirect.scatter.add.f32 [tilespmem:s25], [sflag:$0x3], $0x80, s7, s23, $0xb8;
	[tilespmem:$0x1BC00] =	vst v63  }
0xc1: {  	_ =	swait.ge [sflag:s21], $0x3C00  }
0xc2: {  	s10 =	smov.u32 s11;
	[sflag:s21] =	ssyncset.done $0x0  }
0xc3: {  	s6 =	sadd.s32 s9, s19;
	[sflag:s21] =	ssyncadd.s32 $0xFFFFC400  }
0xc4: {  	[tilespmem:s22], [sflag:$0x3] =	stream.linear.gather [hbm4b:s6+s4], $0x800, $0x38;
	[tilespmem:$0x1BC00] =	vst v63  }
0xc5: {  	_ =	swait.ge [sflag:s21], $0x800  }
0xc6: {  	[sflag:s21] =	ssyncset.done $0x0  }
0xc7: {  	[sflag:s21] =	ssyncadd.s32 $0xFFFFF800  }
0xc8: {  	[tilespmem:s20], [sflag:$0x1] =	stream.indirect.gather [hbm4b:s5+s23], $0x80, s22, s23, $0xb8;
	[tilespmem:$0x1BC00] =	vst v63  }
0xc9: {  	_ = 	snop  }
0xca: {  	[tilespmem:s25], [sflag:$0x2] =	stream.indirect.gather [hbm4b:s5+s23], $0x80, s24, s23, $0xb8;
	[tilespmem:$0x1BC00] =	vst v63  }
0xcb: {  	_ =	swait.ge [sflag:s26], $0x3C00  }
0xcc: {  	[sflag:s26] =	ssyncset.done $0x0  }
0xcd: {  	[sflag:s26] =	ssyncadd.s32 $0xFFFFC400  }
0xce: {  	[spmem:s3] =	stream.indirect.scatter.add.f32 [tilespmem:s20], [sflag:$0x3], $0x80, s28, s23, $0xb8;
	[tilespmem:$0x1BC00] =	vst v63  }
0xcf: {  	_ =	swait.ge [sflag:s21], $0x3C00  }
0xd0: {  	[sflag:s21] =	ssyncset.done $0x0  }
0xd1: {  	[sflag:s21] =	ssyncadd.s32 $0xFFFFC400  }
0xd2: {  	[tilespmem:s20], [sflag:$0x1] =	stream.indirect.gather [hbm4b:s5+s23], $0x80, s29, s23, $0xb8;
	[tilespmem:$0x1BC00] =	vst v63  }
0xd3: {  	_ =	swait.ge [sflag:s30], $0x3C00  }
0xd4: {  	[sflag:s30] =	ssyncset.done $0x0  }
0xd5: {  	[sflag:s30] =	ssyncadd.s32 $0xFFFFC400  }
0xd6: {  	[spmem:s3] =	stream.indirect.scatter.add.f32 [tilespmem:s25], [sflag:$0x3], $0x80, s31, s23, $0xb8;
	[tilespmem:$0x1BC00] =	vst v63  }
0xd7: {  	_ =	swait.ge [sflag:s21], $0x3C00  }
0xd8: {  	[sflag:s21] =	ssyncset.done $0x0  }
0xd9: {  	[sflag:s21] =	ssyncadd.s32 $0xFFFFC400  }
0xda: {  	[tilespmem:s25], [sflag:$0x2] =	stream.indirect.gather [hbm4b:s5+s23], $0x80, s0, s23, $0xb8;
	[tilespmem:$0x1BC00] =	vst v63  }
0xdb: {  	_ =	swait.ge [sflag:s26], $0x3C00  }
0xdc: {  	[sflag:s26] =	ssyncset.done $0x0  }
0xdd: {  	[sflag:s26] =	ssyncadd.s32 $0xFFFFC400  }
0xde: {  	[spmem:s3] =	stream.indirect.scatter.add.f32 [tilespmem:s20], [sflag:$0x3], $0x80, s2, s23, $0xb8;
	[tilespmem:$0x1BC00] =	vst v63  }
0xdf: {  	_ =	swait.ge [sflag:s21], $0x3C00  }
0xe0: {  	[sflag:s21] =	ssyncset.done $0x0  }
0xe1: {  	[sflag:s21] =	ssyncadd.s32 $0xFFFFC400  }
0xe2: {  	[tilespmem:s20], [sflag:$0x1] =	stream.indirect.gather [hbm4b:s5+s23], $0x80, s1, s23, $0xb8;
	[tilespmem:$0x1BC00] =	vst v63  }
0xe3: {  	_ =	swait.ge [sflag:s30], $0x3C00  }
0xe4: {  	[sflag:s30] =	ssyncset.done $0x0  }
0xe5: {  	[sflag:s30] =	ssyncadd.s32 $0xFFFFC400  }
0xe6: {  	[spmem:s3] =	stream.indirect.scatter.add.f32 [tilespmem:s25], [sflag:$0x3], $0x80, s12, s23, $0xb8;
	[tilespmem:$0x1BC00] =	vst v63  }
0xe7: {  	_ =	swait.ge [sflag:s21], $0x3C00  }
0xe8: {  	[sflag:s21] =	ssyncset.done $0x0  }
0xe9: {  	[sflag:s21] =	ssyncadd.s32 $0xFFFFC400  }
0xea: {  	[tilespmem:s25], [sflag:$0x2] =	stream.indirect.gather [hbm4b:s5+s23], $0x80, s13, s23, $0xb8;
	[tilespmem:$0x1BC00] =	vst v63  }
0xeb: {  	_ =	swait.ge [sflag:s26], $0x3C00  }
0xec: {  	[sflag:s26] =	ssyncset.done $0x0  }
0xed: {  	[sflag:s26] =	ssyncadd.s32 $0xFFFFC400  }
0xee: {  	[spmem:s3] =	stream.indirect.scatter.add.f32 [tilespmem:s20], [sflag:$0x3], $0x80, s14, s23, $0xb8;
	[tilespmem:$0x1BC00] =	vst v63  }
0xef: {  	_ =	swait.ge [sflag:s21], $0x3C00  }
0xf0: {  	[sflag:s21] =	ssyncset.done $0x0  }
0xf1: {  	[sflag:s21] =	ssyncadd.s32 $0xFFFFC400  }
0xf2: {  	[tilespmem:s20], [sflag:$0x1] =	stream.indirect.gather [hbm4b:s5+s23], $0x80, s15, s23, $0xb8;
	[tilespmem:$0x1BC00] =	vst v63  }
0xf3: {  	_ =	swait.ge [sflag:s30], $0x3C00  }
0xf4: {  	[sflag:s30] =	ssyncset.done $0x0  }
0xf5: {  	[sflag:s30] =	ssyncadd.s32 $0xFFFFC400  }
0xf6: {  	[spmem:s3] =	stream.indirect.scatter.add.f32 [tilespmem:s25], [sflag:$0x3], $0x80, s16, s23, $0xb8;
	[tilespmem:$0x1BC00] =	vst v63  }
0xf7: {  	_ =	swait.ge [sflag:s21], $0x3C00  }
0xf8: {  	[sflag:s21] =	ssyncset.done $0x0  }
0xf9: {  	[sflag:s21] =	ssyncadd.s32 $0xFFFFC400  }
0xfa: {  	[tilespmem:s25], [sflag:$0x2] =	stream.indirect.gather [hbm4b:s5+s23], $0x80, s17, s23, $0xb8;
	[tilespmem:$0x1BC00] =	vst v63  }
0xfb: {  	_ =	swait.ge [sflag:s26], $0x3C00  }
0xfc: {  	[sflag:s26] =	ssyncset.done $0x0  }
0xfd: {  	[sflag:s26] =	ssyncadd.s32 $0xFFFFC400  }
0xfe: {  	[spmem:s3] =	stream.indirect.scatter.add.f32 [tilespmem:s20], [sflag:$0x3], $0x80, s18, s23, $0xb8;
	[tilespmem:$0x1BC00] =	vst v63  }
0xff: {  	_ =	swait.ge [sflag:s21], $0x3C00  }
0x100: {  	[sflag:s21] =	ssyncset.done $0x0  }
0x101: {  	[sflag:s21] =	ssyncadd.s32 $0xFFFFC400  }
0x102: {  	_ =	swait.ge [sflag:s30], $0x3C00  }
0x103: {  	[sflag:s30] =	ssyncset.done $0x0  }
0x104: {  	[sflag:s30] =	ssyncadd.s32 $0xFFFFC400  }
0x105: {  	[spmem:s3] =	stream.indirect.scatter.add.f32 [tilespmem:s25], [sflag:$0x3], $0x80, s7, s23, $0xb8;
	[tilespmem:$0x1BC00] =	vst v63  }
0x106: {  	_ =	swait.ge [sflag:s21], $0x3C00  }
0x107: {  	[sflag:s21] =	ssyncset.done $0x0  }
0x108: {  	[sflag:s21] =	ssyncadd.s32 $0xFFFFC400  }
0x109: {  	[bflag:$0x0] =	sbarrier.arrive $0xFFFF  }
0x10a: {  	s11 =	rddreg [dreg:$0x4]  }
0x10b: {  	[tilespmem:s20], [sflag:$0x3] =	stream.linear.gather [spmem:s11], $0x3C00, $0x38;
	[tilespmem:$0x1BC00] =	vst v63  }
0x10c: {  	_ =	swait.ge [sflag:s21], $0x3C00  }
0x10d: {  	[sflag:s21] =	ssyncset.done $0x0  }
0x10e: {  	s8 =	rddreg [dreg:$0xa];
	[sflag:s21] =	ssyncadd.s32 $0xFFFFC400  }
0x10f: {  	[hbm4b:s8+s4] =	stream.linear.scatter [tilespmem:s20], [sflag:$0x3], $0x3C00, $0x38;
	[tilespmem:$0x1BC00] =	vst v63  }
0x110: {  	_ =	swait.ge [sflag:s21], $0x3C00  }
0x111: {  	[sflag:s21] =	ssyncset.done $0x0  }
0x112: {  	s9 =	rddreg [dreg:$0x5];
	[sflag:s21] =	ssyncadd.s32 $0xFFFFC400  }
0x113: {  	[tilespmem:s20], [sflag:$0x3] =	stream.linear.gather [spmem:s9], $0x3C00, $0x38;
	[tilespmem:$0x1BC00] =	vst v63  }
0x114: {  	_ =	swait.ge [sflag:s21], $0x3C00  }
0x115: {  	[sflag:s21] =	ssyncset.done $0x0  }
0x116: {  	s10 =	rddreg [dreg:$0xb];
	[sflag:s21] =	ssyncadd.s32 $0xFFFFC400  }
0x117: {  	[hbm4b:s10+s4] =	stream.linear.scatter [tilespmem:s20], [sflag:$0x3], $0x3C00, $0x38;
	[tilespmem:$0x1BC00] =	vst v63  }
0x118: {  	_ =	swait.ge [sflag:s21], $0x3C00  }
0x119: {  	[sflag:s21] =	ssyncset.done $0x0  }
0x11a: {  	s9 =	rddreg [dreg:$0x6];
	[sflag:s21] =	ssyncadd.s32 $0xFFFFC400  }
0x11b: {  	[tilespmem:s20], [sflag:$0x3] =	stream.linear.gather [spmem:s9], $0x3C00, $0x38;
	[tilespmem:$0x1BC00] =	vst v63  }
0x11c: {  	_ =	swait.ge [sflag:s21], $0x3C00  }
0x11d: {  	[sflag:s21] =	ssyncset.done $0x0  }
0x11e: {  	s11 =	rddreg [dreg:$0xc];
	[sflag:s21] =	ssyncadd.s32 $0xFFFFC400  }
0x11f: {  	[hbm4b:s11+s4] =	stream.linear.scatter [tilespmem:s20], [sflag:$0x3], $0x3C00, $0x38;
	[tilespmem:$0x1BC00] =	vst v63  }
0x120: {  	_ =	swait.ge [sflag:s21], $0x3C00  }
0x121: {  	[sflag:s21] =	ssyncset.done $0x0  }
0x122: {  	s8 =	rddreg [dreg:$0x7];
	[sflag:s21] =	ssyncadd.s32 $0xFFFFC400  }
0x123: {  	[tilespmem:s20], [sflag:$0x3] =	stream.linear.gather [spmem:s8], $0x3C00, $0x38;
	[tilespmem:$0x1BC00] =	vst v63  }
0x124: {  	_ =	swait.ge [sflag:s21], $0x3C00  }
0x125: {  	[sflag:s21] =	ssyncset.done $0x0  }
0x126: {  	s10 =	rddreg [dreg:$0xd];
	[sflag:s21] =	ssyncadd.s32 $0xFFFFC400  }
0x127: {  	[hbm4b:s10+s4] =	stream.linear.scatter [tilespmem:s20], [sflag:$0x3], $0x3C00, $0x38;
	[tilespmem:$0x1BC00] =	vst v63  }
0x128: {  	_ =	swait.ge [sflag:s21], $0x3C00  }
0x129: {  	[sflag:s21] =	ssyncset.done $0x0  }
0x12a: {  	s10 =	rddreg [dreg:$0x8];
	[sflag:s21] =	ssyncadd.s32 $0xFFFFC400  }
0x12b: {  	[tilespmem:s20], [sflag:$0x3] =	stream.linear.gather [spmem:s10], $0x3C00, $0x38;
	[tilespmem:$0x1BC00] =	vst v63  }
0x12c: {  	_ =	swait.ge [sflag:s21], $0x3C00  }
0x12d: {  	[sflag:s21] =	ssyncset.done $0x0  }
0x12e: {  	s11 =	rddreg [dreg:$0xe];
	[sflag:s21] =	ssyncadd.s32 $0xFFFFC400  }
0x12f: {  	[hbm4b:s11+s4] =	stream.linear.scatter [tilespmem:s20], [sflag:$0x3], $0x3C00, $0x38;
	[tilespmem:$0x1BC00] =	vst v63  }
0x130: {  	_ =	swait.ge [sflag:s21], $0x3C00  }
0x131: {  	[sflag:s21] =	ssyncset.done $0x0  }
0x132: {  	s11 =	rddreg [dreg:$0x9];
	[sflag:s21] =	ssyncadd.s32 $0xFFFFC400  }
0x133: {  	[tilespmem:s20], [sflag:$0x3] =	stream.linear.gather [spmem:s11], $0x1000, $0x38;
	[tilespmem:$0x1BC00] =	vst v63  }
0x134: {  	_ =	swait.ge [sflag:s21], $0x1000  }
0x135: {  	[sflag:s21] =	ssyncset.done $0x0  }
0x136: {  	s8 =	rddreg [dreg:$0xf];
	[sflag:s21] =	ssyncadd.s32 $0xFFFFF000  }
0x137: {  	[hbm4b:s8+s4] =	stream.linear.scatter [tilespmem:s20], [sflag:$0x3], $0x1000, $0x38;
	[tilespmem:$0x1BC00] =	vst v63  }
0x138: {  	_ =	swait.ge [sflag:s21], $0x1000  }
0x139: {  	s8 =	rddreg [dreg:$0x11]  }
0x13a: {  	s6 =	rddreg [dreg:$0x10];
	s8 =	sadd.s32 $0x1, s8  }
0x13b: {  	p0 =	sne.s32 s8, s6  }
.Ltmp1:
0x13c: {  	_ = 	snop;
	(pc) =	sbr.rel @p0 .LBB2_1-.Ltmp1, $3  }
0x13d: {  	_ =	sdelay $0x1  }
0x13e: {  	[sflag:s21] =	ssyncset.done $0x0;
	[dreg:$0x11] =	wrdreg s8  }
0x13f: {  	[sflag:s21] =	ssyncadd.s32 $0xFFFFF000;
	s8 =	rddreg [dreg:$0x5]  }
0x140: {  	_ =	sfence.sel $0x180000  }
0x141: {  	[bflag:$0x0] =	sbarrier.arrive $0xFFFF  }
0x142: {  	_ =	strace $0x9000004A  }
0x143: {  	s0 =	stileid.u32;
	[bflag:$0x2] =	sbarrier.arrive $0xFFFF  }
0x144: {  	p0 =	sne.s32 s0, $0x0;
	s0 =	rddreg [dreg:$0x3]  }
0x145: {  	s0 =	sadd.s32 @!p0 $0x100000, s0  }
0x146: {  	[sflag:s0] =	ssyncadd.tile.s32 @!p0 $0x1;
	_ =	shalt  }
.Lfunc_end2:
_tile_overlayer_lowered:
.L_overlay_start_2:
0x147: {  	(tag) =	ssettag $0x2  }
0x148: {  	s0 =	rddreg [dreg:$0x0];
	s2 =	stileid.u32  }
0x149: {  	s1 =	rddreg [dreg:$0x1];
	p0 =	sne.s32 s2, $0x0  }
0x14a: {  	s3 =	rddreg [dreg:$0x2];
	[bflag:$0x3] =	sbarrier.arrive $0xFFFF;
	s2 =	simm.s32 @!p0 $0x1C03  }
0x14b: {  	[timem:s3], [sflag:s2] =	dma.local @!p0 [hbm:s0], s1  }
0x14c: {  	s0 =	simm.s32 @!p0 $0x3  }
0x14d: {  	_ =	swait.ge @!p0 [sflag:s0], s1  }
0x14e: {  	s1 =	ssub.s32 @!p0 $0x0, s1;
	[sflag:s0] =	ssyncset.done @!p0 $0x0  }
0x14f: {  	[sflag:s0] =	ssyncadd.s32 @!p0 s1  }
0x150: {  	[bflag:$0x3] =	sbarrier.arrive $0xFFFF  }
0x151: {  	_ =	shalt  }

</sc_bundles>
